<compile_context>
chip_gen: v7x
topology: tpu7x:2x2x1
jax: 0.10.2.dev20260603
libtpu: 0.0.44.dev20260713+nightly
codegen_flags: <defaults>
</compile_context>

<pallas_src>
import dataclasses
import functools

import jax
import jax.numpy as jnp
from jax import lax
from jax.experimental import pallas as pl
from jax.experimental.pallas import tpu as pltpu
from jax.experimental.pallas import tpu_sc as plsc

N = 10000
D = 128
NC = 2
NS = 16
NW = NC * NS
BLK = 128
NBLK = 80
HB = NBLK // 2
EPW = BLK * NBLK
EPAD = NW * EPW
NP = 10240
RPS = NP // NS
DEG_W = 16
MB = NP // 8
MBN = N // 5

_mesh = plsc.VectorSubcoreMesh(core_axis_name="c", subcore_axis_name="s")


@functools.partial(
    pl.kernel,
    out_type=jax.ShapeDtypeStruct((NC, NP, DEG_W), jnp.float32),
    mesh=_mesh,
    scratch_types=[
        pltpu.VMEM_SHARED((NS, NP), jnp.float32),
        pltpu.VMEM((NP,), jnp.float32),
        pltpu.VMEM((EPW,), jnp.int32),
        pltpu.VMEM((NS, RPS), jnp.float32),
        pltpu.VMEM((RPS,), jnp.float32),
        pltpu.VMEM((RPS, DEG_W), jnp.float32),
    ],
    compiler_params=dataclasses.replace(pltpu.CompilerParams(),
                                        needs_layout_passes=False),
)
def _deg_kernel(dst_hbm, out_hbm, stage_sh, hist, idx_v, red, redout, rep):
    c = lax.axis_index("c")
    s = lax.axis_index("s")
    wid = s * NC + c

    @pl.loop(0, NP // 16)
    def _(i):
        hist[pl.ds(i * 16, 16)] = jnp.zeros((16,), jnp.float32)

    pltpu.sync_copy(dst_hbm.at[pl.ds(wid * EPW, EPW)], idx_v)
    ones = jnp.ones((16,), jnp.float32)

    @pl.loop(0, NBLK)
    def _(j):
        for kk in range(BLK // 16):
            v = idx_v[pl.ds(j * BLK + kk * 16, 16)]
            plsc.addupdate_scatter(hist, [v], ones)

    pltpu.sync_copy(hist, stage_sh.at[s])
    plsc.subcore_barrier()

    for r in range(NS):
        pltpu.sync_copy(stage_sh.at[r, pl.ds(s * RPS, RPS)], red.at[r])

    @pl.loop(0, RPS // 16)
    def _(t):
        tot = red[0, pl.ds(t * 16, 16)]
        for r in range(1, NS):
            tot = tot + red[r, pl.ds(t * 16, 16)]
        redout[pl.ds(t * 16, 16)] = tot

    @pl.loop(0, RPS)
    def _(j):
        rep[j, :] = plsc.load_gather(redout, [jnp.full((16,), j, jnp.int32)])

    pltpu.sync_copy(rep, out_hbm.at[c, pl.ds(s * RPS, RPS)])


@functools.partial(
    pl.kernel,
    out_type=jax.ShapeDtypeStruct((NC, NP, D), jnp.float32),
    mesh=_mesh,
    scratch_types=[
        pltpu.VMEM_SHARED((NP, D), jnp.float32),
        pltpu.VMEM((HB, BLK), jnp.int32),
        pltpu.VMEM((HB, BLK), jnp.int32),
        pltpu.VMEM((BLK, D), jnp.float32),
        pltpu.VMEM((BLK, D), jnp.float32),
        pltpu.SemaphoreType.DMA,
        pltpu.SemaphoreType.DMA,
    ],
)
def _scatter_kernel(src_hbm, dst_hbm, table_hbm, zeros_hbm, out_hbm,
                    acc_sh, src_v, dst_v, rows0, rows1, sem0, sem1):
    c = lax.axis_index("c")
    s = lax.axis_index("s")
    wid = s * NC + c
    pltpu.sync_copy(zeros_hbm, rows0)

    @pl.loop(0, RPS // BLK)
    def _(k):
        pltpu.sync_copy(rows0, acc_sh.at[pl.ds(s * RPS + k * BLK, BLK)])

    plsc.subcore_barrier()

    def gather(j, buf, sem):
        pltpu.make_async_copy(table_hbm.at[src_v.at[j]], buf, sem).start()

    def gwait(buf, sem):
        pltpu.make_async_copy(table_hbm.at[src_v.at[0]], buf, sem).wait()

    @pl.loop(0, 2)
    def _(h):
        base = wid * NBLK + h * HB
        pltpu.sync_copy(src_hbm.at[pl.ds(base, HB)], src_v)
        pltpu.sync_copy(dst_hbm.at[pl.ds(base, HB)], dst_v)

        gather(0, rows0, sem0)
        gather(1, rows1, sem1)

        @pl.loop(0, HB - 2, step=2)
        def _(j):
            gwait(rows0, sem0)
            pltpu.sync_copy(rows0, acc_sh.at[dst_v.at[j]], add=True)
            gather(j + 2, rows0, sem0)
            gwait(rows1, sem1)
            pltpu.sync_copy(rows1, acc_sh.at[dst_v.at[j + 1]], add=True)
            gather(j + 3, rows1, sem1)

        gwait(rows0, sem0)
        pltpu.sync_copy(rows0, acc_sh.at[dst_v.at[HB - 2]], add=True)
        gwait(rows1, sem1)
        pltpu.sync_copy(rows1, acc_sh.at[dst_v.at[HB - 1]], add=True)

    plsc.subcore_barrier()

    @pl.loop(0, RPS // BLK)
    def _(k):
        pltpu.sync_copy(acc_sh.at[pl.ds(s * RPS + k * BLK, BLK)], rows0)
        pltpu.sync_copy(rows0, out_hbm.at[c, pl.ds(s * RPS + k * BLK, BLK)])


def _mm_scale_body(x_ref, w_ref, deg_ref, o_ref):
    xw = jnp.dot(x_ref[...], w_ref[...], preferred_element_type=jnp.float32)
    deg = deg_ref[0, :, 0] + deg_ref[1, :, 0] + 1.0
    dis = lax.rsqrt(deg)
    o_ref[...] = xw * dis[:, None]


def _final_body(acc_ref, xw2_ref, deg_ref, b1_ref, w2_ref, b2_ref, o_ref):
    deg = deg_ref[0, :, 0] + deg_ref[1, :, 0] + 1.0
    dis = lax.rsqrt(deg)
    t = (acc_ref[0] + acc_ref[1] + xw2_ref[...]) * dis[:, None] + b1_ref[...]
    h = jnp.maximum(t, 0.0)
    o_ref[...] = jnp.dot(h, w2_ref[...],
                         preferred_element_type=jnp.float32) + b2_ref[...]


def kernel(x, edge_index, W1, b1, W2, b2):
    E = edge_index.shape[1]
    n_pad = EPAD - E
    pad_idx = N + (jnp.arange(n_pad, dtype=jnp.int32) % (NP - N))
    src = jnp.concatenate([edge_index[0], pad_idx]).reshape(NW * NBLK, BLK)
    dstf = jnp.concatenate([edge_index[1], pad_idx])
    dst = dstf.reshape(NW * NBLK, BLK)

    zeros128 = jnp.zeros((BLK, D), jnp.float32)
    b1r = b1.reshape(1, D)
    b2r = b2.reshape(1, D)

    degs = _deg_kernel(dstf)
    xw2 = pl.pallas_call(
        _mm_scale_body,
        grid=(N // MBN,),
        in_specs=[pl.BlockSpec((MBN, D), lambda i: (i, 0)),
                  pl.BlockSpec((D, D), lambda i: (0, 0)),
                  pl.BlockSpec((NC, MBN, DEG_W), lambda i: (0, i, 0))],
        out_specs=pl.BlockSpec((MBN, D), lambda i: (i, 0)),
        out_shape=jax.ShapeDtypeStruct((NP, D), jnp.float32),
    )(x, W1, degs)

    accs = _scatter_kernel(src, dst, xw2, zeros128)

    out = pl.pallas_call(
        _final_body,
        grid=(N // MBN,),
        in_specs=[pl.BlockSpec((NC, MBN, D), lambda i: (0, i, 0)),
                  pl.BlockSpec((MBN, D), lambda i: (i, 0)),
                  pl.BlockSpec((NC, MBN, DEG_W), lambda i: (0, i, 0)),
                  pl.BlockSpec((1, D), lambda i: (0, 0)),
                  pl.BlockSpec((D, D), lambda i: (0, 0)),
                  pl.BlockSpec((1, D), lambda i: (0, 0))],
        out_specs=pl.BlockSpec((MBN, D), lambda i: (i, 0)),
        out_shape=jax.ShapeDtypeStruct((N, D), jnp.float32),
    )(accs, xw2, degs, b1r, W2, b2r)

    return out

# --- scband reference (transcript-rebuilt; emitter-appended) ---
"""Pipeline reference for scband-encoder-9998683865329 (READ-ONLY COPY).

The authoritative reference and input builder live on the scoring server;
editing this copy changes nothing except your own understanding.
"""

import jax
import jax.numpy as jnp
import numpy as np

N = 10000
E = 320000
D_IN = 128
D_H = 128
D_OUT = 128


def setup_inputs(seed: int = 0) -> dict:
    key = jax.random.key(seed)
    k1, k2, k3, k4, k5 = jax.random.split(key, 5)
    x = jax.random.normal(k1, (N, D_IN), dtype=jnp.float32)
    edge_index = jax.random.randint(k2, (2, E), 0, N, dtype=jnp.int32)
    W1 = jax.random.normal(k3, (D_IN, D_H), dtype=jnp.float32) * (1.0 / np.sqrt(D_IN))
    b1 = jnp.zeros((D_H,), dtype=jnp.float32)
    W2 = jax.random.normal(k4, (D_H, D_OUT), dtype=jnp.float32) * (1.0 / np.sqrt(D_H))
    b2 = jnp.zeros((D_OUT,), dtype=jnp.float32)
    return {"x": x, "edge_index": edge_index, "W1": W1, "b1": b1, "W2": W2, "b2": b2}


def reference(x, edge_index, W1, b1, W2, b2):
    # GCNConv (PyG semantics): out = D^{-1/2} (A + I) D^{-1/2} X W + b
    src = edge_index[0]
    dst = edge_index[1]
    loop = jnp.arange(N, dtype=src.dtype)
    src = jnp.concatenate([src, loop], axis=0)
    dst = jnp.concatenate([dst, loop], axis=0)
    # linear transform first (in_dim -> hidden_dim)
    xw = x @ W1
    # symmetric degree normalization with self-loops
    deg = jax.ops.segment_sum(jnp.ones(src.shape[0], dtype=jnp.float32), dst, num_segments=N)
    deg_inv_sqrt = 1.0 / jnp.sqrt(deg)
    norm = deg_inv_sqrt[src] * deg_inv_sqrt[dst]
    # gather messages from source nodes, scale, scatter-add to destination
    msgs = xw[src] * norm[:, None]
    h = jax.ops.segment_sum(msgs, dst, num_segments=N) + b1
    # Encoder: relu then final Linear
    h = jax.nn.relu(h)
    out = h @ W2 + b2
    return out

if __name__ == "__main__":
    import jax
    _d = setup_inputs()
    print(jax.jit(kernel)(*tuple(_d.values())))

</pallas_src>

<mosaic_0001>
#map = affine_map<(d0, d1) -> (0)>
#map1 = affine_map<(d0, d1) -> (0, 0, 0)>
module attributes {stable_mosaic.version = 14 : i64} {
  func.func @_deg_kernel(%arg0: i32, %arg1: i32, %arg2: memref<327680xi32, #tpu.memory_space<hbm>>, %arg3: memref<2x10240x16xf32, #tpu.memory_space<hbm>>, %arg4: memref<16x10240xf32, #tpu.memory_space<vmem_shared>>, %arg5: memref<10240xf32, #tpu.memory_space<vmem>>, %arg6: memref<10240xi32, #tpu.memory_space<vmem>>, %arg7: memref<16x640xf32, #tpu.memory_space<vmem>>, %arg8: memref<640xf32, #tpu.memory_space<vmem>>, %arg9: memref<640x16xf32, #tpu.memory_space<vmem>>) attributes {dimension_semantics = [#tpu.dimension_semantics<core_parallel>, #tpu.dimension_semantics<subcore_parallel>], iteration_bounds = array<i64: 2, 16>, scalar_prefetch = 0 : i64, scratch_operands = 6 : i64, tpu.core_type = #tpu.core_type<sc_vector_subcore>, window_params = [{transform_indices = #map}, {transform_indices = #map1}]} {
    %mul3A = arith.constant 2 : i32
    %mul3A_0 = arith.muli %arg1, %mul3A : i32
    %add3A = arith.addi %mul3A_0, %arg0 : i32
    %scan3A = arith.constant 0 : i32
    %scan3A_1 = arith.constant 640 : i32
    %scan3A_2 = arith.addi %scan3A, %scan3A_1 : i32
    %scan3A_3 = arith.constant 1 : i32
    scf.for %scan3A_88 = %scan3A to %scan3A_2 step %scan3A_3  : i32 {
      %mul3A_89 = arith.constant 1 : i32
      %mul3A_90 = arith.muli %scan3A_88, %mul3A_89 : i32
      %add3A_91 = arith.constant 0 : i32
      %add3A_92 = arith.addi %add3A_91, %mul3A_90 : i32
      %broadcast_in_dim3A_93 = arith.constant 0.000000e+00 : f32
      %broadcast_in_dim3A_94 = vector.broadcast %broadcast_in_dim3A_93 : f32 to vector<16xf32>
      %mul3A_95 = arith.constant 16 : i32
      %mul3A_96 = arith.muli %add3A_92, %mul3A_95 : i32
      %swap3A = arith.index_cast %mul3A_96 : i32 to index
      %swap3A_97 = tpu.vector_load %arg5[%swap3A] {strides = array<i32>} : memref<10240xf32, #tpu.memory_space<vmem>>, vector<16xf32>,
      tpu.vector_store %arg5[%swap3A], %broadcast_in_dim3A_94 {strides = array<i32>} : memref<10240xf32, #tpu.memory_space<vmem>>, vector<16xf32>,
    }
    %scan3A_4 = arith.constant 640 : i32
    %mul3A_5 = arith.constant 10240 : i32
    %mul3A_6 = arith.muli %add3A, %mul3A_5 : i32
    "tpu.region"() ({
      %run_scoped3A_88 = tpu.sem_alloc : memref<!tpu.dma_semaphore, #tpu.memory_space<semaphore_mem>>
      %dma_start3A = tpu.memref_slice %arg2[%mul3A_6] : memref<327680xi32, #tpu.memory_space<hbm>> -> memref<10240xi32, #tpu.memory_space<hbm>>
      %dma_start3A_89 = tpu.memref_slice %arg2[%mul3A_6] : memref<327680xi32, #tpu.memory_space<hbm>> -> memref<10240xi32, #tpu.memory_space<hbm>>
      tpu.enqueue_dma source(%dma_start3A_89 : memref<10240xi32, #tpu.memory_space<hbm>>) target(%arg6 : memref<10240xi32, #tpu.memory_space<vmem>>) target_semaphore(%run_scoped3A_88 : memref<!tpu.dma_semaphore, #tpu.memory_space<semaphore_mem>>)
      %dma_wait3A = tpu.memref_slice %arg2[%mul3A_6] : memref<327680xi32, #tpu.memory_space<hbm>> -> memref<10240xi32, #tpu.memory_space<hbm>>
      %dma_wait3A_90 = tpu.memref_slice %arg2[%mul3A_6] : memref<327680xi32, #tpu.memory_space<hbm>> -> memref<10240xi32, #tpu.memory_space<hbm>>
      tpu.wait_dma2 semaphore(%run_scoped3A_88 : memref<!tpu.dma_semaphore, #tpu.memory_space<semaphore_mem>>) src(%dma_wait3A_90 : memref<10240xi32, #tpu.memory_space<hbm>>) dst(%arg6 : memref<10240xi32, #tpu.memory_space<vmem>>)
      tpu.yield
    }) : () -> ()
    %broadcast_in_dim3A = arith.constant 1.000000e+00 : f32
    %broadcast_in_dim3A_7 = vector.broadcast %broadcast_in_dim3A : f32 to vector<16xf32>
    %scan3A_8 = arith.constant 0 : i32
    %scan3A_9 = arith.constant 80 : i32
    %scan3A_10 = arith.addi %scan3A_8, %scan3A_9 : i32
    %scan3A_11 = arith.constant 1 : i32
    scf.for %scan3A_88 = %scan3A_8 to %scan3A_10 step %scan3A_11  : i32 {
      %mul3A_89 = arith.constant 1 : i32
      %mul3A_90 = arith.muli %scan3A_88, %mul3A_89 : i32
      %add3A_91 = arith.constant 0 : i32
      %add3A_92 = arith.addi %add3A_91, %mul3A_90 : i32
      %mul3A_93 = arith.constant 128 : i32
      %mul3A_94 = arith.muli %add3A_92, %mul3A_93 : i32
      %add3A_95 = arith.constant 0 : i32
      %add3A_96 = arith.addi %mul3A_94, %add3A_95 : i32
      %get3A = arith.index_cast %add3A_96 : i32 to index
      %get3A_97 = tpu.vector_load %arg6[%get3A] {strides = array<i32>} : memref<10240xi32, #tpu.memory_space<vmem>>, vector<16xi32>,
      tpu.vector_store_idx %arg5[%get3A_97], %broadcast_in_dim3A_7 {add = true} : memref<10240xf32, #tpu.memory_space<vmem>>[vector<16xi32>], vector<16xf32>,
      %mul3A_98 = arith.constant 128 : i32
      %mul3A_99 = arith.muli %add3A_92, %mul3A_98 : i32
      %add3A_100 = arith.constant 16 : i32
      %add3A_101 = arith.addi %mul3A_99, %add3A_100 : i32
      %get3A_102 = arith.index_cast %add3A_101 : i32 to index
      %get3A_103 = tpu.vector_load %arg6[%get3A_102] {strides = array<i32>} : memref<10240xi32, #tpu.memory_space<vmem>>, vector<16xi32>,
      tpu.vector_store_idx %arg5[%get3A_103], %broadcast_in_dim3A_7 {add = true} : memref<10240xf32, #tpu.memory_space<vmem>>[vector<16xi32>], vector<16xf32>,
      %mul3A_104 = arith.constant 128 : i32
      %mul3A_105 = arith.muli %add3A_92, %mul3A_104 : i32
      %add3A_106 = arith.constant 32 : i32
      %add3A_107 = arith.addi %mul3A_105, %add3A_106 : i32
      %get3A_108 = arith.index_cast %add3A_107 : i32 to index
      %get3A_109 = tpu.vector_load %arg6[%get3A_108] {strides = array<i32>} : memref<10240xi32, #tpu.memory_space<vmem>>, vector<16xi32>,
      tpu.vector_store_idx %arg5[%get3A_109], %broadcast_in_dim3A_7 {add = true} : memref<10240xf32, #tpu.memory_space<vmem>>[vector<16xi32>], vector<16xf32>,
      %mul3A_110 = arith.constant 128 : i32
      %mul3A_111 = arith.muli %add3A_92, %mul3A_110 : i32
      %add3A_112 = arith.constant 48 : i32
      %add3A_113 = arith.addi %mul3A_111, %add3A_112 : i32
      %get3A_114 = arith.index_cast %add3A_113 : i32 to index
      %get3A_115 = tpu.vector_load %arg6[%get3A_114] {strides = array<i32>} : memref<10240xi32, #tpu.memory_space<vmem>>, vector<16xi32>,
      tpu.vector_store_idx %arg5[%get3A_115], %broadcast_in_dim3A_7 {add = true} : memref<10240xf32, #tpu.memory_space<vmem>>[vector<16xi32>], vector<16xf32>,
      %mul3A_116 = arith.constant 128 : i32
      %mul3A_117 = arith.muli %add3A_92, %mul3A_116 : i32
      %add3A_118 = arith.constant 64 : i32
      %add3A_119 = arith.addi %mul3A_117, %add3A_118 : i32
      %get3A_120 = arith.index_cast %add3A_119 : i32 to index
      %get3A_121 = tpu.vector_load %arg6[%get3A_120] {strides = array<i32>} : memref<10240xi32, #tpu.memory_space<vmem>>, vector<16xi32>,
      tpu.vector_store_idx %arg5[%get3A_121], %broadcast_in_dim3A_7 {add = true} : memref<10240xf32, #tpu.memory_space<vmem>>[vector<16xi32>], vector<16xf32>,
      %mul3A_122 = arith.constant 128 : i32
      %mul3A_123 = arith.muli %add3A_92, %mul3A_122 : i32
      %add3A_124 = arith.constant 80 : i32
      %add3A_125 = arith.addi %mul3A_123, %add3A_124 : i32
      %get3A_126 = arith.index_cast %add3A_125 : i32 to index
      %get3A_127 = tpu.vector_load %arg6[%get3A_126] {strides = array<i32>} : memref<10240xi32, #tpu.memory_space<vmem>>, vector<16xi32>,
      tpu.vector_store_idx %arg5[%get3A_127], %broadcast_in_dim3A_7 {add = true} : memref<10240xf32, #tpu.memory_space<vmem>>[vector<16xi32>], vector<16xf32>,
      %mul3A_128 = arith.constant 128 : i32
      %mul3A_129 = arith.muli %add3A_92, %mul3A_128 : i32
      %add3A_130 = arith.constant 96 : i32
      %add3A_131 = arith.addi %mul3A_129, %add3A_130 : i32
      %get3A_132 = arith.index_cast %add3A_131 : i32 to index
      %get3A_133 = tpu.vector_load %arg6[%get3A_132] {strides = array<i32>} : memref<10240xi32, #tpu.memory_space<vmem>>, vector<16xi32>,
      tpu.vector_store_idx %arg5[%get3A_133], %broadcast_in_dim3A_7 {add = true} : memref<10240xf32, #tpu.memory_space<vmem>>[vector<16xi32>], vector<16xf32>,
      %mul3A_134 = arith.constant 128 : i32
      %mul3A_135 = arith.muli %add3A_92, %mul3A_134 : i32
      %add3A_136 = arith.constant 112 : i32
      %add3A_137 = arith.addi %mul3A_135, %add3A_136 : i32
      %get3A_138 = arith.index_cast %add3A_137 : i32 to index
      %get3A_139 = tpu.vector_load %arg6[%get3A_138] {strides = array<i32>} : memref<10240xi32, #tpu.memory_space<vmem>>, vector<16xi32>,
      tpu.vector_store_idx %arg5[%get3A_139], %broadcast_in_dim3A_7 {add = true} : memref<10240xf32, #tpu.memory_space<vmem>>[vector<16xi32>], vector<16xf32>,
    }
    %scan3A_12 = arith.constant 80 : i32
    "tpu.region"() ({
      %run_scoped3A_88 = tpu.sem_alloc : memref<!tpu.dma_semaphore, #tpu.memory_space<semaphore_mem>>
      %dma_start3A = arith.constant 0 : i32
      %dma_start3A_89 = tpu.memref_slice %arg4[%arg1, %dma_start3A] : memref<16x10240xf32, #tpu.memory_space<vmem_shared>> -> memref<1x10240xf32, #tpu.memory_space<vmem_shared>>
      %dma_start3A_90 = tpu.memref_squeeze %dma_start3A_89 : memref<1x10240xf32, #tpu.memory_space<vmem_shared>> -> memref<10240xf32, #tpu.memory_space<vmem_shared>>
      %dma_start3A_91 = arith.constant 0 : i32
      %dma_start3A_92 = tpu.memref_slice %arg4[%arg1, %dma_start3A_91] : memref<16x10240xf32, #tpu.memory_space<vmem_shared>> -> memref<1x10240xf32, #tpu.memory_space<vmem_shared>>
      %dma_start3A_93 = tpu.memref_squeeze %dma_start3A_92 : memref<1x10240xf32, #tpu.memory_space<vmem_shared>> -> memref<10240xf32, #tpu.memory_space<vmem_shared>>
      tpu.enqueue_dma source(%arg5 : memref<10240xf32, #tpu.memory_space<vmem>>) target(%dma_start3A_93 : memref<10240xf32, #tpu.memory_space<vmem_shared>>) target_semaphore(%run_scoped3A_88 : memref<!tpu.dma_semaphore, #tpu.memory_space<semaphore_mem>>)
      %dma_wait3A = arith.constant 0 : i32
      %dma_wait3A_94 = tpu.memref_slice %arg4[%arg1, %dma_wait3A] : memref<16x10240xf32, #tpu.memory_space<vmem_shared>> -> memref<1x10240xf32, #tpu.memory_space<vmem_shared>>
      %dma_wait3A_95 = tpu.memref_squeeze %dma_wait3A_94 : memref<1x10240xf32, #tpu.memory_space<vmem_shared>> -> memref<10240xf32, #tpu.memory_space<vmem_shared>>
      %dma_wait3A_96 = arith.constant 0 : i32
      %dma_wait3A_97 = tpu.memref_slice %arg4[%arg1, %dma_wait3A_96] : memref<16x10240xf32, #tpu.memory_space<vmem_shared>> -> memref<1x10240xf32, #tpu.memory_space<vmem_shared>>
      %dma_wait3A_98 = tpu.memref_squeeze %dma_wait3A_97 : memref<1x10240xf32, #tpu.memory_space<vmem_shared>> -> memref<10240xf32, #tpu.memory_space<vmem_shared>>
      tpu.wait_dma2 semaphore(%run_scoped3A_88 : memref<!tpu.dma_semaphore, #tpu.memory_space<semaphore_mem>>) src(%arg5 : memref<10240xf32, #tpu.memory_space<vmem>>) dst(%dma_wait3A_98 : memref<10240xf32, #tpu.memory_space<vmem_shared>>)
      tpu.yield
    }) : () -> ()
    %barrier3A = arith.constant 0 : index
    tpu.barrier barrier_id(%barrier3A)
    %mul3A_13 = arith.constant 640 : i32
    %mul3A_14 = arith.muli %arg1, %mul3A_13 : i32
    %run_scoped3A = arith.constant 0 : i32
    %run_scoped3A_15 = arith.constant 0 : i32
    "tpu.region"() ({
      %run_scoped3A_88 = tpu.sem_alloc : memref<!tpu.dma_semaphore, #tpu.memory_space<semaphore_mem>>
      %dma_start3A = arith.constant 0 : i32
      %dma_start3A_89 = tpu.memref_slice %arg7[%run_scoped3A_15, %dma_start3A] : memref<16x640xf32, #tpu.memory_space<vmem>> -> memref<1x640xf32, #tpu.memory_space<vmem>>
      %dma_start3A_90 = tpu.memref_squeeze %dma_start3A_89 : memref<1x640xf32, #tpu.memory_space<vmem>> -> memref<640xf32, #tpu.memory_space<vmem>>
      %dma_start3A_91 = tpu.memref_slice %arg4[%run_scoped3A, %mul3A_14] : memref<16x10240xf32, #tpu.memory_space<vmem_shared>> -> memref<1x640xf32, #tpu.memory_space<vmem_shared>>
      %dma_start3A_92 = tpu.memref_squeeze %dma_start3A_91 : memref<1x640xf32, #tpu.memory_space<vmem_shared>> -> memref<640xf32, #tpu.memory_space<vmem_shared>>
      %dma_start3A_93 = arith.constant 0 : i32
      %dma_start3A_94 = tpu.memref_slice %arg7[%run_scoped3A_15, %dma_start3A_93] : memref<16x640xf32, #tpu.memory_space<vmem>> -> memref<1x640xf32, #tpu.memory_space<vmem>>
      %dma_start3A_95 = tpu.memref_squeeze %dma_start3A_94 : memref<1x640xf32, #tpu.memory_space<vmem>> -> memref<640xf32, #tpu.memory_space<vmem>>
      %dma_start3A_96 = tpu.memref_slice %arg4[%run_scoped3A, %mul3A_14] : memref<16x10240xf32, #tpu.memory_space<vmem_shared>> -> memref<1x640xf32, #tpu.memory_space<vmem_shared>>
      %dma_start3A_97 = tpu.memref_squeeze %dma_start3A_96 : memref<1x640xf32, #tpu.memory_space<vmem_shared>> -> memref<640xf32, #tpu.memory_space<vmem_shared>>
      tpu.enqueue_dma source(%dma_start3A_97 : memref<640xf32, #tpu.memory_space<vmem_shared>>) target(%dma_start3A_95 : memref<640xf32, #tpu.memory_space<vmem>>) target_semaphore(%run_scoped3A_88 : memref<!tpu.dma_semaphore, #tpu.memory_space<semaphore_mem>>)
      %dma_wait3A = arith.constant 0 : i32
      %dma_wait3A_98 = tpu.memref_slice %arg7[%run_scoped3A_15, %dma_wait3A] : memref<16x640xf32, #tpu.memory_space<vmem>> -> memref<1x640xf32, #tpu.memory_space<vmem>>
      %dma_wait3A_99 = tpu.memref_squeeze %dma_wait3A_98 : memref<1x640xf32, #tpu.memory_space<vmem>> -> memref<640xf32, #tpu.memory_space<vmem>>
      %dma_wait3A_100 = tpu.memref_slice %arg4[%run_scoped3A, %mul3A_14] : memref<16x10240xf32, #tpu.memory_space<vmem_shared>> -> memref<1x640xf32, #tpu.memory_space<vmem_shared>>
      %dma_wait3A_101 = tpu.memref_squeeze %dma_wait3A_100 : memref<1x640xf32, #tpu.memory_space<vmem_shared>> -> memref<640xf32, #tpu.memory_space<vmem_shared>>
      %dma_wait3A_102 = arith.constant 0 : i32
      %dma_wait3A_103 = tpu.memref_slice %arg7[%run_scoped3A_15, %dma_wait3A_102] : memref<16x640xf32, #tpu.memory_space<vmem>> -> memref<1x640xf32, #tpu.memory_space<vmem>>
      %dma_wait3A_104 = tpu.memref_squeeze %dma_wait3A_103 : memref<1x640xf32, #tpu.memory_space<vmem>> -> memref<640xf32, #tpu.memory_space<vmem>>
      %dma_wait3A_105 = tpu.memref_slice %arg4[%run_scoped3A, %mul3A_14] : memref<16x10240xf32, #tpu.memory_space<vmem_shared>> -> memref<1x640xf32, #tpu.memory_space<vmem_shared>>
      %dma_wait3A_106 = tpu.memref_squeeze %dma_wait3A_105 : memref<1x640xf32, #tpu.memory_space<vmem_shared>> -> memref<640xf32, #tpu.memory_space<vmem_shared>>
      tpu.wait_dma2 semaphore(%run_scoped3A_88 : memref<!tpu.dma_semaphore, #tpu.memory_space<semaphore_mem>>) src(%dma_wait3A_106 : memref<640xf32, #tpu.memory_space<vmem_shared>>) dst(%dma_wait3A_104 : memref<640xf32, #tpu.memory_space<vmem>>)
      tpu.yield
    }) : () -> ()
    %mul3A_16 = arith.constant 640 : i32
    %mul3A_17 = arith.muli %arg1, %mul3A_16 : i32
    %run_scoped3A_18 = arith.constant 1 : i32
    %run_scoped3A_19 = arith.constant 1 : i32
    "tpu.region"() ({
      %run_scoped3A_88 = tpu.sem_alloc : memref<!tpu.dma_semaphore, #tpu.memory_space<semaphore_mem>>
      %dma_start3A = arith.constant 0 : i32
      %dma_start3A_89 = tpu.memref_slice %arg7[%run_scoped3A_19, %dma_start3A] : memref<16x640xf32, #tpu.memory_space<vmem>> -> memref<1x640xf32, #tpu.memory_space<vmem>>
      %dma_start3A_90 = tpu.memref_squeeze %dma_start3A_89 : memref<1x640xf32, #tpu.memory_space<vmem>> -> memref<640xf32, #tpu.memory_space<vmem>>
      %dma_start3A_91 = tpu.memref_slice %arg4[%run_scoped3A_18, %mul3A_17] : memref<16x10240xf32, #tpu.memory_space<vmem_shared>> -> memref<1x640xf32, #tpu.memory_space<vmem_shared>>
      %dma_start3A_92 = tpu.memref_squeeze %dma_start3A_91 : memref<1x640xf32, #tpu.memory_space<vmem_shared>> -> memref<640xf32, #tpu.memory_space<vmem_shared>>
      %dma_start3A_93 = arith.constant 0 : i32
      %dma_start3A_94 = tpu.memref_slice %arg7[%run_scoped3A_19, %dma_start3A_93] : memref<16x640xf32, #tpu.memory_space<vmem>> -> memref<1x640xf32, #tpu.memory_space<vmem>>
      %dma_start3A_95 = tpu.memref_squeeze %dma_start3A_94 : memref<1x640xf32, #tpu.memory_space<vmem>> -> memref<640xf32, #tpu.memory_space<vmem>>
      %dma_start3A_96 = tpu.memref_slice %arg4[%run_scoped3A_18, %mul3A_17] : memref<16x10240xf32, #tpu.memory_space<vmem_shared>> -> memref<1x640xf32, #tpu.memory_space<vmem_shared>>
      %dma_start3A_97 = tpu.memref_squeeze %dma_start3A_96 : memref<1x640xf32, #tpu.memory_space<vmem_shared>> -> memref<640xf32, #tpu.memory_space<vmem_shared>>
      tpu.enqueue_dma source(%dma_start3A_97 : memref<640xf32, #tpu.memory_space<vmem_shared>>) target(%dma_start3A_95 : memref<640xf32, #tpu.memory_space<vmem>>) target_semaphore(%run_scoped3A_88 : memref<!tpu.dma_semaphore, #tpu.memory_space<semaphore_mem>>)
      %dma_wait3A = arith.constant 0 : i32
      %dma_wait3A_98 = tpu.memref_slice %arg7[%run_scoped3A_19, %dma_wait3A] : memref<16x640xf32, #tpu.memory_space<vmem>> -> memref<1x640xf32, #tpu.memory_space<vmem>>
      %dma_wait3A_99 = tpu.memref_squeeze %dma_wait3A_98 : memref<1x640xf32, #tpu.memory_space<vmem>> -> memref<640xf32, #tpu.memory_space<vmem>>
      %dma_wait3A_100 = tpu.memref_slice %arg4[%run_scoped3A_18, %mul3A_17] : memref<16x10240xf32, #tpu.memory_space<vmem_shared>> -> memref<1x640xf32, #tpu.memory_space<vmem_shared>>
      %dma_wait3A_101 = tpu.memref_squeeze %dma_wait3A_100 : memref<1x640xf32, #tpu.memory_space<vmem_shared>> -> memref<640xf32, #tpu.memory_space<vmem_shared>>
      %dma_wait3A_102 = arith.constant 0 : i32
      %dma_wait3A_103 = tpu.memref_slice %arg7[%run_scoped3A_19, %dma_wait3A_102] : memref<16x640xf32, #tpu.memory_space<vmem>> -> memref<1x640xf32, #tpu.memory_space<vmem>>
      %dma_wait3A_104 = tpu.memref_squeeze %dma_wait3A_103 : memref<1x640xf32, #tpu.memory_space<vmem>> -> memref<640xf32, #tpu.memory_space<vmem>>
      %dma_wait3A_105 = tpu.memref_slice %arg4[%run_scoped3A_18, %mul3A_17] : memref<16x10240xf32, #tpu.memory_space<vmem_shared>> -> memref<1x640xf32, #tpu.memory_space<vmem_shared>>
      %dma_wait3A_106 = tpu.memref_squeeze %dma_wait3A_105 : memref<1x640xf32, #tpu.memory_space<vmem_shared>> -> memref<640xf32, #tpu.memory_space<vmem_shared>>
      tpu.wait_dma2 semaphore(%run_scoped3A_88 : memref<!tpu.dma_semaphore, #tpu.memory_space<semaphore_mem>>) src(%dma_wait3A_106 : memref<640xf32, #tpu.memory_space<vmem_shared>>) dst(%dma_wait3A_104 : memref<640xf32, #tpu.memory_space<vmem>>)
      tpu.yield
    }) : () -> ()
    %mul3A_20 = arith.constant 640 : i32
    %mul3A_21 = arith.muli %arg1, %mul3A_20 : i32
    %run_scoped3A_22 = arith.constant 2 : i32
    %run_scoped3A_23 = arith.constant 2 : i32
    "tpu.region"() ({
      %run_scoped3A_88 = tpu.sem_alloc : memref<!tpu.dma_semaphore, #tpu.memory_space<semaphore_mem>>
      %dma_start3A = arith.constant 0 : i32
      %dma_start3A_89 = tpu.memref_slice %arg7[%run_scoped3A_23, %dma_start3A] : memref<16x640xf32, #tpu.memory_space<vmem>> -> memref<1x640xf32, #tpu.memory_space<vmem>>
      %dma_start3A_90 = tpu.memref_squeeze %dma_start3A_89 : memref<1x640xf32, #tpu.memory_space<vmem>> -> memref<640xf32, #tpu.memory_space<vmem>>
      %dma_start3A_91 = tpu.memref_slice %arg4[%run_scoped3A_22, %mul3A_21] : memref<16x10240xf32, #tpu.memory_space<vmem_shared>> -> memref<1x640xf32, #tpu.memory_space<vmem_shared>>
      %dma_start3A_92 = tpu.memref_squeeze %dma_start3A_91 : memref<1x640xf32, #tpu.memory_space<vmem_shared>> -> memref<640xf32, #tpu.memory_space<vmem_shared>>
      %dma_start3A_93 = arith.constant 0 : i32
      %dma_start3A_94 = tpu.memref_slice %arg7[%run_scoped3A_23, %dma_start3A_93] : memref<16x640xf32, #tpu.memory_space<vmem>> -> memref<1x640xf32, #tpu.memory_space<vmem>>
      %dma_start3A_95 = tpu.memref_squeeze %dma_start3A_94 : memref<1x640xf32, #tpu.memory_space<vmem>> -> memref<640xf32, #tpu.memory_space<vmem>>
      %dma_start3A_96 = tpu.memref_slice %arg4[%run_scoped3A_22, %mul3A_21] : memref<16x10240xf32, #tpu.memory_space<vmem_shared>> -> memref<1x640xf32, #tpu.memory_space<vmem_shared>>
      %dma_start3A_97 = tpu.memref_squeeze %dma_start3A_96 : memref<1x640xf32, #tpu.memory_space<vmem_shared>> -> memref<640xf32, #tpu.memory_space<vmem_shared>>
      tpu.enqueue_dma source(%dma_start3A_97 : memref<640xf32, #tpu.memory_space<vmem_shared>>) target(%dma_start3A_95 : memref<640xf32, #tpu.memory_space<vmem>>) target_semaphore(%run_scoped3A_88 : memref<!tpu.dma_semaphore, #tpu.memory_space<semaphore_mem>>)
      %dma_wait3A = arith.constant 0 : i32
      %dma_wait3A_98 = tpu.memref_slice %arg7[%run_scoped3A_23, %dma_wait3A] : memref<16x640xf32, #tpu.memory_space<vmem>> -> memref<1x640xf32, #tpu.memory_space<vmem>>
      %dma_wait3A_99 = tpu.memref_squeeze %dma_wait3A_98 : memref<1x640xf32, #tpu.memory_space<vmem>> -> memref<640xf32, #tpu.memory_space<vmem>>
      %dma_wait3A_100 = tpu.memref_slice %arg4[%run_scoped3A_22, %mul3A_21] : memref<16x10240xf32, #tpu.memory_space<vmem_shared>> -> memref<1x640xf32, #tpu.memory_space<vmem_shared>>
      %dma_wait3A_101 = tpu.memref_squeeze %dma_wait3A_100 : memref<1x640xf32, #tpu.memory_space<vmem_shared>> -> memref<640xf32, #tpu.memory_space<vmem_shared>>
      %dma_wait3A_102 = arith.constant 0 : i32
      %dma_wait3A_103 = tpu.memref_slice %arg7[%run_scoped3A_23, %dma_wait3A_102] : memref<16x640xf32, #tpu.memory_space<vmem>> -> memref<1x640xf32, #tpu.memory_space<vmem>>
      %dma_wait3A_104 = tpu.memref_squeeze %dma_wait3A_103 : memref<1x640xf32, #tpu.memory_space<vmem>> -> memref<640xf32, #tpu.memory_space<vmem>>
      %dma_wait3A_105 = tpu.memref_slice %arg4[%run_scoped3A_22, %mul3A_21] : memref<16x10240xf32, #tpu.memory_space<vmem_shared>> -> memref<1x640xf32, #tpu.memory_space<vmem_shared>>
      %dma_wait3A_106 = tpu.memref_squeeze %dma_wait3A_105 : memref<1x640xf32, #tpu.memory_space<vmem_shared>> -> memref<640xf32, #tpu.memory_space<vmem_shared>>
      tpu.wait_dma2 semaphore(%run_scoped3A_88 : memref<!tpu.dma_semaphore, #tpu.memory_space<semaphore_mem>>) src(%dma_wait3A_106 : memref<640xf32, #tpu.memory_space<vmem_shared>>) dst(%dma_wait3A_104 : memref<640xf32, #tpu.memory_space<vmem>>)
      tpu.yield
    }) : () -> ()
    %mul3A_24 = arith.constant 640 : i32
    %mul3A_25 = arith.muli %arg1, %mul3A_24 : i32
    %run_scoped3A_26 = arith.constant 3 : i32
    %run_scoped3A_27 = arith.constant 3 : i32
    "tpu.region"() ({
      %run_scoped3A_88 = tpu.sem_alloc : memref<!tpu.dma_semaphore, #tpu.memory_space<semaphore_mem>>
      %dma_start3A = arith.constant 0 : i32
      %dma_start3A_89 = tpu.memref_slice %arg7[%run_scoped3A_27, %dma_start3A] : memref<16x640xf32, #tpu.memory_space<vmem>> -> memref<1x640xf32, #tpu.memory_space<vmem>>
      %dma_start3A_90 = tpu.memref_squeeze %dma_start3A_89 : memref<1x640xf32, #tpu.memory_space<vmem>> -> memref<640xf32, #tpu.memory_space<vmem>>
      %dma_start3A_91 = tpu.memref_slice %arg4[%run_scoped3A_26, %mul3A_25] : memref<16x10240xf32, #tpu.memory_space<vmem_shared>> -> memref<1x640xf32, #tpu.memory_space<vmem_shared>>
      %dma_start3A_92 = tpu.memref_squeeze %dma_start3A_91 : memref<1x640xf32, #tpu.memory_space<vmem_shared>> -> memref<640xf32, #tpu.memory_space<vmem_shared>>
      %dma_start3A_93 = arith.constant 0 : i32
      %dma_start3A_94 = tpu.memref_slice %arg7[%run_scoped3A_27, %dma_start3A_93] : memref<16x640xf32, #tpu.memory_space<vmem>> -> memref<1x640xf32, #tpu.memory_space<vmem>>
      %dma_start3A_95 = tpu.memref_squeeze %dma_start3A_94 : memref<1x640xf32, #tpu.memory_space<vmem>> -> memref<640xf32, #tpu.memory_space<vmem>>
      %dma_start3A_96 = tpu.memref_slice %arg4[%run_scoped3A_26, %mul3A_25] : memref<16x10240xf32, #tpu.memory_space<vmem_shared>> -> memref<1x640xf32, #tpu.memory_space<vmem_shared>>
      %dma_start3A_97 = tpu.memref_squeeze %dma_start3A_96 : memref<1x640xf32, #tpu.memory_space<vmem_shared>> -> memref<640xf32, #tpu.memory_space<vmem_shared>>
      tpu.enqueue_dma source(%dma_start3A_97 : memref<640xf32, #tpu.memory_space<vmem_shared>>) target(%dma_start3A_95 : memref<640xf32, #tpu.memory_space<vmem>>) target_semaphore(%run_scoped3A_88 : memref<!tpu.dma_semaphore, #tpu.memory_space<semaphore_mem>>)
      %dma_wait3A = arith.constant 0 : i32
      %dma_wait3A_98 = tpu.memref_slice %arg7[%run_scoped3A_27, %dma_wait3A] : memref<16x640xf32, #tpu.memory_space<vmem>> -> memref<1x640xf32, #tpu.memory_space<vmem>>
      %dma_wait3A_99 = tpu.memref_squeeze %dma_wait3A_98 : memref<1x640xf32, #tpu.memory_space<vmem>> -> memref<640xf32, #tpu.memory_space<vmem>>
      %dma_wait3A_100 = tpu.memref_slice %arg4[%run_scoped3A_26, %mul3A_25] : memref<16x10240xf32, #tpu.memory_space<vmem_shared>> -> memref<1x640xf32, #tpu.memory_space<vmem_shared>>
      %dma_wait3A_101 = tpu.memref_squeeze %dma_wait3A_100 : memref<1x640xf32, #tpu.memory_space<vmem_shared>> -> memref<640xf32, #tpu.memory_space<vmem_shared>>
      %dma_wait3A_102 = arith.constant 0 : i32
      %dma_wait3A_103 = tpu.memref_slice %arg7[%run_scoped3A_27, %dma_wait3A_102] : memref<16x640xf32, #tpu.memory_space<vmem>> -> memref<1x640xf32, #tpu.memory_space<vmem>>
      %dma_wait3A_104 = tpu.memref_squeeze %dma_wait3A_103 : memref<1x640xf32, #tpu.memory_space<vmem>> -> memref<640xf32, #tpu.memory_space<vmem>>
      %dma_wait3A_105 = tpu.memref_slice %arg4[%run_scoped3A_26, %mul3A_25] : memref<16x10240xf32, #tpu.memory_space<vmem_shared>> -> memref<1x640xf32, #tpu.memory_space<vmem_shared>>
      %dma_wait3A_106 = tpu.memref_squeeze %dma_wait3A_105 : memref<1x640xf32, #tpu.memory_space<vmem_shared>> -> memref<640xf32, #tpu.memory_space<vmem_shared>>
      tpu.wait_dma2 semaphore(%run_scoped3A_88 : memref<!tpu.dma_semaphore, #tpu.memory_space<semaphore_mem>>) src(%dma_wait3A_106 : memref<640xf32, #tpu.memory_space<vmem_shared>>) dst(%dma_wait3A_104 : memref<640xf32, #tpu.memory_space<vmem>>)
      tpu.yield
    }) : () -> ()
    %mul3A_28 = arith.constant 640 : i32
    %mul3A_29 = arith.muli %arg1, %mul3A_28 : i32
    %run_scoped3A_30 = arith.constant 4 : i32
    %run_scoped3A_31 = arith.constant 4 : i32
    "tpu.region"() ({
      %run_scoped3A_88 = tpu.sem_alloc : memref<!tpu.dma_semaphore, #tpu.memory_space<semaphore_mem>>
      %dma_start3A = arith.constant 0 : i32
      %dma_start3A_89 = tpu.memref_slice %arg7[%run_scoped3A_31, %dma_start3A] : memref<16x640xf32, #tpu.memory_space<vmem>> -> memref<1x640xf32, #tpu.memory_space<vmem>>
      %dma_start3A_90 = tpu.memref_squeeze %dma_start3A_89 : memref<1x640xf32, #tpu.memory_space<vmem>> -> memref<640xf32, #tpu.memory_space<vmem>>
      %dma_start3A_91 = tpu.memref_slice %arg4[%run_scoped3A_30, %mul3A_29] : memref<16x10240xf32, #tpu.memory_space<vmem_shared>> -> memref<1x640xf32, #tpu.memory_space<vmem_shared>>
      %dma_start3A_92 = tpu.memref_squeeze %dma_start3A_91 : memref<1x640xf32, #tpu.memory_space<vmem_shared>> -> memref<640xf32, #tpu.memory_space<vmem_shared>>
      %dma_start3A_93 = arith.constant 0 : i32
      %dma_start3A_94 = tpu.memref_slice %arg7[%run_scoped3A_31, %dma_start3A_93] : memref<16x640xf32, #tpu.memory_space<vmem>> -> memref<1x640xf32, #tpu.memory_space<vmem>>
      %dma_start3A_95 = tpu.memref_squeeze %dma_start3A_94 : memref<1x640xf32, #tpu.memory_space<vmem>> -> memref<640xf32, #tpu.memory_space<vmem>>
      %dma_start3A_96 = tpu.memref_slice %arg4[%run_scoped3A_30, %mul3A_29] : memref<16x10240xf32, #tpu.memory_space<vmem_shared>> -> memref<1x640xf32, #tpu.memory_space<vmem_shared>>
      %dma_start3A_97 = tpu.memref_squeeze %dma_start3A_96 : memref<1x640xf32, #tpu.memory_space<vmem_shared>> -> memref<640xf32, #tpu.memory_space<vmem_shared>>
      tpu.enqueue_dma source(%dma_start3A_97 : memref<640xf32, #tpu.memory_space<vmem_shared>>) target(%dma_start3A_95 : memref<640xf32, #tpu.memory_space<vmem>>) target_semaphore(%run_scoped3A_88 : memref<!tpu.dma_semaphore, #tpu.memory_space<semaphore_mem>>)
      %dma_wait3A = arith.constant 0 : i32
      %dma_wait3A_98 = tpu.memref_slice %arg7[%run_scoped3A_31, %dma_wait3A] : memref<16x640xf32, #tpu.memory_space<vmem>> -> memref<1x640xf32, #tpu.memory_space<vmem>>
      %dma_wait3A_99 = tpu.memref_squeeze %dma_wait3A_98 : memref<1x640xf32, #tpu.memory_space<vmem>> -> memref<640xf32, #tpu.memory_space<vmem>>
      %dma_wait3A_100 = tpu.memref_slice %arg4[%run_scoped3A_30, %mul3A_29] : memref<16x10240xf32, #tpu.memory_space<vmem_shared>> -> memref<1x640xf32, #tpu.memory_space<vmem_shared>>
      %dma_wait3A_101 = tpu.memref_squeeze %dma_wait3A_100 : memref<1x640xf32, #tpu.memory_space<vmem_shared>> -> memref<640xf32, #tpu.memory_space<vmem_shared>>
      %dma_wait3A_102 = arith.constant 0 : i32
      %dma_wait3A_103 = tpu.memref_slice %arg7[%run_scoped3A_31, %dma_wait3A_102] : memref<16x640xf32, #tpu.memory_space<vmem>> -> memref<1x640xf32, #tpu.memory_space<vmem>>
      %dma_wait3A_104 = tpu.memref_squeeze %dma_wait3A_103 : memref<1x640xf32, #tpu.memory_space<vmem>> -> memref<640xf32, #tpu.memory_space<vmem>>
      %dma_wait3A_105 = tpu.memref_slice %arg4[%run_scoped3A_30, %mul3A_29] : memref<16x10240xf32, #tpu.memory_space<vmem_shared>> -> memref<1x640xf32, #tpu.memory_space<vmem_shared>>
      %dma_wait3A_106 = tpu.memref_squeeze %dma_wait3A_105 : memref<1x640xf32, #tpu.memory_space<vmem_shared>> -> memref<640xf32, #tpu.memory_space<vmem_shared>>
      tpu.wait_dma2 semaphore(%run_scoped3A_88 : memref<!tpu.dma_semaphore, #tpu.memory_space<semaphore_mem>>) src(%dma_wait3A_106 : memref<640xf32, #tpu.memory_space<vmem_shared>>) dst(%dma_wait3A_104 : memref<640xf32, #tpu.memory_space<vmem>>)
      tpu.yield
    }) : () -> ()
    %mul3A_32 = arith.constant 640 : i32
    %mul3A_33 = arith.muli %arg1, %mul3A_32 : i32
    %run_scoped3A_34 = arith.constant 5 : i32
    %run_scoped3A_35 = arith.constant 5 : i32
    "tpu.region"() ({
      %run_scoped3A_88 = tpu.sem_alloc : memref<!tpu.dma_semaphore, #tpu.memory_space<semaphore_mem>>
      %dma_start3A = arith.constant 0 : i32
      %dma_start3A_89 = tpu.memref_slice %arg7[%run_scoped3A_35, %dma_start3A] : memref<16x640xf32, #tpu.memory_space<vmem>> -> memref<1x640xf32, #tpu.memory_space<vmem>>
      %dma_start3A_90 = tpu.memref_squeeze %dma_start3A_89 : memref<1x640xf32, #tpu.memory_space<vmem>> -> memref<640xf32, #tpu.memory_space<vmem>>
      %dma_start3A_91 = tpu.memref_slice %arg4[%run_scoped3A_34, %mul3A_33] : memref<16x10240xf32, #tpu.memory_space<vmem_shared>> -> memref<1x640xf32, #tpu.memory_space<vmem_shared>>
      %dma_start3A_92 = tpu.memref_squeeze %dma_start3A_91 : memref<1x640xf32, #tpu.memory_space<vmem_shared>> -> memref<640xf32, #tpu.memory_space<vmem_shared>>
      %dma_start3A_93 = arith.constant 0 : i32
      %dma_start3A_94 = tpu.memref_slice %arg7[%run_scoped3A_35, %dma_start3A_93] : memref<16x640xf32, #tpu.memory_space<vmem>> -> memref<1x640xf32, #tpu.memory_space<vmem>>
      %dma_start3A_95 = tpu.memref_squeeze %dma_start3A_94 : memref<1x640xf32, #tpu.memory_space<vmem>> -> memref<640xf32, #tpu.memory_space<vmem>>
      %dma_start3A_96 = tpu.memref_slice %arg4[%run_scoped3A_34, %mul3A_33] : memref<16x10240xf32, #tpu.memory_space<vmem_shared>> -> memref<1x640xf32, #tpu.memory_space<vmem_shared>>
      %dma_start3A_97 = tpu.memref_squeeze %dma_start3A_96 : memref<1x640xf32, #tpu.memory_space<vmem_shared>> -> memref<640xf32, #tpu.memory_space<vmem_shared>>
      tpu.enqueue_dma source(%dma_start3A_97 : memref<640xf32, #tpu.memory_space<vmem_shared>>) target(%dma_start3A_95 : memref<640xf32, #tpu.memory_space<vmem>>) target_semaphore(%run_scoped3A_88 : memref<!tpu.dma_semaphore, #tpu.memory_space<semaphore_mem>>)
      %dma_wait3A = arith.constant 0 : i32
      %dma_wait3A_98 = tpu.memref_slice %arg7[%run_scoped3A_35, %dma_wait3A] : memref<16x640xf32, #tpu.memory_space<vmem>> -> memref<1x640xf32, #tpu.memory_space<vmem>>
      %dma_wait3A_99 = tpu.memref_squeeze %dma_wait3A_98 : memref<1x640xf32, #tpu.memory_space<vmem>> -> memref<640xf32, #tpu.memory_space<vmem>>
      %dma_wait3A_100 = tpu.memref_slice %arg4[%run_scoped3A_34, %mul3A_33] : memref<16x10240xf32, #tpu.memory_space<vmem_shared>> -> memref<1x640xf32, #tpu.memory_space<vmem_shared>>
      %dma_wait3A_101 = tpu.memref_squeeze %dma_wait3A_100 : memref<1x640xf32, #tpu.memory_space<vmem_shared>> -> memref<640xf32, #tpu.memory_space<vmem_shared>>
      %dma_wait3A_102 = arith.constant 0 : i32
      %dma_wait3A_103 = tpu.memref_slice %arg7[%run_scoped3A_35, %dma_wait3A_102] : memref<16x640xf32, #tpu.memory_space<vmem>> -> memref<1x640xf32, #tpu.memory_space<vmem>>
      %dma_wait3A_104 = tpu.memref_squeeze %dma_wait3A_103 : memref<1x640xf32, #tpu.memory_space<vmem>> -> memref<640xf32, #tpu.memory_space<vmem>>
      %dma_wait3A_105 = tpu.memref_slice %arg4[%run_scoped3A_34, %mul3A_33] : memref<16x10240xf32, #tpu.memory_space<vmem_shared>> -> memref<1x640xf32, #tpu.memory_space<vmem_shared>>
      %dma_wait3A_106 = tpu.memref_squeeze %dma_wait3A_105 : memref<1x640xf32, #tpu.memory_space<vmem_shared>> -> memref<640xf32, #tpu.memory_space<vmem_shared>>
      tpu.wait_dma2 semaphore(%run_scoped3A_88 : memref<!tpu.dma_semaphore, #tpu.memory_space<semaphore_mem>>) src(%dma_wait3A_106 : memref<640xf32, #tpu.memory_space<vmem_shared>>) dst(%dma_wait3A_104 : memref<640xf32, #tpu.memory_space<vmem>>)
      tpu.yield
    }) : () -> ()
    %mul3A_36 = arith.constant 640 : i32
    %mul3A_37 = arith.muli %arg1, %mul3A_36 : i32
    %run_scoped3A_38 = arith.constant 6 : i32
    %run_scoped3A_39 = arith.constant 6 : i32
    "tpu.region"() ({
      %run_scoped3A_88 = tpu.sem_alloc : memref<!tpu.dma_semaphore, #tpu.memory_space<semaphore_mem>>
      %dma_start3A = arith.constant 0 : i32
      %dma_start3A_89 = tpu.memref_slice %arg7[%run_scoped3A_39, %dma_start3A] : memref<16x640xf32, #tpu.memory_space<vmem>> -> memref<1x640xf32, #tpu.memory_space<vmem>>
      %dma_start3A_90 = tpu.memref_squeeze %dma_start3A_89 : memref<1x640xf32, #tpu.memory_space<vmem>> -> memref<640xf32, #tpu.memory_space<vmem>>
      %dma_start3A_91 = tpu.memref_slice %arg4[%run_scoped3A_38, %mul3A_37] : memref<16x10240xf32, #tpu.memory_space<vmem_shared>> -> memref<1x640xf32, #tpu.memory_space<vmem_shared>>
      %dma_start3A_92 = tpu.memref_squeeze %dma_start3A_91 : memref<1x640xf32, #tpu.memory_space<vmem_shared>> -> memref<640xf32, #tpu.memory_space<vmem_shared>>
      %dma_start3A_93 = arith.constant 0 : i32
      %dma_start3A_94 = tpu.memref_slice %arg7[%run_scoped3A_39, %dma_start3A_93] : memref<16x640xf32, #tpu.memory_space<vmem>> -> memref<1x640xf32, #tpu.memory_space<vmem>>
      %dma_start3A_95 = tpu.memref_squeeze %dma_start3A_94 : memref<1x640xf32, #tpu.memory_space<vmem>> -> memref<640xf32, #tpu.memory_space<vmem>>
      %dma_start3A_96 = tpu.memref_slice %arg4[%run_scoped3A_38, %mul3A_37] : memref<16x10240xf32, #tpu.memory_space<vmem_shared>> -> memref<1x640xf32, #tpu.memory_space<vmem_shared>>
      %dma_start3A_97 = tpu.memref_squeeze %dma_start3A_96 : memref<1x640xf32, #tpu.memory_space<vmem_shared>> -> memref<640xf32, #tpu.memory_space<vmem_shared>>
      tpu.enqueue_dma source(%dma_start3A_97 : memref<640xf32, #tpu.memory_space<vmem_shared>>) target(%dma_start3A_95 : memref<640xf32, #tpu.memory_space<vmem>>) target_semaphore(%run_scoped3A_88 : memref<!tpu.dma_semaphore, #tpu.memory_space<semaphore_mem>>)
      %dma_wait3A = arith.constant 0 : i32
      %dma_wait3A_98 = tpu.memref_slice %arg7[%run_scoped3A_39, %dma_wait3A] : memref<16x640xf32, #tpu.memory_space<vmem>> -> memref<1x640xf32, #tpu.memory_space<vmem>>
      %dma_wait3A_99 = tpu.memref_squeeze %dma_wait3A_98 : memref<1x640xf32, #tpu.memory_space<vmem>> -> memref<640xf32, #tpu.memory_space<vmem>>
      %dma_wait3A_100 = tpu.memref_slice %arg4[%run_scoped3A_38, %mul3A_37] : memref<16x10240xf32, #tpu.memory_space<vmem_shared>> -> memref<1x640xf32, #tpu.memory_space<vmem_shared>>
      %dma_wait3A_101 = tpu.memref_squeeze %dma_wait3A_100 : memref<1x640xf32, #tpu.memory_space<vmem_shared>> -> memref<640xf32, #tpu.memory_space<vmem_shared>>
      %dma_wait3A_102 = arith.constant 0 : i32
      %dma_wait3A_103 = tpu.memref_slice %arg7[%run_scoped3A_39, %dma_wait3A_102] : memref<16x640xf32, #tpu.memory_space<vmem>> -> memref<1x640xf32, #tpu.memory_space<vmem>>
      %dma_wait3A_104 = tpu.memref_squeeze %dma_wait3A_103 : memref<1x640xf32, #tpu.memory_space<vmem>> -> memref<640xf32, #tpu.memory_space<vmem>>
      %dma_wait3A_105 = tpu.memref_slice %arg4[%run_scoped3A_38, %mul3A_37] : memref<16x10240xf32, #tpu.memory_space<vmem_shared>> -> memref<1x640xf32, #tpu.memory_space<vmem_shared>>
      %dma_wait3A_106 = tpu.memref_squeeze %dma_wait3A_105 : memref<1x640xf32, #tpu.memory_space<vmem_shared>> -> memref<640xf32, #tpu.memory_space<vmem_shared>>
      tpu.wait_dma2 semaphore(%run_scoped3A_88 : memref<!tpu.dma_semaphore, #tpu.memory_space<semaphore_mem>>) src(%dma_wait3A_106 : memref<640xf32, #tpu.memory_space<vmem_shared>>) dst(%dma_wait3A_104 : memref<640xf32, #tpu.memory_space<vmem>>)
      tpu.yield
    }) : () -> ()
    %mul3A_40 = arith.constant 640 : i32
    %mul3A_41 = arith.muli %arg1, %mul3A_40 : i32
    %run_scoped3A_42 = arith.constant 7 : i32
    %run_scoped3A_43 = arith.constant 7 : i32
    "tpu.region"() ({
      %run_scoped3A_88 = tpu.sem_alloc : memref<!tpu.dma_semaphore, #tpu.memory_space<semaphore_mem>>
      %dma_start3A = arith.constant 0 : i32
      %dma_start3A_89 = tpu.memref_slice %arg7[%run_scoped3A_43, %dma_start3A] : memref<16x640xf32, #tpu.memory_space<vmem>> -> memref<1x640xf32, #tpu.memory_space<vmem>>
      %dma_start3A_90 = tpu.memref_squeeze %dma_start3A_89 : memref<1x640xf32, #tpu.memory_space<vmem>> -> memref<640xf32, #tpu.memory_space<vmem>>
      %dma_start3A_91 = tpu.memref_slice %arg4[%run_scoped3A_42, %mul3A_41] : memref<16x10240xf32, #tpu.memory_space<vmem_shared>> -> memref<1x640xf32, #tpu.memory_space<vmem_shared>>
      %dma_start3A_92 = tpu.memref_squeeze %dma_start3A_91 : memref<1x640xf32, #tpu.memory_space<vmem_shared>> -> memref<640xf32, #tpu.memory_space<vmem_shared>>
      %dma_start3A_93 = arith.constant 0 : i32
      %dma_start3A_94 = tpu.memref_slice %arg7[%run_scoped3A_43, %dma_start3A_93] : memref<16x640xf32, #tpu.memory_space<vmem>> -> memref<1x640xf32, #tpu.memory_space<vmem>>
      %dma_start3A_95 = tpu.memref_squeeze %dma_start3A_94 : memref<1x640xf32, #tpu.memory_space<vmem>> -> memref<640xf32, #tpu.memory_space<vmem>>
      %dma_start3A_96 = tpu.memref_slice %arg4[%run_scoped3A_42, %mul3A_41] : memref<16x10240xf32, #tpu.memory_space<vmem_shared>> -> memref<1x640xf32, #tpu.memory_space<vmem_shared>>
      %dma_start3A_97 = tpu.memref_squeeze %dma_start3A_96 : memref<1x640xf32, #tpu.memory_space<vmem_shared>> -> memref<640xf32, #tpu.memory_space<vmem_shared>>
      tpu.enqueue_dma source(%dma_start3A_97 : memref<640xf32, #tpu.memory_space<vmem_shared>>) target(%dma_start3A_95 : memref<640xf32, #tpu.memory_space<vmem>>) target_semaphore(%run_scoped3A_88 : memref<!tpu.dma_semaphore, #tpu.memory_space<semaphore_mem>>)
      %dma_wait3A = arith.constant 0 : i32
      %dma_wait3A_98 = tpu.memref_slice %arg7[%run_scoped3A_43, %dma_wait3A] : memref<16x640xf32, #tpu.memory_space<vmem>> -> memref<1x640xf32, #tpu.memory_space<vmem>>
      %dma_wait3A_99 = tpu.memref_squeeze %dma_wait3A_98 : memref<1x640xf32, #tpu.memory_space<vmem>> -> memref<640xf32, #tpu.memory_space<vmem>>
      %dma_wait3A_100 = tpu.memref_slice %arg4[%run_scoped3A_42, %mul3A_41] : memref<16x10240xf32, #tpu.memory_space<vmem_shared>> -> memref<1x640xf32, #tpu.memory_space<vmem_shared>>
      %dma_wait3A_101 = tpu.memref_squeeze %dma_wait3A_100 : memref<1x640xf32, #tpu.memory_space<vmem_shared>> -> memref<640xf32, #tpu.memory_space<vmem_shared>>
      %dma_wait3A_102 = arith.constant 0 : i32
      %dma_wait3A_103 = tpu.memref_slice %arg7[%run_scoped3A_43, %dma_wait3A_102] : memref<16x640xf32, #tpu.memory_space<vmem>> -> memref<1x640xf32, #tpu.memory_space<vmem>>
      %dma_wait3A_104 = tpu.memref_squeeze %dma_wait3A_103 : memref<1x640xf32, #tpu.memory_space<vmem>> -> memref<640xf32, #tpu.memory_space<vmem>>
      %dma_wait3A_105 = tpu.memref_slice %arg4[%run_scoped3A_42, %mul3A_41] : memref<16x10240xf32, #tpu.memory_space<vmem_shared>> -> memref<1x640xf32, #tpu.memory_space<vmem_shared>>
      %dma_wait3A_106 = tpu.memref_squeeze %dma_wait3A_105 : memref<1x640xf32, #tpu.memory_space<vmem_shared>> -> memref<640xf32, #tpu.memory_space<vmem_shared>>
      tpu.wait_dma2 semaphore(%run_scoped3A_88 : memref<!tpu.dma_semaphore, #tpu.memory_space<semaphore_mem>>) src(%dma_wait3A_106 : memref<640xf32, #tpu.memory_space<vmem_shared>>) dst(%dma_wait3A_104 : memref<640xf32, #tpu.memory_space<vmem>>)
      tpu.yield
    }) : () -> ()
    %mul3A_44 = arith.constant 640 : i32
    %mul3A_45 = arith.muli %arg1, %mul3A_44 : i32
    %run_scoped3A_46 = arith.constant 8 : i32
    %run_scoped3A_47 = arith.constant 8 : i32
    "tpu.region"() ({
      %run_scoped3A_88 = tpu.sem_alloc : memref<!tpu.dma_semaphore, #tpu.memory_space<semaphore_mem>>
      %dma_start3A = arith.constant 0 : i32
      %dma_start3A_89 = tpu.memref_slice %arg7[%run_scoped3A_47, %dma_start3A] : memref<16x640xf32, #tpu.memory_space<vmem>> -> memref<1x640xf32, #tpu.memory_space<vmem>>
      %dma_start3A_90 = tpu.memref_squeeze %dma_start3A_89 : memref<1x640xf32, #tpu.memory_space<vmem>> -> memref<640xf32, #tpu.memory_space<vmem>>
      %dma_start3A_91 = tpu.memref_slice %arg4[%run_scoped3A_46, %mul3A_45] : memref<16x10240xf32, #tpu.memory_space<vmem_shared>> -> memref<1x640xf32, #tpu.memory_space<vmem_shared>>
      %dma_start3A_92 = tpu.memref_squeeze %dma_start3A_91 : memref<1x640xf32, #tpu.memory_space<vmem_shared>> -> memref<640xf32, #tpu.memory_space<vmem_shared>>
      %dma_start3A_93 = arith.constant 0 : i32
      %dma_start3A_94 = tpu.memref_slice %arg7[%run_scoped3A_47, %dma_start3A_93] : memref<16x640xf32, #tpu.memory_space<vmem>> -> memref<1x640xf32, #tpu.memory_space<vmem>>
      %dma_start3A_95 = tpu.memref_squeeze %dma_start3A_94 : memref<1x640xf32, #tpu.memory_space<vmem>> -> memref<640xf32, #tpu.memory_space<vmem>>
      %dma_start3A_96 = tpu.memref_slice %arg4[%run_scoped3A_46, %mul3A_45] : memref<16x10240xf32, #tpu.memory_space<vmem_shared>> -> memref<1x640xf32, #tpu.memory_space<vmem_shared>>
      %dma_start3A_97 = tpu.memref_squeeze %dma_start3A_96 : memref<1x640xf32, #tpu.memory_space<vmem_shared>> -> memref<640xf32, #tpu.memory_space<vmem_shared>>
      tpu.enqueue_dma source(%dma_start3A_97 : memref<640xf32, #tpu.memory_space<vmem_shared>>) target(%dma_start3A_95 : memref<640xf32, #tpu.memory_space<vmem>>) target_semaphore(%run_scoped3A_88 : memref<!tpu.dma_semaphore, #tpu.memory_space<semaphore_mem>>)
      %dma_wait3A = arith.constant 0 : i32
      %dma_wait3A_98 = tpu.memref_slice %arg7[%run_scoped3A_47, %dma_wait3A] : memref<16x640xf32, #tpu.memory_space<vmem>> -> memref<1x640xf32, #tpu.memory_space<vmem>>
      %dma_wait3A_99 = tpu.memref_squeeze %dma_wait3A_98 : memref<1x640xf32, #tpu.memory_space<vmem>> -> memref<640xf32, #tpu.memory_space<vmem>>
      %dma_wait3A_100 = tpu.memref_slice %arg4[%run_scoped3A_46, %mul3A_45] : memref<16x10240xf32, #tpu.memory_space<vmem_shared>> -> memref<1x640xf32, #tpu.memory_space<vmem_shared>>
      %dma_wait3A_101 = tpu.memref_squeeze %dma_wait3A_100 : memref<1x640xf32, #tpu.memory_space<vmem_shared>> -> memref<640xf32, #tpu.memory_space<vmem_shared>>
      %dma_wait3A_102 = arith.constant 0 : i32
      %dma_wait3A_103 = tpu.memref_slice %arg7[%run_scoped3A_47, %dma_wait3A_102] : memref<16x640xf32, #tpu.memory_space<vmem>> -> memref<1x640xf32, #tpu.memory_space<vmem>>
      %dma_wait3A_104 = tpu.memref_squeeze %dma_wait3A_103 : memref<1x640xf32, #tpu.memory_space<vmem>> -> memref<640xf32, #tpu.memory_space<vmem>>
      %dma_wait3A_105 = tpu.memref_slice %arg4[%run_scoped3A_46, %mul3A_45] : memref<16x10240xf32, #tpu.memory_space<vmem_shared>> -> memref<1x640xf32, #tpu.memory_space<vmem_shared>>
      %dma_wait3A_106 = tpu.memref_squeeze %dma_wait3A_105 : memref<1x640xf32, #tpu.memory_space<vmem_shared>> -> memref<640xf32, #tpu.memory_space<vmem_shared>>
      tpu.wait_dma2 semaphore(%run_scoped3A_88 : memref<!tpu.dma_semaphore, #tpu.memory_space<semaphore_mem>>) src(%dma_wait3A_106 : memref<640xf32, #tpu.memory_space<vmem_shared>>) dst(%dma_wait3A_104 : memref<640xf32, #tpu.memory_space<vmem>>)
      tpu.yield
    }) : () -> ()
    %mul3A_48 = arith.constant 640 : i32
    %mul3A_49 = arith.muli %arg1, %mul3A_48 : i32
    %run_scoped3A_50 = arith.constant 9 : i32
    %run_scoped3A_51 = arith.constant 9 : i32
    "tpu.region"() ({
      %run_scoped3A_88 = tpu.sem_alloc : memref<!tpu.dma_semaphore, #tpu.memory_space<semaphore_mem>>
      %dma_start3A = arith.constant 0 : i32
      %dma_start3A_89 = tpu.memref_slice %arg7[%run_scoped3A_51, %dma_start3A] : memref<16x640xf32, #tpu.memory_space<vmem>> -> memref<1x640xf32, #tpu.memory_space<vmem>>
      %dma_start3A_90 = tpu.memref_squeeze %dma_start3A_89 : memref<1x640xf32, #tpu.memory_space<vmem>> -> memref<640xf32, #tpu.memory_space<vmem>>
      %dma_start3A_91 = tpu.memref_slice %arg4[%run_scoped3A_50, %mul3A_49] : memref<16x10240xf32, #tpu.memory_space<vmem_shared>> -> memref<1x640xf32, #tpu.memory_space<vmem_shared>>
      %dma_start3A_92 = tpu.memref_squeeze %dma_start3A_91 : memref<1x640xf32, #tpu.memory_space<vmem_shared>> -> memref<640xf32, #tpu.memory_space<vmem_shared>>
      %dma_start3A_93 = arith.constant 0 : i32
      %dma_start3A_94 = tpu.memref_slice %arg7[%run_scoped3A_51, %dma_start3A_93] : memref<16x640xf32, #tpu.memory_space<vmem>> -> memref<1x640xf32, #tpu.memory_space<vmem>>
      %dma_start3A_95 = tpu.memref_squeeze %dma_start3A_94 : memref<1x640xf32, #tpu.memory_space<vmem>> -> memref<640xf32, #tpu.memory_space<vmem>>
      %dma_start3A_96 = tpu.memref_slice %arg4[%run_scoped3A_50, %mul3A_49] : memref<16x10240xf32, #tpu.memory_space<vmem_shared>> -> memref<1x640xf32, #tpu.memory_space<vmem_shared>>
      %dma_start3A_97 = tpu.memref_squeeze %dma_start3A_96 : memref<1x640xf32, #tpu.memory_space<vmem_shared>> -> memref<640xf32, #tpu.memory_space<vmem_shared>>
      tpu.enqueue_dma source(%dma_start3A_97 : memref<640xf32, #tpu.memory_space<vmem_shared>>) target(%dma_start3A_95 : memref<640xf32, #tpu.memory_space<vmem>>) target_semaphore(%run_scoped3A_88 : memref<!tpu.dma_semaphore, #tpu.memory_space<semaphore_mem>>)
      %dma_wait3A = arith.constant 0 : i32
      %dma_wait3A_98 = tpu.memref_slice %arg7[%run_scoped3A_51, %dma_wait3A] : memref<16x640xf32, #tpu.memory_space<vmem>> -> memref<1x640xf32, #tpu.memory_space<vmem>>
      %dma_wait3A_99 = tpu.memref_squeeze %dma_wait3A_98 : memref<1x640xf32, #tpu.memory_space<vmem>> -> memref<640xf32, #tpu.memory_space<vmem>>
      %dma_wait3A_100 = tpu.memref_slice %arg4[%run_scoped3A_50, %mul3A_49] : memref<16x10240xf32, #tpu.memory_space<vmem_shared>> -> memref<1x640xf32, #tpu.memory_space<vmem_shared>>
      %dma_wait3A_101 = tpu.memref_squeeze %dma_wait3A_100 : memref<1x640xf32, #tpu.memory_space<vmem_shared>> -> memref<640xf32, #tpu.memory_space<vmem_shared>>
      %dma_wait3A_102 = arith.constant 0 : i32
      %dma_wait3A_103 = tpu.memref_slice %arg7[%run_scoped3A_51, %dma_wait3A_102] : memref<16x640xf32, #tpu.memory_space<vmem>> -> memref<1x640xf32, #tpu.memory_space<vmem>>
      %dma_wait3A_104 = tpu.memref_squeeze %dma_wait3A_103 : memref<1x640xf32, #tpu.memory_space<vmem>> -> memref<640xf32, #tpu.memory_space<vmem>>
      %dma_wait3A_105 = tpu.memref_slice %arg4[%run_scoped3A_50, %mul3A_49] : memref<16x10240xf32, #tpu.memory_space<vmem_shared>> -> memref<1x640xf32, #tpu.memory_space<vmem_shared>>
      %dma_wait3A_106 = tpu.memref_squeeze %dma_wait3A_105 : memref<1x640xf32, #tpu.memory_space<vmem_shared>> -> memref<640xf32, #tpu.memory_space<vmem_shared>>
      tpu.wait_dma2 semaphore(%run_scoped3A_88 : memref<!tpu.dma_semaphore, #tpu.memory_space<semaphore_mem>>) src(%dma_wait3A_106 : memref<640xf32, #tpu.memory_space<vmem_shared>>) dst(%dma_wait3A_104 : memref<640xf32, #tpu.memory_space<vmem>>)
      tpu.yield
    }) : () -> ()
    %mul3A_52 = arith.constant 640 : i32
    %mul3A_53 = arith.muli %arg1, %mul3A_52 : i32
    %run_scoped3A_54 = arith.constant 10 : i32
    %run_scoped3A_55 = arith.constant 10 : i32
    "tpu.region"() ({
      %run_scoped3A_88 = tpu.sem_alloc : memref<!tpu.dma_semaphore, #tpu.memory_space<semaphore_mem>>
      %dma_start3A = arith.constant 0 : i32
      %dma_start3A_89 = tpu.memref_slice %arg7[%run_scoped3A_55, %dma_start3A] : memref<16x640xf32, #tpu.memory_space<vmem>> -> memref<1x640xf32, #tpu.memory_space<vmem>>
      %dma_start3A_90 = tpu.memref_squeeze %dma_start3A_89 : memref<1x640xf32, #tpu.memory_space<vmem>> -> memref<640xf32, #tpu.memory_space<vmem>>
      %dma_start3A_91 = tpu.memref_slice %arg4[%run_scoped3A_54, %mul3A_53] : memref<16x10240xf32, #tpu.memory_space<vmem_shared>> -> memref<1x640xf32, #tpu.memory_space<vmem_shared>>
      %dma_start3A_92 = tpu.memref_squeeze %dma_start3A_91 : memref<1x640xf32, #tpu.memory_space<vmem_shared>> -> memref<640xf32, #tpu.memory_space<vmem_shared>>
      %dma_start3A_93 = arith.constant 0 : i32
      %dma_start3A_94 = tpu.memref_slice %arg7[%run_scoped3A_55, %dma_start3A_93] : memref<16x640xf32, #tpu.memory_space<vmem>> -> memref<1x640xf32, #tpu.memory_space<vmem>>
      %dma_start3A_95 = tpu.memref_squeeze %dma_start3A_94 : memref<1x640xf32, #tpu.memory_space<vmem>> -> memref<640xf32, #tpu.memory_space<vmem>>
      %dma_start3A_96 = tpu.memref_slice %arg4[%run_scoped3A_54, %mul3A_53] : memref<16x10240xf32, #tpu.memory_space<vmem_shared>> -> memref<1x640xf32, #tpu.memory_space<vmem_shared>>
      %dma_start3A_97 = tpu.memref_squeeze %dma_start3A_96 : memref<1x640xf32, #tpu.memory_space<vmem_shared>> -> memref<640xf32, #tpu.memory_space<vmem_shared>>
      tpu.enqueue_dma source(%dma_start3A_97 : memref<640xf32, #tpu.memory_space<vmem_shared>>) target(%dma_start3A_95 : memref<640xf32, #tpu.memory_space<vmem>>) target_semaphore(%run_scoped3A_88 : memref<!tpu.dma_semaphore, #tpu.memory_space<semaphore_mem>>)
      %dma_wait3A = arith.constant 0 : i32
      %dma_wait3A_98 = tpu.memref_slice %arg7[%run_scoped3A_55, %dma_wait3A] : memref<16x640xf32, #tpu.memory_space<vmem>> -> memref<1x640xf32, #tpu.memory_space<vmem>>
      %dma_wait3A_99 = tpu.memref_squeeze %dma_wait3A_98 : memref<1x640xf32, #tpu.memory_space<vmem>> -> memref<640xf32, #tpu.memory_space<vmem>>
      %dma_wait3A_100 = tpu.memref_slice %arg4[%run_scoped3A_54, %mul3A_53] : memref<16x10240xf32, #tpu.memory_space<vmem_shared>> -> memref<1x640xf32, #tpu.memory_space<vmem_shared>>
      %dma_wait3A_101 = tpu.memref_squeeze %dma_wait3A_100 : memref<1x640xf32, #tpu.memory_space<vmem_shared>> -> memref<640xf32, #tpu.memory_space<vmem_shared>>
      %dma_wait3A_102 = arith.constant 0 : i32
      %dma_wait3A_103 = tpu.memref_slice %arg7[%run_scoped3A_55, %dma_wait3A_102] : memref<16x640xf32, #tpu.memory_space<vmem>> -> memref<1x640xf32, #tpu.memory_space<vmem>>
      %dma_wait3A_104 = tpu.memref_squeeze %dma_wait3A_103 : memref<1x640xf32, #tpu.memory_space<vmem>> -> memref<640xf32, #tpu.memory_space<vmem>>
      %dma_wait3A_105 = tpu.memref_slice %arg4[%run_scoped3A_54, %mul3A_53] : memref<16x10240xf32, #tpu.memory_space<vmem_shared>> -> memref<1x640xf32, #tpu.memory_space<vmem_shared>>
      %dma_wait3A_106 = tpu.memref_squeeze %dma_wait3A_105 : memref<1x640xf32, #tpu.memory_space<vmem_shared>> -> memref<640xf32, #tpu.memory_space<vmem_shared>>
      tpu.wait_dma2 semaphore(%run_scoped3A_88 : memref<!tpu.dma_semaphore, #tpu.memory_space<semaphore_mem>>) src(%dma_wait3A_106 : memref<640xf32, #tpu.memory_space<vmem_shared>>) dst(%dma_wait3A_104 : memref<640xf32, #tpu.memory_space<vmem>>)
      tpu.yield
    }) : () -> ()
    %mul3A_56 = arith.constant 640 : i32
    %mul3A_57 = arith.muli %arg1, %mul3A_56 : i32
    %run_scoped3A_58 = arith.constant 11 : i32
    %run_scoped3A_59 = arith.constant 11 : i32
    "tpu.region"() ({
      %run_scoped3A_88 = tpu.sem_alloc : memref<!tpu.dma_semaphore, #tpu.memory_space<semaphore_mem>>
      %dma_start3A = arith.constant 0 : i32
      %dma_start3A_89 = tpu.memref_slice %arg7[%run_scoped3A_59, %dma_start3A] : memref<16x640xf32, #tpu.memory_space<vmem>> -> memref<1x640xf32, #tpu.memory_space<vmem>>
      %dma_start3A_90 = tpu.memref_squeeze %dma_start3A_89 : memref<1x640xf32, #tpu.memory_space<vmem>> -> memref<640xf32, #tpu.memory_space<vmem>>
      %dma_start3A_91 = tpu.memref_slice %arg4[%run_scoped3A_58, %mul3A_57] : memref<16x10240xf32, #tpu.memory_space<vmem_shared>> -> memref<1x640xf32, #tpu.memory_space<vmem_shared>>
      %dma_start3A_92 = tpu.memref_squeeze %dma_start3A_91 : memref<1x640xf32, #tpu.memory_space<vmem_shared>> -> memref<640xf32, #tpu.memory_space<vmem_shared>>
      %dma_start3A_93 = arith.constant 0 : i32
      %dma_start3A_94 = tpu.memref_slice %arg7[%run_scoped3A_59, %dma_start3A_93] : memref<16x640xf32, #tpu.memory_space<vmem>> -> memref<1x640xf32, #tpu.memory_space<vmem>>
      %dma_start3A_95 = tpu.memref_squeeze %dma_start3A_94 : memref<1x640xf32, #tpu.memory_space<vmem>> -> memref<640xf32, #tpu.memory_space<vmem>>
      %dma_start3A_96 = tpu.memref_slice %arg4[%run_scoped3A_58, %mul3A_57] : memref<16x10240xf32, #tpu.memory_space<vmem_shared>> -> memref<1x640xf32, #tpu.memory_space<vmem_shared>>
      %dma_start3A_97 = tpu.memref_squeeze %dma_start3A_96 : memref<1x640xf32, #tpu.memory_space<vmem_shared>> -> memref<640xf32, #tpu.memory_space<vmem_shared>>
      tpu.enqueue_dma source(%dma_start3A_97 : memref<640xf32, #tpu.memory_space<vmem_shared>>) target(%dma_start3A_95 : memref<640xf32, #tpu.memory_space<vmem>>) target_semaphore(%run_scoped3A_88 : memref<!tpu.dma_semaphore, #tpu.memory_space<semaphore_mem>>)
      %dma_wait3A = arith.constant 0 : i32
      %dma_wait3A_98 = tpu.memref_slice %arg7[%run_scoped3A_59, %dma_wait3A] : memref<16x640xf32, #tpu.memory_space<vmem>> -> memref<1x640xf32, #tpu.memory_space<vmem>>
      %dma_wait3A_99 = tpu.memref_squeeze %dma_wait3A_98 : memref<1x640xf32, #tpu.memory_space<vmem>> -> memref<640xf32, #tpu.memory_space<vmem>>
      %dma_wait3A_100 = tpu.memref_slice %arg4[%run_scoped3A_58, %mul3A_57] : memref<16x10240xf32, #tpu.memory_space<vmem_shared>> -> memref<1x640xf32, #tpu.memory_space<vmem_shared>>
      %dma_wait3A_101 = tpu.memref_squeeze %dma_wait3A_100 : memref<1x640xf32, #tpu.memory_space<vmem_shared>> -> memref<640xf32, #tpu.memory_space<vmem_shared>>
      %dma_wait3A_102 = arith.constant 0 : i32
      %dma_wait3A_103 = tpu.memref_slice %arg7[%run_scoped3A_59, %dma_wait3A_102] : memref<16x640xf32, #tpu.memory_space<vmem>> -> memref<1x640xf32, #tpu.memory_space<vmem>>
      %dma_wait3A_104 = tpu.memref_squeeze %dma_wait3A_103 : memref<1x640xf32, #tpu.memory_space<vmem>> -> memref<640xf32, #tpu.memory_space<vmem>>
      %dma_wait3A_105 = tpu.memref_slice %arg4[%run_scoped3A_58, %mul3A_57] : memref<16x10240xf32, #tpu.memory_space<vmem_shared>> -> memref<1x640xf32, #tpu.memory_space<vmem_shared>>
      %dma_wait3A_106 = tpu.memref_squeeze %dma_wait3A_105 : memref<1x640xf32, #tpu.memory_space<vmem_shared>> -> memref<640xf32, #tpu.memory_space<vmem_shared>>
      tpu.wait_dma2 semaphore(%run_scoped3A_88 : memref<!tpu.dma_semaphore, #tpu.memory_space<semaphore_mem>>) src(%dma_wait3A_106 : memref<640xf32, #tpu.memory_space<vmem_shared>>) dst(%dma_wait3A_104 : memref<640xf32, #tpu.memory_space<vmem>>)
      tpu.yield
    }) : () -> ()
    %mul3A_60 = arith.constant 640 : i32
    %mul3A_61 = arith.muli %arg1, %mul3A_60 : i32
    %run_scoped3A_62 = arith.constant 12 : i32
    %run_scoped3A_63 = arith.constant 12 : i32
    "tpu.region"() ({
      %run_scoped3A_88 = tpu.sem_alloc : memref<!tpu.dma_semaphore, #tpu.memory_space<semaphore_mem>>
      %dma_start3A = arith.constant 0 : i32
      %dma_start3A_89 = tpu.memref_slice %arg7[%run_scoped3A_63, %dma_start3A] : memref<16x640xf32, #tpu.memory_space<vmem>> -> memref<1x640xf32, #tpu.memory_space<vmem>>
      %dma_start3A_90 = tpu.memref_squeeze %dma_start3A_89 : memref<1x640xf32, #tpu.memory_space<vmem>> -> memref<640xf32, #tpu.memory_space<vmem>>
      %dma_start3A_91 = tpu.memref_slice %arg4[%run_scoped3A_62, %mul3A_61] : memref<16x10240xf32, #tpu.memory_space<vmem_shared>> -> memref<1x640xf32, #tpu.memory_space<vmem_shared>>
      %dma_start3A_92 = tpu.memref_squeeze %dma_start3A_91 : memref<1x640xf32, #tpu.memory_space<vmem_shared>> -> memref<640xf32, #tpu.memory_space<vmem_shared>>
      %dma_start3A_93 = arith.constant 0 : i32
      %dma_start3A_94 = tpu.memref_slice %arg7[%run_scoped3A_63, %dma_start3A_93] : memref<16x640xf32, #tpu.memory_space<vmem>> -> memref<1x640xf32, #tpu.memory_space<vmem>>
      %dma_start3A_95 = tpu.memref_squeeze %dma_start3A_94 : memref<1x640xf32, #tpu.memory_space<vmem>> -> memref<640xf32, #tpu.memory_space<vmem>>
      %dma_start3A_96 = tpu.memref_slice %arg4[%run_scoped3A_62, %mul3A_61] : memref<16x10240xf32, #tpu.memory_space<vmem_shared>> -> memref<1x640xf32, #tpu.memory_space<vmem_shared>>
      %dma_start3A_97 = tpu.memref_squeeze %dma_start3A_96 : memref<1x640xf32, #tpu.memory_space<vmem_shared>> -> memref<640xf32, #tpu.memory_space<vmem_shared>>
      tpu.enqueue_dma source(%dma_start3A_97 : memref<640xf32, #tpu.memory_space<vmem_shared>>) target(%dma_start3A_95 : memref<640xf32, #tpu.memory_space<vmem>>) target_semaphore(%run_scoped3A_88 : memref<!tpu.dma_semaphore, #tpu.memory_space<semaphore_mem>>)
      %dma_wait3A = arith.constant 0 : i32
      %dma_wait3A_98 = tpu.memref_slice %arg7[%run_scoped3A_63, %dma_wait3A] : memref<16x640xf32, #tpu.memory_space<vmem>> -> memref<1x640xf32, #tpu.memory_space<vmem>>
      %dma_wait3A_99 = tpu.memref_squeeze %dma_wait3A_98 : memref<1x640xf32, #tpu.memory_space<vmem>> -> memref<640xf32, #tpu.memory_space<vmem>>
      %dma_wait3A_100 = tpu.memref_slice %arg4[%run_scoped3A_62, %mul3A_61] : memref<16x10240xf32, #tpu.memory_space<vmem_shared>> -> memref<1x640xf32, #tpu.memory_space<vmem_shared>>
      %dma_wait3A_101 = tpu.memref_squeeze %dma_wait3A_100 : memref<1x640xf32, #tpu.memory_space<vmem_shared>> -> memref<640xf32, #tpu.memory_space<vmem_shared>>
      %dma_wait3A_102 = arith.constant 0 : i32
      %dma_wait3A_103 = tpu.memref_slice %arg7[%run_scoped3A_63, %dma_wait3A_102] : memref<16x640xf32, #tpu.memory_space<vmem>> -> memref<1x640xf32, #tpu.memory_space<vmem>>
      %dma_wait3A_104 = tpu.memref_squeeze %dma_wait3A_103 : memref<1x640xf32, #tpu.memory_space<vmem>> -> memref<640xf32, #tpu.memory_space<vmem>>
      %dma_wait3A_105 = tpu.memref_slice %arg4[%run_scoped3A_62, %mul3A_61] : memref<16x10240xf32, #tpu.memory_space<vmem_shared>> -> memref<1x640xf32, #tpu.memory_space<vmem_shared>>
      %dma_wait3A_106 = tpu.memref_squeeze %dma_wait3A_105 : memref<1x640xf32, #tpu.memory_space<vmem_shared>> -> memref<640xf32, #tpu.memory_space<vmem_shared>>
      tpu.wait_dma2 semaphore(%run_scoped3A_88 : memref<!tpu.dma_semaphore, #tpu.memory_space<semaphore_mem>>) src(%dma_wait3A_106 : memref<640xf32, #tpu.memory_space<vmem_shared>>) dst(%dma_wait3A_104 : memref<640xf32, #tpu.memory_space<vmem>>)
      tpu.yield
    }) : () -> ()
    %mul3A_64 = arith.constant 640 : i32
    %mul3A_65 = arith.muli %arg1, %mul3A_64 : i32
    %run_scoped3A_66 = arith.constant 13 : i32
    %run_scoped3A_67 = arith.constant 13 : i32
    "tpu.region"() ({
      %run_scoped3A_88 = tpu.sem_alloc : memref<!tpu.dma_semaphore, #tpu.memory_space<semaphore_mem>>
      %dma_start3A = arith.constant 0 : i32
      %dma_start3A_89 = tpu.memref_slice %arg7[%run_scoped3A_67, %dma_start3A] : memref<16x640xf32, #tpu.memory_space<vmem>> -> memref<1x640xf32, #tpu.memory_space<vmem>>
      %dma_start3A_90 = tpu.memref_squeeze %dma_start3A_89 : memref<1x640xf32, #tpu.memory_space<vmem>> -> memref<640xf32, #tpu.memory_space<vmem>>
      %dma_start3A_91 = tpu.memref_slice %arg4[%run_scoped3A_66, %mul3A_65] : memref<16x10240xf32, #tpu.memory_space<vmem_shared>> -> memref<1x640xf32, #tpu.memory_space<vmem_shared>>
      %dma_start3A_92 = tpu.memref_squeeze %dma_start3A_91 : memref<1x640xf32, #tpu.memory_space<vmem_shared>> -> memref<640xf32, #tpu.memory_space<vmem_shared>>
      %dma_start3A_93 = arith.constant 0 : i32
      %dma_start3A_94 = tpu.memref_slice %arg7[%run_scoped3A_67, %dma_start3A_93] : memref<16x640xf32, #tpu.memory_space<vmem>> -> memref<1x640xf32, #tpu.memory_space<vmem>>
      %dma_start3A_95 = tpu.memref_squeeze %dma_start3A_94 : memref<1x640xf32, #tpu.memory_space<vmem>> -> memref<640xf32, #tpu.memory_space<vmem>>
      %dma_start3A_96 = tpu.memref_slice %arg4[%run_scoped3A_66, %mul3A_65] : memref<16x10240xf32, #tpu.memory_space<vmem_shared>> -> memref<1x640xf32, #tpu.memory_space<vmem_shared>>
      %dma_start3A_97 = tpu.memref_squeeze %dma_start3A_96 : memref<1x640xf32, #tpu.memory_space<vmem_shared>> -> memref<640xf32, #tpu.memory_space<vmem_shared>>
      tpu.enqueue_dma source(%dma_start3A_97 : memref<640xf32, #tpu.memory_space<vmem_shared>>) target(%dma_start3A_95 : memref<640xf32, #tpu.memory_space<vmem>>) target_semaphore(%run_scoped3A_88 : memref<!tpu.dma_semaphore, #tpu.memory_space<semaphore_mem>>)
      %dma_wait3A = arith.constant 0 : i32
      %dma_wait3A_98 = tpu.memref_slice %arg7[%run_scoped3A_67, %dma_wait3A] : memref<16x640xf32, #tpu.memory_space<vmem>> -> memref<1x640xf32, #tpu.memory_space<vmem>>
      %dma_wait3A_99 = tpu.memref_squeeze %dma_wait3A_98 : memref<1x640xf32, #tpu.memory_space<vmem>> -> memref<640xf32, #tpu.memory_space<vmem>>
      %dma_wait3A_100 = tpu.memref_slice %arg4[%run_scoped3A_66, %mul3A_65] : memref<16x10240xf32, #tpu.memory_space<vmem_shared>> -> memref<1x640xf32, #tpu.memory_space<vmem_shared>>
      %dma_wait3A_101 = tpu.memref_squeeze %dma_wait3A_100 : memref<1x640xf32, #tpu.memory_space<vmem_shared>> -> memref<640xf32, #tpu.memory_space<vmem_shared>>
      %dma_wait3A_102 = arith.constant 0 : i32
      %dma_wait3A_103 = tpu.memref_slice %arg7[%run_scoped3A_67, %dma_wait3A_102] : memref<16x640xf32, #tpu.memory_space<vmem>> -> memref<1x640xf32, #tpu.memory_space<vmem>>
      %dma_wait3A_104 = tpu.memref_squeeze %dma_wait3A_103 : memref<1x640xf32, #tpu.memory_space<vmem>> -> memref<640xf32, #tpu.memory_space<vmem>>
      %dma_wait3A_105 = tpu.memref_slice %arg4[%run_scoped3A_66, %mul3A_65] : memref<16x10240xf32, #tpu.memory_space<vmem_shared>> -> memref<1x640xf32, #tpu.memory_space<vmem_shared>>
      %dma_wait3A_106 = tpu.memref_squeeze %dma_wait3A_105 : memref<1x640xf32, #tpu.memory_space<vmem_shared>> -> memref<640xf32, #tpu.memory_space<vmem_shared>>
      tpu.wait_dma2 semaphore(%run_scoped3A_88 : memref<!tpu.dma_semaphore, #tpu.memory_space<semaphore_mem>>) src(%dma_wait3A_106 : memref<640xf32, #tpu.memory_space<vmem_shared>>) dst(%dma_wait3A_104 : memref<640xf32, #tpu.memory_space<vmem>>)
      tpu.yield
    }) : () -> ()
    %mul3A_68 = arith.constant 640 : i32
    %mul3A_69 = arith.muli %arg1, %mul3A_68 : i32
    %run_scoped3A_70 = arith.constant 14 : i32
    %run_scoped3A_71 = arith.constant 14 : i32
    "tpu.region"() ({
      %run_scoped3A_88 = tpu.sem_alloc : memref<!tpu.dma_semaphore, #tpu.memory_space<semaphore_mem>>
      %dma_start3A = arith.constant 0 : i32
      %dma_start3A_89 = tpu.memref_slice %arg7[%run_scoped3A_71, %dma_start3A] : memref<16x640xf32, #tpu.memory_space<vmem>> -> memref<1x640xf32, #tpu.memory_space<vmem>>
      %dma_start3A_90 = tpu.memref_squeeze %dma_start3A_89 : memref<1x640xf32, #tpu.memory_space<vmem>> -> memref<640xf32, #tpu.memory_space<vmem>>
      %dma_start3A_91 = tpu.memref_slice %arg4[%run_scoped3A_70, %mul3A_69] : memref<16x10240xf32, #tpu.memory_space<vmem_shared>> -> memref<1x640xf32, #tpu.memory_space<vmem_shared>>
      %dma_start3A_92 = tpu.memref_squeeze %dma_start3A_91 : memref<1x640xf32, #tpu.memory_space<vmem_shared>> -> memref<640xf32, #tpu.memory_space<vmem_shared>>
      %dma_start3A_93 = arith.constant 0 : i32
      %dma_start3A_94 = tpu.memref_slice %arg7[%run_scoped3A_71, %dma_start3A_93] : memref<16x640xf32, #tpu.memory_space<vmem>> -> memref<1x640xf32, #tpu.memory_space<vmem>>
      %dma_start3A_95 = tpu.memref_squeeze %dma_start3A_94 : memref<1x640xf32, #tpu.memory_space<vmem>> -> memref<640xf32, #tpu.memory_space<vmem>>
      %dma_start3A_96 = tpu.memref_slice %arg4[%run_scoped3A_70, %mul3A_69] : memref<16x10240xf32, #tpu.memory_space<vmem_shared>> -> memref<1x640xf32, #tpu.memory_space<vmem_shared>>
      %dma_start3A_97 = tpu.memref_squeeze %dma_start3A_96 : memref<1x640xf32, #tpu.memory_space<vmem_shared>> -> memref<640xf32, #tpu.memory_space<vmem_shared>>
      tpu.enqueue_dma source(%dma_start3A_97 : memref<640xf32, #tpu.memory_space<vmem_shared>>) target(%dma_start3A_95 : memref<640xf32, #tpu.memory_space<vmem>>) target_semaphore(%run_scoped3A_88 : memref<!tpu.dma_semaphore, #tpu.memory_space<semaphore_mem>>)
      %dma_wait3A = arith.constant 0 : i32
      %dma_wait3A_98 = tpu.memref_slice %arg7[%run_scoped3A_71, %dma_wait3A] : memref<16x640xf32, #tpu.memory_space<vmem>> -> memref<1x640xf32, #tpu.memory_space<vmem>>
      %dma_wait3A_99 = tpu.memref_squeeze %dma_wait3A_98 : memref<1x640xf32, #tpu.memory_space<vmem>> -> memref<640xf32, #tpu.memory_space<vmem>>
      %dma_wait3A_100 = tpu.memref_slice %arg4[%run_scoped3A_70, %mul3A_69] : memref<16x10240xf32, #tpu.memory_space<vmem_shared>> -> memref<1x640xf32, #tpu.memory_space<vmem_shared>>
      %dma_wait3A_101 = tpu.memref_squeeze %dma_wait3A_100 : memref<1x640xf32, #tpu.memory_space<vmem_shared>> -> memref<640xf32, #tpu.memory_space<vmem_shared>>
      %dma_wait3A_102 = arith.constant 0 : i32
      %dma_wait3A_103 = tpu.memref_slice %arg7[%run_scoped3A_71, %dma_wait3A_102] : memref<16x640xf32, #tpu.memory_space<vmem>> -> memref<1x640xf32, #tpu.memory_space<vmem>>
      %dma_wait3A_104 = tpu.memref_squeeze %dma_wait3A_103 : memref<1x640xf32, #tpu.memory_space<vmem>> -> memref<640xf32, #tpu.memory_space<vmem>>
      %dma_wait3A_105 = tpu.memref_slice %arg4[%run_scoped3A_70, %mul3A_69] : memref<16x10240xf32, #tpu.memory_space<vmem_shared>> -> memref<1x640xf32, #tpu.memory_space<vmem_shared>>
      %dma_wait3A_106 = tpu.memref_squeeze %dma_wait3A_105 : memref<1x640xf32, #tpu.memory_space<vmem_shared>> -> memref<640xf32, #tpu.memory_space<vmem_shared>>
      tpu.wait_dma2 semaphore(%run_scoped3A_88 : memref<!tpu.dma_semaphore, #tpu.memory_space<semaphore_mem>>) src(%dma_wait3A_106 : memref<640xf32, #tpu.memory_space<vmem_shared>>) dst(%dma_wait3A_104 : memref<640xf32, #tpu.memory_space<vmem>>)
      tpu.yield
    }) : () -> ()
    %mul3A_72 = arith.constant 640 : i32
    %mul3A_73 = arith.muli %arg1, %mul3A_72 : i32
    %run_scoped3A_74 = arith.constant 15 : i32
    %run_scoped3A_75 = arith.constant 15 : i32
    "tpu.region"() ({
      %run_scoped3A_88 = tpu.sem_alloc : memref<!tpu.dma_semaphore, #tpu.memory_space<semaphore_mem>>
      %dma_start3A = arith.constant 0 : i32
      %dma_start3A_89 = tpu.memref_slice %arg7[%run_scoped3A_75, %dma_start3A] : memref<16x640xf32, #tpu.memory_space<vmem>> -> memref<1x640xf32, #tpu.memory_space<vmem>>
      %dma_start3A_90 = tpu.memref_squeeze %dma_start3A_89 : memref<1x640xf32, #tpu.memory_space<vmem>> -> memref<640xf32, #tpu.memory_space<vmem>>
      %dma_start3A_91 = tpu.memref_slice %arg4[%run_scoped3A_74, %mul3A_73] : memref<16x10240xf32, #tpu.memory_space<vmem_shared>> -> memref<1x640xf32, #tpu.memory_space<vmem_shared>>
      %dma_start3A_92 = tpu.memref_squeeze %dma_start3A_91 : memref<1x640xf32, #tpu.memory_space<vmem_shared>> -> memref<640xf32, #tpu.memory_space<vmem_shared>>
      %dma_start3A_93 = arith.constant 0 : i32
      %dma_start3A_94 = tpu.memref_slice %arg7[%run_scoped3A_75, %dma_start3A_93] : memref<16x640xf32, #tpu.memory_space<vmem>> -> memref<1x640xf32, #tpu.memory_space<vmem>>
      %dma_start3A_95 = tpu.memref_squeeze %dma_start3A_94 : memref<1x640xf32, #tpu.memory_space<vmem>> -> memref<640xf32, #tpu.memory_space<vmem>>
      %dma_start3A_96 = tpu.memref_slice %arg4[%run_scoped3A_74, %mul3A_73] : memref<16x10240xf32, #tpu.memory_space<vmem_shared>> -> memref<1x640xf32, #tpu.memory_space<vmem_shared>>
      %dma_start3A_97 = tpu.memref_squeeze %dma_start3A_96 : memref<1x640xf32, #tpu.memory_space<vmem_shared>> -> memref<640xf32, #tpu.memory_space<vmem_shared>>
      tpu.enqueue_dma source(%dma_start3A_97 : memref<640xf32, #tpu.memory_space<vmem_shared>>) target(%dma_start3A_95 : memref<640xf32, #tpu.memory_space<vmem>>) target_semaphore(%run_scoped3A_88 : memref<!tpu.dma_semaphore, #tpu.memory_space<semaphore_mem>>)
      %dma_wait3A = arith.constant 0 : i32
      %dma_wait3A_98 = tpu.memref_slice %arg7[%run_scoped3A_75, %dma_wait3A] : memref<16x640xf32, #tpu.memory_space<vmem>> -> memref<1x640xf32, #tpu.memory_space<vmem>>
      %dma_wait3A_99 = tpu.memref_squeeze %dma_wait3A_98 : memref<1x640xf32, #tpu.memory_space<vmem>> -> memref<640xf32, #tpu.memory_space<vmem>>
      %dma_wait3A_100 = tpu.memref_slice %arg4[%run_scoped3A_74, %mul3A_73] : memref<16x10240xf32, #tpu.memory_space<vmem_shared>> -> memref<1x640xf32, #tpu.memory_space<vmem_shared>>
      %dma_wait3A_101 = tpu.memref_squeeze %dma_wait3A_100 : memref<1x640xf32, #tpu.memory_space<vmem_shared>> -> memref<640xf32, #tpu.memory_space<vmem_shared>>
      %dma_wait3A_102 = arith.constant 0 : i32
      %dma_wait3A_103 = tpu.memref_slice %arg7[%run_scoped3A_75, %dma_wait3A_102] : memref<16x640xf32, #tpu.memory_space<vmem>> -> memref<1x640xf32, #tpu.memory_space<vmem>>
      %dma_wait3A_104 = tpu.memref_squeeze %dma_wait3A_103 : memref<1x640xf32, #tpu.memory_space<vmem>> -> memref<640xf32, #tpu.memory_space<vmem>>
      %dma_wait3A_105 = tpu.memref_slice %arg4[%run_scoped3A_74, %mul3A_73] : memref<16x10240xf32, #tpu.memory_space<vmem_shared>> -> memref<1x640xf32, #tpu.memory_space<vmem_shared>>
      %dma_wait3A_106 = tpu.memref_squeeze %dma_wait3A_105 : memref<1x640xf32, #tpu.memory_space<vmem_shared>> -> memref<640xf32, #tpu.memory_space<vmem_shared>>
      tpu.wait_dma2 semaphore(%run_scoped3A_88 : memref<!tpu.dma_semaphore, #tpu.memory_space<semaphore_mem>>) src(%dma_wait3A_106 : memref<640xf32, #tpu.memory_space<vmem_shared>>) dst(%dma_wait3A_104 : memref<640xf32, #tpu.memory_space<vmem>>)
      tpu.yield
    }) : () -> ()
    %scan3A_76 = arith.constant 0 : i32
    %scan3A_77 = arith.constant 40 : i32
    %scan3A_78 = arith.addi %scan3A_76, %scan3A_77 : i32
    %scan3A_79 = arith.constant 1 : i32
    scf.for %scan3A_88 = %scan3A_76 to %scan3A_78 step %scan3A_79  : i32 {
      %mul3A_89 = arith.constant 1 : i32
      %mul3A_90 = arith.muli %scan3A_88, %mul3A_89 : i32
      %add3A_91 = arith.constant 0 : i32
      %add3A_92 = arith.addi %add3A_91, %mul3A_90 : i32
      %mul3A_93 = arith.constant 16 : i32
      %mul3A_94 = arith.muli %add3A_92, %mul3A_93 : i32
      %get3A = arith.constant 0 : i32
      %get3A_95 = arith.index_cast %get3A : i32 to index
      %get3A_96 = arith.index_cast %mul3A_94 : i32 to index
      %get3A_97 = tpu.vector_load %arg7[%get3A_95, %get3A_96] {strides = array<i32>} : memref<16x640xf32, #tpu.memory_space<vmem>>, vector<16xf32>,
      %mul3A_98 = arith.constant 16 : i32
      %mul3A_99 = arith.muli %add3A_92, %mul3A_98 : i32
      %get3A_100 = arith.constant 1 : i32
      %get3A_101 = arith.index_cast %get3A_100 : i32 to index
      %get3A_102 = arith.index_cast %mul3A_99 : i32 to index
      %get3A_103 = tpu.vector_load %arg7[%get3A_101, %get3A_102] {strides = array<i32>} : memref<16x640xf32, #tpu.memory_space<vmem>>, vector<16xf32>,
      %add3A_104 = arith.addf %get3A_97, %get3A_103 : vector<16xf32>
      %mul3A_105 = arith.constant 16 : i32
      %mul3A_106 = arith.muli %add3A_92, %mul3A_105 : i32
      %get3A_107 = arith.constant 2 : i32
      %get3A_108 = arith.index_cast %get3A_107 : i32 to index
      %get3A_109 = arith.index_cast %mul3A_106 : i32 to index
      %get3A_110 = tpu.vector_load %arg7[%get3A_108, %get3A_109] {strides = array<i32>} : memref<16x640xf32, #tpu.memory_space<vmem>>, vector<16xf32>,
      %add3A_111 = arith.addf %add3A_104, %get3A_110 : vector<16xf32>
      %mul3A_112 = arith.constant 16 : i32
      %mul3A_113 = arith.muli %add3A_92, %mul3A_112 : i32
      %get3A_114 = arith.constant 3 : i32
      %get3A_115 = arith.index_cast %get3A_114 : i32 to index
      %get3A_116 = arith.index_cast %mul3A_113 : i32 to index
      %get3A_117 = tpu.vector_load %arg7[%get3A_115, %get3A_116] {strides = array<i32>} : memref<16x640xf32, #tpu.memory_space<vmem>>, vector<16xf32>,
      %add3A_118 = arith.addf %add3A_111, %get3A_117 : vector<16xf32>
      %mul3A_119 = arith.constant 16 : i32
      %mul3A_120 = arith.muli %add3A_92, %mul3A_119 : i32
      %get3A_121 = arith.constant 4 : i32
      %get3A_122 = arith.index_cast %get3A_121 : i32 to index
      %get3A_123 = arith.index_cast %mul3A_120 : i32 to index
      %get3A_124 = tpu.vector_load %arg7[%get3A_122, %get3A_123] {strides = array<i32>} : memref<16x640xf32, #tpu.memory_space<vmem>>, vector<16xf32>,
      %add3A_125 = arith.addf %add3A_118, %get3A_124 : vector<16xf32>
      %mul3A_126 = arith.constant 16 : i32
      %mul3A_127 = arith.muli %add3A_92, %mul3A_126 : i32
      %get3A_128 = arith.constant 5 : i32
      %get3A_129 = arith.index_cast %get3A_128 : i32 to index
      %get3A_130 = arith.index_cast %mul3A_127 : i32 to index
      %get3A_131 = tpu.vector_load %arg7[%get3A_129, %get3A_130] {strides = array<i32>} : memref<16x640xf32, #tpu.memory_space<vmem>>, vector<16xf32>,
      %add3A_132 = arith.addf %add3A_125, %get3A_131 : vector<16xf32>
      %mul3A_133 = arith.constant 16 : i32
      %mul3A_134 = arith.muli %add3A_92, %mul3A_133 : i32
      %get3A_135 = arith.constant 6 : i32
      %get3A_136 = arith.index_cast %get3A_135 : i32 to index
      %get3A_137 = arith.index_cast %mul3A_134 : i32 to index
      %get3A_138 = tpu.vector_load %arg7[%get3A_136, %get3A_137] {strides = array<i32>} : memref<16x640xf32, #tpu.memory_space<vmem>>, vector<16xf32>,
      %add3A_139 = arith.addf %add3A_132, %get3A_138 : vector<16xf32>
      %mul3A_140 = arith.constant 16 : i32
      %mul3A_141 = arith.muli %add3A_92, %mul3A_140 : i32
      %get3A_142 = arith.constant 7 : i32
      %get3A_143 = arith.index_cast %get3A_142 : i32 to index
      %get3A_144 = arith.index_cast %mul3A_141 : i32 to index
      %get3A_145 = tpu.vector_load %arg7[%get3A_143, %get3A_144] {strides = array<i32>} : memref<16x640xf32, #tpu.memory_space<vmem>>, vector<16xf32>,
      %add3A_146 = arith.addf %add3A_139, %get3A_145 : vector<16xf32>
      %mul3A_147 = arith.constant 16 : i32
      %mul3A_148 = arith.muli %add3A_92, %mul3A_147 : i32
      %get3A_149 = arith.constant 8 : i32
      %get3A_150 = arith.index_cast %get3A_149 : i32 to index
      %get3A_151 = arith.index_cast %mul3A_148 : i32 to index
      %get3A_152 = tpu.vector_load %arg7[%get3A_150, %get3A_151] {strides = array<i32>} : memref<16x640xf32, #tpu.memory_space<vmem>>, vector<16xf32>,
      %add3A_153 = arith.addf %add3A_146, %get3A_152 : vector<16xf32>
      %mul3A_154 = arith.constant 16 : i32
      %mul3A_155 = arith.muli %add3A_92, %mul3A_154 : i32
      %get3A_156 = arith.constant 9 : i32
      %get3A_157 = arith.index_cast %get3A_156 : i32 to index
      %get3A_158 = arith.index_cast %mul3A_155 : i32 to index
      %get3A_159 = tpu.vector_load %arg7[%get3A_157, %get3A_158] {strides = array<i32>} : memref<16x640xf32, #tpu.memory_space<vmem>>, vector<16xf32>,
      %add3A_160 = arith.addf %add3A_153, %get3A_159 : vector<16xf32>
      %mul3A_161 = arith.constant 16 : i32
      %mul3A_162 = arith.muli %add3A_92, %mul3A_161 : i32
      %get3A_163 = arith.constant 10 : i32
      %get3A_164 = arith.index_cast %get3A_163 : i32 to index
      %get3A_165 = arith.index_cast %mul3A_162 : i32 to index
      %get3A_166 = tpu.vector_load %arg7[%get3A_164, %get3A_165] {strides = array<i32>} : memref<16x640xf32, #tpu.memory_space<vmem>>, vector<16xf32>,
      %add3A_167 = arith.addf %add3A_160, %get3A_166 : vector<16xf32>
      %mul3A_168 = arith.constant 16 : i32
      %mul3A_169 = arith.muli %add3A_92, %mul3A_168 : i32
      %get3A_170 = arith.constant 11 : i32
      %get3A_171 = arith.index_cast %get3A_170 : i32 to index
      %get3A_172 = arith.index_cast %mul3A_169 : i32 to index
      %get3A_173 = tpu.vector_load %arg7[%get3A_171, %get3A_172] {strides = array<i32>} : memref<16x640xf32, #tpu.memory_space<vmem>>, vector<16xf32>,
      %add3A_174 = arith.addf %add3A_167, %get3A_173 : vector<16xf32>
      %mul3A_175 = arith.constant 16 : i32
      %mul3A_176 = arith.muli %add3A_92, %mul3A_175 : i32
      %get3A_177 = arith.constant 12 : i32
      %get3A_178 = arith.index_cast %get3A_177 : i32 to index
      %get3A_179 = arith.index_cast %mul3A_176 : i32 to index
      %get3A_180 = tpu.vector_load %arg7[%get3A_178, %get3A_179] {strides = array<i32>} : memref<16x640xf32, #tpu.memory_space<vmem>>, vector<16xf32>,
      %add3A_181 = arith.addf %add3A_174, %get3A_180 : vector<16xf32>
      %mul3A_182 = arith.constant 16 : i32
      %mul3A_183 = arith.muli %add3A_92, %mul3A_182 : i32
      %get3A_184 = arith.constant 13 : i32
      %get3A_185 = arith.index_cast %get3A_184 : i32 to index
      %get3A_186 = arith.index_cast %mul3A_183 : i32 to index
      %get3A_187 = tpu.vector_load %arg7[%get3A_185, %get3A_186] {strides = array<i32>} : memref<16x640xf32, #tpu.memory_space<vmem>>, vector<16xf32>,
      %add3A_188 = arith.addf %add3A_181, %get3A_187 : vector<16xf32>
      %mul3A_189 = arith.constant 16 : i32
      %mul3A_190 = arith.muli %add3A_92, %mul3A_189 : i32
      %get3A_191 = arith.constant 14 : i32
      %get3A_192 = arith.index_cast %get3A_191 : i32 to index
      %get3A_193 = arith.index_cast %mul3A_190 : i32 to index
      %get3A_194 = tpu.vector_load %arg7[%get3A_192, %get3A_193] {strides = array<i32>} : memref<16x640xf32, #tpu.memory_space<vmem>>, vector<16xf32>,
      %add3A_195 = arith.addf %add3A_188, %get3A_194 : vector<16xf32>
      %mul3A_196 = arith.constant 16 : i32
      %mul3A_197 = arith.muli %add3A_92, %mul3A_196 : i32
      %get3A_198 = arith.constant 15 : i32
      %get3A_199 = arith.index_cast %get3A_198 : i32 to index
      %get3A_200 = arith.index_cast %mul3A_197 : i32 to index
      %get3A_201 = tpu.vector_load %arg7[%get3A_199, %get3A_200] {strides = array<i32>} : memref<16x640xf32, #tpu.memory_space<vmem>>, vector<16xf32>,
      %add3A_202 = arith.addf %add3A_195, %get3A_201 : vector<16xf32>
      %mul3A_203 = arith.constant 16 : i32
      %mul3A_204 = arith.muli %add3A_92, %mul3A_203 : i32
      %swap3A = arith.index_cast %mul3A_204 : i32 to index
      %swap3A_205 = tpu.vector_load %arg8[%swap3A] {strides = array<i32>} : memref<640xf32, #tpu.memory_space<vmem>>, vector<16xf32>,
      tpu.vector_store %arg8[%swap3A], %add3A_202 {strides = array<i32>} : memref<640xf32, #tpu.memory_space<vmem>>, vector<16xf32>,
    }
    %scan3A_80 = arith.constant 40 : i32
    %scan3A_81 = arith.constant 0 : i32
    %scan3A_82 = arith.constant 640 : i32
    %scan3A_83 = arith.addi %scan3A_81, %scan3A_82 : i32
    %scan3A_84 = arith.constant 1 : i32
    scf.for %scan3A_88 = %scan3A_81 to %scan3A_83 step %scan3A_84  : i32 {
      %mul3A_89 = arith.constant 1 : i32
      %mul3A_90 = arith.muli %scan3A_88, %mul3A_89 : i32
      %add3A_91 = arith.constant 0 : i32
      %add3A_92 = arith.addi %add3A_91, %mul3A_90 : i32
      %broadcast_in_dim3A_93 = vector.broadcast %add3A_92 : i32 to vector<16xi32>
      %gather3A = tpu.vector_load_idx %arg8[%broadcast_in_dim3A_93] : memref<640xf32, #tpu.memory_space<vmem>>[vector<16xi32>], vector<16xf32>,
      %swap3A = arith.index_cast %add3A_92 : i32 to index
      %swap3A_94 = arith.constant 0 : index
      %swap3A_95 = tpu.vector_load %arg9[%swap3A, %swap3A_94] {strides = array<i32>} : memref<640x16xf32, #tpu.memory_space<vmem>>, vector<16xf32>,
      tpu.vector_store %arg9[%swap3A, %swap3A_94], %gather3A {strides = array<i32>} : memref<640x16xf32, #tpu.memory_space<vmem>>, vector<16xf32>,
    }
    %scan3A_85 = arith.constant 640 : i32
    %mul3A_86 = arith.constant 640 : i32
    %mul3A_87 = arith.muli %arg1, %mul3A_86 : i32
    "tpu.region"() ({
      %run_scoped3A_88 = tpu.sem_alloc : memref<!tpu.dma_semaphore, #tpu.memory_space<semaphore_mem>>
      %dma_start3A = arith.constant 0 : i32
      %dma_start3A_89 = tpu.memref_slice %arg3[%arg0, %mul3A_87, %dma_start3A] : memref<2x10240x16xf32, #tpu.memory_space<hbm>> -> memref<1x640x16xf32, #tpu.memory_space<hbm>>
      %dma_start3A_90 = tpu.memref_squeeze %dma_start3A_89 : memref<1x640x16xf32, #tpu.memory_space<hbm>> -> memref<640x16xf32, #tpu.memory_space<hbm>>
      %dma_start3A_91 = arith.constant 0 : i32
      %dma_start3A_92 = tpu.memref_slice %arg3[%arg0, %mul3A_87, %dma_start3A_91] : memref<2x10240x16xf32, #tpu.memory_space<hbm>> -> memref<1x640x16xf32, #tpu.memory_space<hbm>>
      %dma_start3A_93 = tpu.memref_squeeze %dma_start3A_92 : memref<1x640x16xf32, #tpu.memory_space<hbm>> -> memref<640x16xf32, #tpu.memory_space<hbm>>
      tpu.enqueue_dma source(%arg9 : memref<640x16xf32, #tpu.memory_space<vmem>>) target(%dma_start3A_93 : memref<640x16xf32, #tpu.memory_space<hbm>>) target_semaphore(%run_scoped3A_88 : memref<!tpu.dma_semaphore, #tpu.memory_space<semaphore_mem>>)
      %dma_wait3A = arith.constant 0 : i32
      %dma_wait3A_94 = tpu.memref_slice %arg3[%arg0, %mul3A_87, %dma_wait3A] : memref<2x10240x16xf32, #tpu.memory_space<hbm>> -> memref<1x640x16xf32, #tpu.memory_space<hbm>>
      %dma_wait3A_95 = tpu.memref_squeeze %dma_wait3A_94 : memref<1x640x16xf32, #tpu.memory_space<hbm>> -> memref<640x16xf32, #tpu.memory_space<hbm>>
      %dma_wait3A_96 = arith.constant 0 : i32
      %dma_wait3A_97 = tpu.memref_slice %arg3[%arg0, %mul3A_87, %dma_wait3A_96] : memref<2x10240x16xf32, #tpu.memory_space<hbm>> -> memref<1x640x16xf32, #tpu.memory_space<hbm>>
      %dma_wait3A_98 = tpu.memref_squeeze %dma_wait3A_97 : memref<1x640x16xf32, #tpu.memory_space<hbm>> -> memref<640x16xf32, #tpu.memory_space<hbm>>
      tpu.wait_dma2 semaphore(%run_scoped3A_88 : memref<!tpu.dma_semaphore, #tpu.memory_space<semaphore_mem>>) src(%arg9 : memref<640x16xf32, #tpu.memory_space<vmem>>) dst(%dma_wait3A_98 : memref<640x16xf32, #tpu.memory_space<hbm>>)
      tpu.yield
    }) : () -> ()
    return
  }
}

#map = affine_map<(d0, d1) -> (0, 0)>
#map1 = affine_map<(d0, d1) -> (0, 0, 0)>
module attributes {stable_mosaic.version = 14 : i64} {
  func.func @_scatter_kernel(%arg0: i32, %arg1: i32, %arg2: memref<2560x128xi32, #tpu.memory_space<hbm>>, %arg3: memref<2560x128xi32, #tpu.memory_space<hbm>>, %arg4: memref<10240x128xf32, #tpu.memory_space<hbm>>, %arg5: memref<128x128xf32, #tpu.memory_space<hbm>>, %arg6: memref<2x10240x128xf32, #tpu.memory_space<hbm>>, %arg7: memref<10240x128xf32, #tpu.memory_space<vmem_shared>>, %arg8: memref<40x128xi32, #tpu.memory_space<vmem>>, %arg9: memref<40x128xi32, #tpu.memory_space<vmem>>, %arg10: memref<128x128xf32, #tpu.memory_space<vmem>>, %arg11: memref<128x128xf32, #tpu.memory_space<vmem>>, %arg12: memref<!tpu.dma_semaphore, #tpu.memory_space<semaphore_mem>>, %arg13: memref<!tpu.dma_semaphore, #tpu.memory_space<semaphore_mem>>) attributes {dimension_semantics = [#tpu.dimension_semantics<core_parallel>, #tpu.dimension_semantics<subcore_parallel>], iteration_bounds = array<i64: 2, 16>, scalar_prefetch = 0 : i64, scratch_operands = 7 : i64, tpu.core_type = #tpu.core_type<sc_vector_subcore>, window_params = [{transform_indices = #map}, {transform_indices = #map}, {transform_indices = #map}, {transform_indices = #map}, {transform_indices = #map1}]} {
    %mul3A = arith.constant 2 : i32
    %mul3A_0 = arith.muli %arg1, %mul3A : i32
    %add3A = arith.addi %mul3A_0, %arg0 : i32
    "tpu.region"() ({
      %run_scoped3A = tpu.sem_alloc : memref<!tpu.dma_semaphore, #tpu.memory_space<semaphore_mem>>
      tpu.enqueue_dma source(%arg5 : memref<128x128xf32, #tpu.memory_space<hbm>>) target(%arg10 : memref<128x128xf32, #tpu.memory_space<vmem>>) target_semaphore(%run_scoped3A : memref<!tpu.dma_semaphore, #tpu.memory_space<semaphore_mem>>)
      tpu.wait_dma2 semaphore(%run_scoped3A : memref<!tpu.dma_semaphore, #tpu.memory_space<semaphore_mem>>) src(%arg5 : memref<128x128xf32, #tpu.memory_space<hbm>>) dst(%arg10 : memref<128x128xf32, #tpu.memory_space<vmem>>)
      tpu.yield
    }) : () -> ()
    %scan3A = arith.constant 0 : i32
    %scan3A_1 = arith.constant 5 : i32
    %scan3A_2 = arith.addi %scan3A, %scan3A_1 : i32
    %scan3A_3 = arith.constant 1 : i32
    scf.for %scan3A_16 = %scan3A to %scan3A_2 step %scan3A_3  : i32 {
      %mul3A_17 = arith.constant 1 : i32
      %mul3A_18 = arith.muli %scan3A_16, %mul3A_17 : i32
      %add3A_19 = arith.constant 0 : i32
      %add3A_20 = arith.addi %add3A_19, %mul3A_18 : i32
      %mul3A_21 = arith.constant 640 : i32
      %mul3A_22 = arith.muli %arg1, %mul3A_21 : i32
      %mul3A_23 = arith.constant 128 : i32
      %mul3A_24 = arith.muli %add3A_20, %mul3A_23 : i32
      %add3A_25 = arith.addi %mul3A_22, %mul3A_24 : i32
      "tpu.region"() ({
        %run_scoped3A = tpu.sem_alloc : memref<!tpu.dma_semaphore, #tpu.memory_space<semaphore_mem>>
        %dma_start3A = arith.constant 0 : i32
        %dma_start3A_26 = tpu.memref_slice %arg7[%add3A_25, %dma_start3A] : memref<10240x128xf32, #tpu.memory_space<vmem_shared>> -> memref<128x128xf32, #tpu.memory_space<vmem_shared>>
        %dma_start3A_27 = arith.constant 0 : i32
        %dma_start3A_28 = tpu.memref_slice %arg7[%add3A_25, %dma_start3A_27] : memref<10240x128xf32, #tpu.memory_space<vmem_shared>> -> memref<128x128xf32, #tpu.memory_space<vmem_shared>>
        tpu.enqueue_dma source(%arg10 : memref<128x128xf32, #tpu.memory_space<vmem>>) target(%dma_start3A_28 : memref<128x128xf32, #tpu.memory_space<vmem_shared>>) target_semaphore(%run_scoped3A : memref<!tpu.dma_semaphore, #tpu.memory_space<semaphore_mem>>)
        %dma_wait3A = arith.constant 0 : i32
        %dma_wait3A_29 = tpu.memref_slice %arg7[%add3A_25, %dma_wait3A] : memref<10240x128xf32, #tpu.memory_space<vmem_shared>> -> memref<128x128xf32, #tpu.memory_space<vmem_shared>>
        %dma_wait3A_30 = arith.constant 0 : i32
        %dma_wait3A_31 = tpu.memref_slice %arg7[%add3A_25, %dma_wait3A_30] : memref<10240x128xf32, #tpu.memory_space<vmem_shared>> -> memref<128x128xf32, #tpu.memory_space<vmem_shared>>
        tpu.wait_dma2 semaphore(%run_scoped3A : memref<!tpu.dma_semaphore, #tpu.memory_space<semaphore_mem>>) src(%arg10 : memref<128x128xf32, #tpu.memory_space<vmem>>) dst(%dma_wait3A_31 : memref<128x128xf32, #tpu.memory_space<vmem_shared>>)
        tpu.yield
      }) : () -> ()
    }
    %scan3A_4 = arith.constant 5 : i32
    %barrier3A = arith.constant 0 : index
    tpu.barrier barrier_id(%barrier3A)
    %scan3A_5 = arith.constant 0 : i32
    %scan3A_6 = arith.constant 2 : i32
    %scan3A_7 = arith.addi %scan3A_5, %scan3A_6 : i32
    %scan3A_8 = arith.constant 1 : i32
    scf.for %scan3A_16 = %scan3A_5 to %scan3A_7 step %scan3A_8  : i32 {
      %mul3A_17 = arith.constant 1 : i32
      %mul3A_18 = arith.muli %scan3A_16, %mul3A_17 : i32
      %add3A_19 = arith.constant 0 : i32
      %add3A_20 = arith.addi %add3A_19, %mul3A_18 : i32
      %mul3A_21 = arith.constant 80 : i32
      %mul3A_22 = arith.muli %add3A, %mul3A_21 : i32
      %mul3A_23 = arith.constant 40 : i32
      %mul3A_24 = arith.muli %add3A_20, %mul3A_23 : i32
      %add3A_25 = arith.addi %mul3A_22, %mul3A_24 : i32
      "tpu.region"() ({
        %run_scoped3A_58 = tpu.sem_alloc : memref<!tpu.dma_semaphore, #tpu.memory_space<semaphore_mem>>
        %dma_start3A_59 = arith.constant 0 : i32
        %dma_start3A_60 = tpu.memref_slice %arg2[%add3A_25, %dma_start3A_59] : memref<2560x128xi32, #tpu.memory_space<hbm>> -> memref<40x128xi32, #tpu.memory_space<hbm>>
        %dma_start3A_61 = arith.constant 0 : i32
        %dma_start3A_62 = tpu.memref_slice %arg2[%add3A_25, %dma_start3A_61] : memref<2560x128xi32, #tpu.memory_space<hbm>> -> memref<40x128xi32, #tpu.memory_space<hbm>>
        tpu.enqueue_dma source(%dma_start3A_62 : memref<40x128xi32, #tpu.memory_space<hbm>>) target(%arg8 : memref<40x128xi32, #tpu.memory_space<vmem>>) target_semaphore(%run_scoped3A_58 : memref<!tpu.dma_semaphore, #tpu.memory_space<semaphore_mem>>)
        %dma_wait3A_63 = arith.constant 0 : i32
        %dma_wait3A_64 = tpu.memref_slice %arg2[%add3A_25, %dma_wait3A_63] : memref<2560x128xi32, #tpu.memory_space<hbm>> -> memref<40x128xi32, #tpu.memory_space<hbm>>
        %dma_wait3A_65 = arith.constant 0 : i32
        %dma_wait3A_66 = tpu.memref_slice %arg2[%add3A_25, %dma_wait3A_65] : memref<2560x128xi32, #tpu.memory_space<hbm>> -> memref<40x128xi32, #tpu.memory_space<hbm>>
        tpu.wait_dma2 semaphore(%run_scoped3A_58 : memref<!tpu.dma_semaphore, #tpu.memory_space<semaphore_mem>>) src(%dma_wait3A_66 : memref<40x128xi32, #tpu.memory_space<hbm>>) dst(%arg8 : memref<40x128xi32, #tpu.memory_space<vmem>>)
        tpu.yield
      }) : () -> ()
      "tpu.region"() ({
        %run_scoped3A_58 = tpu.sem_alloc : memref<!tpu.dma_semaphore, #tpu.memory_space<semaphore_mem>>
        %dma_start3A_59 = arith.constant 0 : i32
        %dma_start3A_60 = tpu.memref_slice %arg3[%add3A_25, %dma_start3A_59] : memref<2560x128xi32, #tpu.memory_space<hbm>> -> memref<40x128xi32, #tpu.memory_space<hbm>>
        %dma_start3A_61 = arith.constant 0 : i32
        %dma_start3A_62 = tpu.memref_slice %arg3[%add3A_25, %dma_start3A_61] : memref<2560x128xi32, #tpu.memory_space<hbm>> -> memref<40x128xi32, #tpu.memory_space<hbm>>
        tpu.enqueue_dma source(%dma_start3A_62 : memref<40x128xi32, #tpu.memory_space<hbm>>) target(%arg9 : memref<40x128xi32, #tpu.memory_space<vmem>>) target_semaphore(%run_scoped3A_58 : memref<!tpu.dma_semaphore, #tpu.memory_space<semaphore_mem>>)
        %dma_wait3A_63 = arith.constant 0 : i32
        %dma_wait3A_64 = tpu.memref_slice %arg3[%add3A_25, %dma_wait3A_63] : memref<2560x128xi32, #tpu.memory_space<hbm>> -> memref<40x128xi32, #tpu.memory_space<hbm>>
        %dma_wait3A_65 = arith.constant 0 : i32
        %dma_wait3A_66 = tpu.memref_slice %arg3[%add3A_25, %dma_wait3A_65] : memref<2560x128xi32, #tpu.memory_space<hbm>> -> memref<40x128xi32, #tpu.memory_space<hbm>>
        tpu.wait_dma2 semaphore(%run_scoped3A_58 : memref<!tpu.dma_semaphore, #tpu.memory_space<semaphore_mem>>) src(%dma_wait3A_66 : memref<40x128xi32, #tpu.memory_space<hbm>>) dst(%arg9 : memref<40x128xi32, #tpu.memory_space<vmem>>)
        tpu.yield
      }) : () -> ()
      %dma_start3A = arith.constant 0 : i32
      %dma_start3A_26 = arith.constant 0 : i32
      %dma_start3A_27 = tpu.memref_slice %arg8[%dma_start3A, %dma_start3A_26] : memref<40x128xi32, #tpu.memory_space<vmem>> -> memref<1x128xi32, #tpu.memory_space<vmem>>
      %dma_start3A_28 = tpu.memref_squeeze %dma_start3A_27 : memref<1x128xi32, #tpu.memory_space<vmem>> -> memref<128xi32, #tpu.memory_space<vmem>>
      %dma_start3A_29 = arith.constant 0 : i32
      %dma_start3A_30 = arith.constant 0 : i32
      %dma_start3A_31 = tpu.memref_slice %arg4[%dma_start3A_29, %dma_start3A_30] : memref<10240x128xf32, #tpu.memory_space<hbm>> -> memref<10240x128xf32, #tpu.memory_space<hbm>>
      tpu.enqueue_indirect_dma source(%dma_start3A_31 : memref<10240x128xf32, #tpu.memory_space<hbm>>) target(%arg10 : memref<128x128xf32, #tpu.memory_space<vmem>>) offsets(%dma_start3A_28 : memref<128xi32, #tpu.memory_space<vmem>>) semaphore(%arg12 : memref<!tpu.dma_semaphore, #tpu.memory_space<semaphore_mem>>)
      %dma_start3A_32 = arith.constant 1 : i32
      %dma_start3A_33 = arith.constant 0 : i32
      %dma_start3A_34 = tpu.memref_slice %arg8[%dma_start3A_32, %dma_start3A_33] : memref<40x128xi32, #tpu.memory_space<vmem>> -> memref<1x128xi32, #tpu.memory_space<vmem>>
      %dma_start3A_35 = tpu.memref_squeeze %dma_start3A_34 : memref<1x128xi32, #tpu.memory_space<vmem>> -> memref<128xi32, #tpu.memory_space<vmem>>
      %dma_start3A_36 = arith.constant 0 : i32
      %dma_start3A_37 = arith.constant 0 : i32
      %dma_start3A_38 = tpu.memref_slice %arg4[%dma_start3A_36, %dma_start3A_37] : memref<10240x128xf32, #tpu.memory_space<hbm>> -> memref<10240x128xf32, #tpu.memory_space<hbm>>
      tpu.enqueue_indirect_dma source(%dma_start3A_38 : memref<10240x128xf32, #tpu.memory_space<hbm>>) target(%arg11 : memref<128x128xf32, #tpu.memory_space<vmem>>) offsets(%dma_start3A_35 : memref<128xi32, #tpu.memory_space<vmem>>) semaphore(%arg13 : memref<!tpu.dma_semaphore, #tpu.memory_space<semaphore_mem>>)
      %scan3A_39 = arith.constant 0 : i32
      %scan3A_40 = arith.constant 19 : i32
      %scan3A_41 = arith.addi %scan3A_39, %scan3A_40 : i32
      %scan3A_42 = arith.constant 1 : i32
      scf.for %scan3A_58 = %scan3A_39 to %scan3A_41 step %scan3A_42  : i32 {
        %mul3A_59 = arith.constant 2 : i32
        %mul3A_60 = arith.muli %scan3A_58, %mul3A_59 : i32
        %add3A_61 = arith.constant 0 : i32
        %add3A_62 = arith.addi %add3A_61, %mul3A_60 : i32
        %dma_wait3A_63 = arith.constant 0 : i32
        %dma_wait3A_64 = arith.constant 0 : i32
        %dma_wait3A_65 = tpu.memref_slice %arg8[%dma_wait3A_63, %dma_wait3A_64] : memref<40x128xi32, #tpu.memory_space<vmem>> -> memref<1x128xi32, #tpu.memory_space<vmem>>
        %dma_wait3A_66 = tpu.memref_squeeze %dma_wait3A_65 : memref<1x128xi32, #tpu.memory_space<vmem>> -> memref<128xi32, #tpu.memory_space<vmem>>
        %dma_wait3A_67 = arith.constant 0 : i32
        %dma_wait3A_68 = arith.constant 0 : i32
        %dma_wait3A_69 = tpu.memref_slice %arg4[%dma_wait3A_67, %dma_wait3A_68] : memref<10240x128xf32, #tpu.memory_space<hbm>> -> memref<10240x128xf32, #tpu.memory_space<hbm>>
        tpu.wait_indirect_dma semaphore(%arg12 : memref<!tpu.dma_semaphore, #tpu.memory_space<semaphore_mem>>) src(%dma_wait3A_69 : memref<10240x128xf32, #tpu.memory_space<hbm>>) dst(%arg10 : memref<128x128xf32, #tpu.memory_space<vmem>>)
        "tpu.region"() ({
          %run_scoped3A_95 = tpu.sem_alloc : memref<!tpu.dma_semaphore, #tpu.memory_space<semaphore_mem>>
          %dma_start3A_96 = arith.constant 0 : i32
          %dma_start3A_97 = tpu.memref_slice %arg9[%add3A_62, %dma_start3A_96] : memref<40x128xi32, #tpu.memory_space<vmem>> -> memref<1x128xi32, #tpu.memory_space<vmem>>
          %dma_start3A_98 = tpu.memref_squeeze %dma_start3A_97 : memref<1x128xi32, #tpu.memory_space<vmem>> -> memref<128xi32, #tpu.memory_space<vmem>>
          %dma_start3A_99 = arith.constant 0 : i32
          %dma_start3A_100 = arith.constant 0 : i32
          %dma_start3A_101 = tpu.memref_slice %arg7[%dma_start3A_99, %dma_start3A_100] : memref<10240x128xf32, #tpu.memory_space<vmem_shared>> -> memref<10240x128xf32, #tpu.memory_space<vmem_shared>>
          tpu.enqueue_indirect_dma source(%arg10 : memref<128x128xf32, #tpu.memory_space<vmem>>) target(%dma_start3A_101 : memref<10240x128xf32, #tpu.memory_space<vmem_shared>>) offsets(%dma_start3A_98 : memref<128xi32, #tpu.memory_space<vmem>>) semaphore(%run_scoped3A_95 : memref<!tpu.dma_semaphore, #tpu.memory_space<semaphore_mem>>) {add = true}
          %dma_wait3A_102 = arith.constant 0 : i32
          %dma_wait3A_103 = tpu.memref_slice %arg9[%add3A_62, %dma_wait3A_102] : memref<40x128xi32, #tpu.memory_space<vmem>> -> memref<1x128xi32, #tpu.memory_space<vmem>>
          %dma_wait3A_104 = tpu.memref_squeeze %dma_wait3A_103 : memref<1x128xi32, #tpu.memory_space<vmem>> -> memref<128xi32, #tpu.memory_space<vmem>>
          %dma_wait3A_105 = arith.constant 0 : i32
          %dma_wait3A_106 = arith.constant 0 : i32
          %dma_wait3A_107 = tpu.memref_slice %arg7[%dma_wait3A_105, %dma_wait3A_106] : memref<10240x128xf32, #tpu.memory_space<vmem_shared>> -> memref<10240x128xf32, #tpu.memory_space<vmem_shared>>
          tpu.wait_indirect_dma semaphore(%run_scoped3A_95 : memref<!tpu.dma_semaphore, #tpu.memory_space<semaphore_mem>>) src(%arg10 : memref<128x128xf32, #tpu.memory_space<vmem>>) dst(%dma_wait3A_107 : memref<10240x128xf32, #tpu.memory_space<vmem_shared>>)
          tpu.yield
        }) : () -> ()
        %add3A_70 = arith.constant 2 : i32
        %add3A_71 = arith.addi %add3A_62, %add3A_70 : i32
        %dma_start3A_72 = arith.constant 0 : i32
        %dma_start3A_73 = tpu.memref_slice %arg8[%add3A_71, %dma_start3A_72] : memref<40x128xi32, #tpu.memory_space<vmem>> -> memref<1x128xi32, #tpu.memory_space<vmem>>
        %dma_start3A_74 = tpu.memref_squeeze %dma_start3A_73 : memref<1x128xi32, #tpu.memory_space<vmem>> -> memref<128xi32, #tpu.memory_space<vmem>>
        %dma_start3A_75 = arith.constant 0 : i32
        %dma_start3A_76 = arith.constant 0 : i32
        %dma_start3A_77 = tpu.memref_slice %arg4[%dma_start3A_75, %dma_start3A_76] : memref<10240x128xf32, #tpu.memory_space<hbm>> -> memref<10240x128xf32, #tpu.memory_space<hbm>>
        tpu.enqueue_indirect_dma source(%dma_start3A_77 : memref<10240x128xf32, #tpu.memory_space<hbm>>) target(%arg10 : memref<128x128xf32, #tpu.memory_space<vmem>>) offsets(%dma_start3A_74 : memref<128xi32, #tpu.memory_space<vmem>>) semaphore(%arg12 : memref<!tpu.dma_semaphore, #tpu.memory_space<semaphore_mem>>)
        %dma_wait3A_78 = arith.constant 0 : i32
        %dma_wait3A_79 = arith.constant 0 : i32
        %dma_wait3A_80 = tpu.memref_slice %arg8[%dma_wait3A_78, %dma_wait3A_79] : memref<40x128xi32, #tpu.memory_space<vmem>> -> memref<1x128xi32, #tpu.memory_space<vmem>>
        %dma_wait3A_81 = tpu.memref_squeeze %dma_wait3A_80 : memref<1x128xi32, #tpu.memory_space<vmem>> -> memref<128xi32, #tpu.memory_space<vmem>>
        %dma_wait3A_82 = arith.constant 0 : i32
        %dma_wait3A_83 = arith.constant 0 : i32
        %dma_wait3A_84 = tpu.memref_slice %arg4[%dma_wait3A_82, %dma_wait3A_83] : memref<10240x128xf32, #tpu.memory_space<hbm>> -> memref<10240x128xf32, #tpu.memory_space<hbm>>
        tpu.wait_indirect_dma semaphore(%arg13 : memref<!tpu.dma_semaphore, #tpu.memory_space<semaphore_mem>>) src(%dma_wait3A_84 : memref<10240x128xf32, #tpu.memory_space<hbm>>) dst(%arg11 : memref<128x128xf32, #tpu.memory_space<vmem>>)
        %add3A_85 = arith.constant 1 : i32
        %add3A_86 = arith.addi %add3A_62, %add3A_85 : i32
        "tpu.region"() ({
          %run_scoped3A_95 = tpu.sem_alloc : memref<!tpu.dma_semaphore, #tpu.memory_space<semaphore_mem>>
          %dma_start3A_96 = arith.constant 0 : i32
          %dma_start3A_97 = tpu.memref_slice %arg9[%add3A_86, %dma_start3A_96] : memref<40x128xi32, #tpu.memory_space<vmem>> -> memref<1x128xi32, #tpu.memory_space<vmem>>
          %dma_start3A_98 = tpu.memref_squeeze %dma_start3A_97 : memref<1x128xi32, #tpu.memory_space<vmem>> -> memref<128xi32, #tpu.memory_space<vmem>>
          %dma_start3A_99 = arith.constant 0 : i32
          %dma_start3A_100 = arith.constant 0 : i32
          %dma_start3A_101 = tpu.memref_slice %arg7[%dma_start3A_99, %dma_start3A_100] : memref<10240x128xf32, #tpu.memory_space<vmem_shared>> -> memref<10240x128xf32, #tpu.memory_space<vmem_shared>>
          tpu.enqueue_indirect_dma source(%arg11 : memref<128x128xf32, #tpu.memory_space<vmem>>) target(%dma_start3A_101 : memref<10240x128xf32, #tpu.memory_space<vmem_shared>>) offsets(%dma_start3A_98 : memref<128xi32, #tpu.memory_space<vmem>>) semaphore(%run_scoped3A_95 : memref<!tpu.dma_semaphore, #tpu.memory_space<semaphore_mem>>) {add = true}
          %dma_wait3A_102 = arith.constant 0 : i32
          %dma_wait3A_103 = tpu.memref_slice %arg9[%add3A_86, %dma_wait3A_102] : memref<40x128xi32, #tpu.memory_space<vmem>> -> memref<1x128xi32, #tpu.memory_space<vmem>>
          %dma_wait3A_104 = tpu.memref_squeeze %dma_wait3A_103 : memref<1x128xi32, #tpu.memory_space<vmem>> -> memref<128xi32, #tpu.memory_space<vmem>>
          %dma_wait3A_105 = arith.constant 0 : i32
          %dma_wait3A_106 = arith.constant 0 : i32
          %dma_wait3A_107 = tpu.memref_slice %arg7[%dma_wait3A_105, %dma_wait3A_106] : memref<10240x128xf32, #tpu.memory_space<vmem_shared>> -> memref<10240x128xf32, #tpu.memory_space<vmem_shared>>
          tpu.wait_indirect_dma semaphore(%run_scoped3A_95 : memref<!tpu.dma_semaphore, #tpu.memory_space<semaphore_mem>>) src(%arg11 : memref<128x128xf32, #tpu.memory_space<vmem>>) dst(%dma_wait3A_107 : memref<10240x128xf32, #tpu.memory_space<vmem_shared>>)
          tpu.yield
        }) : () -> ()
        %add3A_87 = arith.constant 3 : i32
        %add3A_88 = arith.addi %add3A_62, %add3A_87 : i32
        %dma_start3A_89 = arith.constant 0 : i32
        %dma_start3A_90 = tpu.memref_slice %arg8[%add3A_88, %dma_start3A_89] : memref<40x128xi32, #tpu.memory_space<vmem>> -> memref<1x128xi32, #tpu.memory_space<vmem>>
        %dma_start3A_91 = tpu.memref_squeeze %dma_start3A_90 : memref<1x128xi32, #tpu.memory_space<vmem>> -> memref<128xi32, #tpu.memory_space<vmem>>
        %dma_start3A_92 = arith.constant 0 : i32
        %dma_start3A_93 = arith.constant 0 : i32
        %dma_start3A_94 = tpu.memref_slice %arg4[%dma_start3A_92, %dma_start3A_93] : memref<10240x128xf32, #tpu.memory_space<hbm>> -> memref<10240x128xf32, #tpu.memory_space<hbm>>
        tpu.enqueue_indirect_dma source(%dma_start3A_94 : memref<10240x128xf32, #tpu.memory_space<hbm>>) target(%arg11 : memref<128x128xf32, #tpu.memory_space<vmem>>) offsets(%dma_start3A_91 : memref<128xi32, #tpu.memory_space<vmem>>) semaphore(%arg13 : memref<!tpu.dma_semaphore, #tpu.memory_space<semaphore_mem>>)
      }
      %scan3A_43 = arith.constant 19 : i32
      %dma_wait3A = arith.constant 0 : i32
      %dma_wait3A_44 = arith.constant 0 : i32
      %dma_wait3A_45 = tpu.memref_slice %arg8[%dma_wait3A, %dma_wait3A_44] : memref<40x128xi32, #tpu.memory_space<vmem>> -> memref<1x128xi32, #tpu.memory_space<vmem>>
      %dma_wait3A_46 = tpu.memref_squeeze %dma_wait3A_45 : memref<1x128xi32, #tpu.memory_space<vmem>> -> memref<128xi32, #tpu.memory_space<vmem>>
      %dma_wait3A_47 = arith.constant 0 : i32
      %dma_wait3A_48 = arith.constant 0 : i32
      %dma_wait3A_49 = tpu.memref_slice %arg4[%dma_wait3A_47, %dma_wait3A_48] : memref<10240x128xf32, #tpu.memory_space<hbm>> -> memref<10240x128xf32, #tpu.memory_space<hbm>>
      tpu.wait_indirect_dma semaphore(%arg12 : memref<!tpu.dma_semaphore, #tpu.memory_space<semaphore_mem>>) src(%dma_wait3A_49 : memref<10240x128xf32, #tpu.memory_space<hbm>>) dst(%arg10 : memref<128x128xf32, #tpu.memory_space<vmem>>)
      %run_scoped3A = arith.constant 38 : i32
      "tpu.region"() ({
        %run_scoped3A_58 = tpu.sem_alloc : memref<!tpu.dma_semaphore, #tpu.memory_space<semaphore_mem>>
        %dma_start3A_59 = arith.constant 0 : i32
        %dma_start3A_60 = tpu.memref_slice %arg9[%run_scoped3A, %dma_start3A_59] : memref<40x128xi32, #tpu.memory_space<vmem>> -> memref<1x128xi32, #tpu.memory_space<vmem>>
        %dma_start3A_61 = tpu.memref_squeeze %dma_start3A_60 : memref<1x128xi32, #tpu.memory_space<vmem>> -> memref<128xi32, #tpu.memory_space<vmem>>
        %dma_start3A_62 = arith.constant 0 : i32
        %dma_start3A_63 = arith.constant 0 : i32
        %dma_start3A_64 = tpu.memref_slice %arg7[%dma_start3A_62, %dma_start3A_63] : memref<10240x128xf32, #tpu.memory_space<vmem_shared>> -> memref<10240x128xf32, #tpu.memory_space<vmem_shared>>
        tpu.enqueue_indirect_dma source(%arg10 : memref<128x128xf32, #tpu.memory_space<vmem>>) target(%dma_start3A_64 : memref<10240x128xf32, #tpu.memory_space<vmem_shared>>) offsets(%dma_start3A_61 : memref<128xi32, #tpu.memory_space<vmem>>) semaphore(%run_scoped3A_58 : memref<!tpu.dma_semaphore, #tpu.memory_space<semaphore_mem>>) {add = true}
        %dma_wait3A_65 = arith.constant 0 : i32
        %dma_wait3A_66 = tpu.memref_slice %arg9[%run_scoped3A, %dma_wait3A_65] : memref<40x128xi32, #tpu.memory_space<vmem>> -> memref<1x128xi32, #tpu.memory_space<vmem>>
        %dma_wait3A_67 = tpu.memref_squeeze %dma_wait3A_66 : memref<1x128xi32, #tpu.memory_space<vmem>> -> memref<128xi32, #tpu.memory_space<vmem>>
        %dma_wait3A_68 = arith.constant 0 : i32
        %dma_wait3A_69 = arith.constant 0 : i32
        %dma_wait3A_70 = tpu.memref_slice %arg7[%dma_wait3A_68, %dma_wait3A_69] : memref<10240x128xf32, #tpu.memory_space<vmem_shared>> -> memref<10240x128xf32, #tpu.memory_space<vmem_shared>>
        tpu.wait_indirect_dma semaphore(%run_scoped3A_58 : memref<!tpu.dma_semaphore, #tpu.memory_space<semaphore_mem>>) src(%arg10 : memref<128x128xf32, #tpu.memory_space<vmem>>) dst(%dma_wait3A_70 : memref<10240x128xf32, #tpu.memory_space<vmem_shared>>)
        tpu.yield
      }) : () -> ()
      %dma_wait3A_50 = arith.constant 0 : i32
      %dma_wait3A_51 = arith.constant 0 : i32
      %dma_wait3A_52 = tpu.memref_slice %arg8[%dma_wait3A_50, %dma_wait3A_51] : memref<40x128xi32, #tpu.memory_space<vmem>> -> memref<1x128xi32, #tpu.memory_space<vmem>>
      %dma_wait3A_53 = tpu.memref_squeeze %dma_wait3A_52 : memref<1x128xi32, #tpu.memory_space<vmem>> -> memref<128xi32, #tpu.memory_space<vmem>>
      %dma_wait3A_54 = arith.constant 0 : i32
      %dma_wait3A_55 = arith.constant 0 : i32
      %dma_wait3A_56 = tpu.memref_slice %arg4[%dma_wait3A_54, %dma_wait3A_55] : memref<10240x128xf32, #tpu.memory_space<hbm>> -> memref<10240x128xf32, #tpu.memory_space<hbm>>
      tpu.wait_indirect_dma semaphore(%arg13 : memref<!tpu.dma_semaphore, #tpu.memory_space<semaphore_mem>>) src(%dma_wait3A_56 : memref<10240x128xf32, #tpu.memory_space<hbm>>) dst(%arg11 : memref<128x128xf32, #tpu.memory_space<vmem>>)
      %run_scoped3A_57 = arith.constant 39 : i32
      "tpu.region"() ({
        %run_scoped3A_58 = tpu.sem_alloc : memref<!tpu.dma_semaphore, #tpu.memory_space<semaphore_mem>>
        %dma_start3A_59 = arith.constant 0 : i32
        %dma_start3A_60 = tpu.memref_slice %arg9[%run_scoped3A_57, %dma_start3A_59] : memref<40x128xi32, #tpu.memory_space<vmem>> -> memref<1x128xi32, #tpu.memory_space<vmem>>
        %dma_start3A_61 = tpu.memref_squeeze %dma_start3A_60 : memref<1x128xi32, #tpu.memory_space<vmem>> -> memref<128xi32, #tpu.memory_space<vmem>>
        %dma_start3A_62 = arith.constant 0 : i32
        %dma_start3A_63 = arith.constant 0 : i32
        %dma_start3A_64 = tpu.memref_slice %arg7[%dma_start3A_62, %dma_start3A_63] : memref<10240x128xf32, #tpu.memory_space<vmem_shared>> -> memref<10240x128xf32, #tpu.memory_space<vmem_shared>>
        tpu.enqueue_indirect_dma source(%arg11 : memref<128x128xf32, #tpu.memory_space<vmem>>) target(%dma_start3A_64 : memref<10240x128xf32, #tpu.memory_space<vmem_shared>>) offsets(%dma_start3A_61 : memref<128xi32, #tpu.memory_space<vmem>>) semaphore(%run_scoped3A_58 : memref<!tpu.dma_semaphore, #tpu.memory_space<semaphore_mem>>) {add = true}
        %dma_wait3A_65 = arith.constant 0 : i32
        %dma_wait3A_66 = tpu.memref_slice %arg9[%run_scoped3A_57, %dma_wait3A_65] : memref<40x128xi32, #tpu.memory_space<vmem>> -> memref<1x128xi32, #tpu.memory_space<vmem>>
        %dma_wait3A_67 = tpu.memref_squeeze %dma_wait3A_66 : memref<1x128xi32, #tpu.memory_space<vmem>> -> memref<128xi32, #tpu.memory_space<vmem>>
        %dma_wait3A_68 = arith.constant 0 : i32
        %dma_wait3A_69 = arith.constant 0 : i32
        %dma_wait3A_70 = tpu.memref_slice %arg7[%dma_wait3A_68, %dma_wait3A_69] : memref<10240x128xf32, #tpu.memory_space<vmem_shared>> -> memref<10240x128xf32, #tpu.memory_space<vmem_shared>>
        tpu.wait_indirect_dma semaphore(%run_scoped3A_58 : memref<!tpu.dma_semaphore, #tpu.memory_space<semaphore_mem>>) src(%arg11 : memref<128x128xf32, #tpu.memory_space<vmem>>) dst(%dma_wait3A_70 : memref<10240x128xf32, #tpu.memory_space<vmem_shared>>)
        tpu.yield
      }) : () -> ()
    }
    %scan3A_9 = arith.constant 2 : i32
    %barrier3A_10 = arith.constant 0 : index
    tpu.barrier barrier_id(%barrier3A_10)
    %scan3A_11 = arith.constant 0 : i32
    %scan3A_12 = arith.constant 5 : i32
    %scan3A_13 = arith.addi %scan3A_11, %scan3A_12 : i32
    %scan3A_14 = arith.constant 1 : i32
    scf.for %scan3A_16 = %scan3A_11 to %scan3A_13 step %scan3A_14  : i32 {
      %mul3A_17 = arith.constant 1 : i32
      %mul3A_18 = arith.muli %scan3A_16, %mul3A_17 : i32
      %add3A_19 = arith.constant 0 : i32
      %add3A_20 = arith.addi %add3A_19, %mul3A_18 : i32
      %mul3A_21 = arith.constant 640 : i32
      %mul3A_22 = arith.muli %arg1, %mul3A_21 : i32
      %mul3A_23 = arith.constant 128 : i32
      %mul3A_24 = arith.muli %add3A_20, %mul3A_23 : i32
      %add3A_25 = arith.addi %mul3A_22, %mul3A_24 : i32
      "tpu.region"() ({
        %run_scoped3A = tpu.sem_alloc : memref<!tpu.dma_semaphore, #tpu.memory_space<semaphore_mem>>
        %dma_start3A = arith.constant 0 : i32
        %dma_start3A_31 = tpu.memref_slice %arg7[%add3A_25, %dma_start3A] : memref<10240x128xf32, #tpu.memory_space<vmem_shared>> -> memref<128x128xf32, #tpu.memory_space<vmem_shared>>
        %dma_start3A_32 = arith.constant 0 : i32
        %dma_start3A_33 = tpu.memref_slice %arg7[%add3A_25, %dma_start3A_32] : memref<10240x128xf32, #tpu.memory_space<vmem_shared>> -> memref<128x128xf32, #tpu.memory_space<vmem_shared>>
        tpu.enqueue_dma source(%dma_start3A_33 : memref<128x128xf32, #tpu.memory_space<vmem_shared>>) target(%arg10 : memref<128x128xf32, #tpu.memory_space<vmem>>) target_semaphore(%run_scoped3A : memref<!tpu.dma_semaphore, #tpu.memory_space<semaphore_mem>>)
        %dma_wait3A = arith.constant 0 : i32
        %dma_wait3A_34 = tpu.memref_slice %arg7[%add3A_25, %dma_wait3A] : memref<10240x128xf32, #tpu.memory_space<vmem_shared>> -> memref<128x128xf32, #tpu.memory_space<vmem_shared>>
        %dma_wait3A_35 = arith.constant 0 : i32
        %dma_wait3A_36 = tpu.memref_slice %arg7[%add3A_25, %dma_wait3A_35] : memref<10240x128xf32, #tpu.memory_space<vmem_shared>> -> memref<128x128xf32, #tpu.memory_space<vmem_shared>>
        tpu.wait_dma2 semaphore(%run_scoped3A : memref<!tpu.dma_semaphore, #tpu.memory_space<semaphore_mem>>) src(%dma_wait3A_36 : memref<128x128xf32, #tpu.memory_space<vmem_shared>>) dst(%arg10 : memref<128x128xf32, #tpu.memory_space<vmem>>)
        tpu.yield
      }) : () -> ()
      %mul3A_26 = arith.constant 640 : i32
      %mul3A_27 = arith.muli %arg1, %mul3A_26 : i32
      %mul3A_28 = arith.constant 128 : i32
      %mul3A_29 = arith.muli %add3A_20, %mul3A_28 : i32
      %add3A_30 = arith.addi %mul3A_27, %mul3A_29 : i32
      "tpu.region"() ({
        %run_scoped3A = tpu.sem_alloc : memref<!tpu.dma_semaphore, #tpu.memory_space<semaphore_mem>>
        %dma_start3A = arith.constant 0 : i32
        %dma_start3A_31 = tpu.memref_slice %arg6[%arg0, %add3A_30, %dma_start3A] : memref<2x10240x128xf32, #tpu.memory_space<hbm>> -> memref<1x128x128xf32, #tpu.memory_space<hbm>>
        %dma_start3A_32 = tpu.memref_squeeze %dma_start3A_31 : memref<1x128x128xf32, #tpu.memory_space<hbm>> -> memref<128x128xf32, #tpu.memory_space<hbm>>
        %dma_start3A_33 = arith.constant 0 : i32
        %dma_start3A_34 = tpu.memref_slice %arg6[%arg0, %add3A_30, %dma_start3A_33] : memref<2x10240x128xf32, #tpu.memory_space<hbm>> -> memref<1x128x128xf32, #tpu.memory_space<hbm>>
        %dma_start3A_35 = tpu.memref_squeeze %dma_start3A_34 : memref<1x128x128xf32, #tpu.memory_space<hbm>> -> memref<128x128xf32, #tpu.memory_space<hbm>>
        tpu.enqueue_dma source(%arg10 : memref<128x128xf32, #tpu.memory_space<vmem>>) target(%dma_start3A_35 : memref<128x128xf32, #tpu.memory_space<hbm>>) target_semaphore(%run_scoped3A : memref<!tpu.dma_semaphore, #tpu.memory_space<semaphore_mem>>)
        %dma_wait3A = arith.constant 0 : i32
        %dma_wait3A_36 = tpu.memref_slice %arg6[%arg0, %add3A_30, %dma_wait3A] : memref<2x10240x128xf32, #tpu.memory_space<hbm>> -> memref<1x128x128xf32, #tpu.memory_space<hbm>>
        %dma_wait3A_37 = tpu.memref_squeeze %dma_wait3A_36 : memref<1x128x128xf32, #tpu.memory_space<hbm>> -> memref<128x128xf32, #tpu.memory_space<hbm>>
        %dma_wait3A_38 = arith.constant 0 : i32
        %dma_wait3A_39 = tpu.memref_slice %arg6[%arg0, %add3A_30, %dma_wait3A_38] : memref<2x10240x128xf32, #tpu.memory_space<hbm>> -> memref<1x128x128xf32, #tpu.memory_space<hbm>>
        %dma_wait3A_40 = tpu.memref_squeeze %dma_wait3A_39 : memref<1x128x128xf32, #tpu.memory_space<hbm>> -> memref<128x128xf32, #tpu.memory_space<hbm>>
        tpu.wait_dma2 semaphore(%run_scoped3A : memref<!tpu.dma_semaphore, #tpu.memory_space<semaphore_mem>>) src(%arg10 : memref<128x128xf32, #tpu.memory_space<vmem>>) dst(%dma_wait3A_40 : memref<128x128xf32, #tpu.memory_space<hbm>>)
        tpu.yield
      }) : () -> ()
    }
    %scan3A_15 = arith.constant 5 : i32
    return
  }
}

module attributes {stable_mosaic.version = 14 : i64} {
  func.func @_mm_scale_body(%arg0: i32, %arg1: memref<2000x128xf32, #tpu.memory_space<vmem>>, %arg2: memref<128x128xf32, #tpu.memory_space<vmem>>, %arg3: memref<2x2000x16xf32, #tpu.memory_space<vmem>>, %arg4: memref<2000x128xf32, #tpu.memory_space<vmem>>) attributes {dimension_semantics = [#tpu.dimension_semantics<arbitrary>], iteration_bounds = array<i64: 5>, scalar_prefetch = 0 : i64, scratch_operands = 0 : i64, tpu.core_type = #tpu.core_type<tc>, window_params = [{transform_indices = @transform_0, window_bounds = array<i64: 2000, 128>}, {pipeline_mode = #tpu.pipeline_mode<synchronous>, transform_indices = @transform_1, window_bounds = array<i64: 128, 128>}, {transform_indices = @transform_2, window_bounds = array<i64: 2, 2000, 16>}, {transform_indices = @transform_3, window_bounds = array<i64: 2000, 128>}]} {
    %get3A = arith.constant 0 : index
    %get3A_0 = arith.constant 0 : index
    %get3A_1 = vector.load %arg1[%get3A, %get3A_0] : memref<2000x128xf32, #tpu.memory_space<vmem>>, vector<2000x128xf32>
    %get3A_2 = arith.constant 0 : index
    %get3A_3 = arith.constant 0 : index
    %get3A_4 = vector.load %arg2[%get3A_2, %get3A_3] : memref<128x128xf32, #tpu.memory_space<vmem>>, vector<128x128xf32>
    %dot_general3A = arith.constant dense<0.000000e+00> : vector<2000x128xf32>
    %dot_general3A_5 = tpu.matmul %get3A_1, %get3A_4, %dot_general3A {dimension_numbers = #tpu.dot_dimension_numbers<[1], [0], [0], [1], [0, 0, 1, 1], [], []>, transpose_lhs_hint = false} : vector<2000x128xf32>, vector<128x128xf32>, vector<2000x128xf32> -> vector<2000x128xf32>
    %get3A_6 = arith.constant 0 : index
    %get3A_7 = arith.constant 0 : index
    %get3A_8 = arith.constant 0 : index
    %get3A_9 = vector.load %arg3[%get3A_6, %get3A_7, %get3A_8] : memref<2x2000x16xf32, #tpu.memory_space<vmem>>, vector<1x2000x1xf32>
    %get3A_10 = vector.shape_cast %get3A_9 : vector<1x2000x1xf32> to vector<2000xf32>
    %get3A_11 = arith.constant 1 : index
    %get3A_12 = arith.constant 0 : index
    %get3A_13 = arith.constant 0 : index
    %get3A_14 = vector.load %arg3[%get3A_11, %get3A_12, %get3A_13] : memref<2x2000x16xf32, #tpu.memory_space<vmem>>, vector<1x2000x1xf32>
    %get3A_15 = vector.shape_cast %get3A_14 : vector<1x2000x1xf32> to vector<2000xf32>
    %add3A = arith.addf %get3A_10, %get3A_15 : vector<2000xf32>
    %add3A_16 = arith.constant 1.000000e+00 : f32
    %add3A_17 = vector.broadcast %add3A_16 : f32 to vector<2000xf32>
    %add3A_18 = arith.addf %add3A, %add3A_17 : vector<2000xf32>
    %rsqrt3A = math.rsqrt %add3A_18 : vector<2000xf32>
    %broadcast_in_dim3A = vector.shape_cast %rsqrt3A : vector<2000xf32> to vector<2000x1xf32>
    %mul3A = vector.broadcast %broadcast_in_dim3A : vector<2000x1xf32> to vector<2000x128xf32>
    %mul3A_19 = arith.mulf %dot_general3A_5, %mul3A : vector<2000x128xf32>
    %swap3A = arith.constant 0 : index
    %swap3A_20 = arith.constant 0 : index
    %swap3A_21 = vector.load %arg4[%swap3A, %swap3A_20] : memref<2000x128xf32, #tpu.memory_space<vmem>>, vector<2000x128xf32>
    tpu.vector_store %arg4[%swap3A, %swap3A_20], %mul3A_19 {strides = array<i32>} : memref<2000x128xf32, #tpu.memory_space<vmem>>, vector<2000x128xf32>,
    return
  }
  func.func @transform_0(%arg0: i32) -> (i32, i32) {
    %c0_i32 = arith.constant 0 : i32
    %c0_i32_0 = arith.constant 0 : i32
    return %arg0, %c0_i32 : i32, i32
  }
  func.func @transform_1(%arg0: i32) -> (i32, i32) {
    %c0_i32 = arith.constant 0 : i32
    %c0_i32_0 = arith.constant 0 : i32
    %c0_i32_1 = arith.constant 0 : i32
    return %c0_i32, %c0_i32_0 : i32, i32
  }
  func.func @transform_2(%arg0: i32) -> (i32, i32, i32) {
    %c0_i32 = arith.constant 0 : i32
    %c0_i32_0 = arith.constant 0 : i32
    %c0_i32_1 = arith.constant 0 : i32
    return %c0_i32, %arg0, %c0_i32_0 : i32, i32, i32
  }
  func.func @transform_3(%arg0: i32) -> (i32, i32) {
    %c0_i32 = arith.constant 0 : i32
    %c0_i32_0 = arith.constant 0 : i32
    return %arg0, %c0_i32 : i32, i32
  }
}

module attributes {stable_mosaic.version = 14 : i64} {
  func.func @_final_body(%arg0: i32, %arg1: memref<2x2000x128xf32, #tpu.memory_space<vmem>>, %arg2: memref<2000x128xf32, #tpu.memory_space<vmem>>, %arg3: memref<2x2000x16xf32, #tpu.memory_space<vmem>>, %arg4: memref<1x128xf32, #tpu.memory_space<vmem>>, %arg5: memref<128x128xf32, #tpu.memory_space<vmem>>, %arg6: memref<1x128xf32, #tpu.memory_space<vmem>>, %arg7: memref<2000x128xf32, #tpu.memory_space<vmem>>) attributes {dimension_semantics = [#tpu.dimension_semantics<arbitrary>], iteration_bounds = array<i64: 5>, scalar_prefetch = 0 : i64, scratch_operands = 0 : i64, tpu.core_type = #tpu.core_type<tc>, window_params = [{transform_indices = @transform_0, window_bounds = array<i64: 2, 2000, 128>}, {transform_indices = @transform_1, window_bounds = array<i64: 2000, 128>}, {transform_indices = @transform_2, window_bounds = array<i64: 2, 2000, 16>}, {pipeline_mode = #tpu.pipeline_mode<synchronous>, transform_indices = @transform_3, window_bounds = array<i64: 1, 128>}, {pipeline_mode = #tpu.pipeline_mode<synchronous>, transform_indices = @transform_4, window_bounds = array<i64: 128, 128>}, {pipeline_mode = #tpu.pipeline_mode<synchronous>, transform_indices = @transform_5, window_bounds = array<i64: 1, 128>}, {transform_indices = @transform_6, window_bounds = array<i64: 2000, 128>}]} {
    %get3A = arith.constant 0 : index
    %get3A_0 = arith.constant 0 : index
    %get3A_1 = arith.constant 0 : index
    %get3A_2 = vector.load %arg3[%get3A, %get3A_0, %get3A_1] : memref<2x2000x16xf32, #tpu.memory_space<vmem>>, vector<1x2000x1xf32>
    %get3A_3 = vector.shape_cast %get3A_2 : vector<1x2000x1xf32> to vector<2000xf32>
    %get3A_4 = arith.constant 1 : index
    %get3A_5 = arith.constant 0 : index
    %get3A_6 = arith.constant 0 : index
    %get3A_7 = vector.load %arg3[%get3A_4, %get3A_5, %get3A_6] : memref<2x2000x16xf32, #tpu.memory_space<vmem>>, vector<1x2000x1xf32>
    %get3A_8 = vector.shape_cast %get3A_7 : vector<1x2000x1xf32> to vector<2000xf32>
    %add3A = arith.addf %get3A_3, %get3A_8 : vector<2000xf32>
    %add3A_9 = arith.constant 1.000000e+00 : f32
    %add3A_10 = vector.broadcast %add3A_9 : f32 to vector<2000xf32>
    %add3A_11 = arith.addf %add3A, %add3A_10 : vector<2000xf32>
    %rsqrt3A = math.rsqrt %add3A_11 : vector<2000xf32>
    %get3A_12 = arith.constant 0 : index
    %get3A_13 = arith.constant 0 : index
    %get3A_14 = arith.constant 0 : index
    %get3A_15 = vector.load %arg1[%get3A_12, %get3A_13, %get3A_14] : memref<2x2000x128xf32, #tpu.memory_space<vmem>>, vector<1x2000x128xf32>
    %get3A_16 = vector.shape_cast %get3A_15 : vector<1x2000x128xf32> to vector<2000x128xf32>
    %get3A_17 = arith.constant 1 : index
    %get3A_18 = arith.constant 0 : index
    %get3A_19 = arith.constant 0 : index
    %get3A_20 = vector.load %arg1[%get3A_17, %get3A_18, %get3A_19] : memref<2x2000x128xf32, #tpu.memory_space<vmem>>, vector<1x2000x128xf32>
    %get3A_21 = vector.shape_cast %get3A_20 : vector<1x2000x128xf32> to vector<2000x128xf32>
    %add3A_22 = arith.addf %get3A_16, %get3A_21 : vector<2000x128xf32>
    %get3A_23 = arith.constant 0 : index
    %get3A_24 = arith.constant 0 : index
    %get3A_25 = vector.load %arg2[%get3A_23, %get3A_24] : memref<2000x128xf32, #tpu.memory_space<vmem>>, vector<2000x128xf32>
    %add3A_26 = arith.addf %add3A_22, %get3A_25 : vector<2000x128xf32>
    %broadcast_in_dim3A = vector.shape_cast %rsqrt3A : vector<2000xf32> to vector<2000x1xf32>
    %mul3A = vector.broadcast %broadcast_in_dim3A : vector<2000x1xf32> to vector<2000x128xf32>
    %mul3A_27 = arith.mulf %add3A_26, %mul3A : vector<2000x128xf32>
    %get3A_28 = arith.constant 0 : index
    %get3A_29 = arith.constant 0 : index
    %get3A_30 = vector.load %arg4[%get3A_28, %get3A_29] : memref<1x128xf32, #tpu.memory_space<vmem>>, vector<1x128xf32>
    %add3A_31 = vector.broadcast %get3A_30 : vector<1x128xf32> to vector<2000x128xf32>
    %add3A_32 = arith.addf %mul3A_27, %add3A_31 : vector<2000x128xf32>
    %max3A = arith.constant 0.000000e+00 : f32
    %max3A_33 = vector.broadcast %max3A : f32 to vector<2000x128xf32>
    %max3A_34 = arith.maximumf %add3A_32, %max3A_33 : vector<2000x128xf32>
    %get3A_35 = arith.constant 0 : index
    %get3A_36 = arith.constant 0 : index
    %get3A_37 = vector.load %arg5[%get3A_35, %get3A_36] : memref<128x128xf32, #tpu.memory_space<vmem>>, vector<128x128xf32>
    %dot_general3A = arith.constant dense<0.000000e+00> : vector<2000x128xf32>
    %dot_general3A_38 = tpu.matmul %max3A_34, %get3A_37, %dot_general3A {dimension_numbers = #tpu.dot_dimension_numbers<[1], [0], [0], [1], [0, 0, 1, 1], [], []>, transpose_lhs_hint = false} : vector<2000x128xf32>, vector<128x128xf32>, vector<2000x128xf32> -> vector<2000x128xf32>
    %get3A_39 = arith.constant 0 : index
    %get3A_40 = arith.constant 0 : index
    %get3A_41 = vector.load %arg6[%get3A_39, %get3A_40] : memref<1x128xf32, #tpu.memory_space<vmem>>, vector<1x128xf32>
    %add3A_42 = vector.broadcast %get3A_41 : vector<1x128xf32> to vector<2000x128xf32>
    %add3A_43 = arith.addf %dot_general3A_38, %add3A_42 : vector<2000x128xf32>
    %swap3A = arith.constant 0 : index
    %swap3A_44 = arith.constant 0 : index
    %swap3A_45 = vector.load %arg7[%swap3A, %swap3A_44] : memref<2000x128xf32, #tpu.memory_space<vmem>>, vector<2000x128xf32>
    tpu.vector_store %arg7[%swap3A, %swap3A_44], %add3A_43 {strides = array<i32>} : memref<2000x128xf32, #tpu.memory_space<vmem>>, vector<2000x128xf32>,
    return
  }
  func.func @transform_0(%arg0: i32) -> (i32, i32, i32) {
    %c0_i32 = arith.constant 0 : i32
    %c0_i32_0 = arith.constant 0 : i32
    %c0_i32_1 = arith.constant 0 : i32
    return %c0_i32, %arg0, %c0_i32_0 : i32, i32, i32
  }
  func.func @transform_1(%arg0: i32) -> (i32, i32) {
    %c0_i32 = arith.constant 0 : i32
    %c0_i32_0 = arith.constant 0 : i32
    return %arg0, %c0_i32 : i32, i32
  }
  func.func @transform_2(%arg0: i32) -> (i32, i32, i32) {
    %c0_i32 = arith.constant 0 : i32
    %c0_i32_0 = arith.constant 0 : i32
    %c0_i32_1 = arith.constant 0 : i32
    return %c0_i32, %arg0, %c0_i32_0 : i32, i32, i32
  }
  func.func @transform_3(%arg0: i32) -> (i32, i32) {
    %c0_i32 = arith.constant 0 : i32
    %c0_i32_0 = arith.constant 0 : i32
    %c0_i32_1 = arith.constant 0 : i32
    return %c0_i32, %c0_i32_0 : i32, i32
  }
  func.func @transform_4(%arg0: i32) -> (i32, i32) {
    %c0_i32 = arith.constant 0 : i32
    %c0_i32_0 = arith.constant 0 : i32
    %c0_i32_1 = arith.constant 0 : i32
    return %c0_i32, %c0_i32_0 : i32, i32
  }
  func.func @transform_5(%arg0: i32) -> (i32, i32) {
    %c0_i32 = arith.constant 0 : i32
    %c0_i32_0 = arith.constant 0 : i32
    %c0_i32_1 = arith.constant 0 : i32
    return %c0_i32, %c0_i32_0 : i32, i32
  }
  func.func @transform_6(%arg0: i32) -> (i32, i32) {
    %c0_i32 = arith.constant 0 : i32
    %c0_i32_0 = arith.constant 0 : i32
    return %arg0, %c0_i32 : i32, i32
  }
}

</mosaic_0001>

<sc_bundles>
// kernel: kernel.6.cloned.1.call-start
scs
__scs_entry_jumppad:
0x0: {  	(pc) =	sbr.rel $0x88, $3  }
0x1: {  	(tag) =	ssettag $0x0;
	lr =	simm.s32 $0x1  }
0x2: {  	[smem:$0x3F9B] =	sst lr;
	_ =	strace $0xD0000000  }
0x3: {  	_ = 	snop  }
0x4: {  	_ = 	snop  }
0x5: {  	_ = 	snop  }
0x6: {  	_ = 	snop  }
0x7: {  	_ = 	snop  }
__scs_overlays_trampoline_lowered:
0x8: {  	[smem:$0x3FAA] =	sst s0  }
0x9: {  	[smem:$0x3FAB] =	sst s1  }
0xa: {  	[smem:$0x3FAC] =	sst s2  }
0xb: {  	[smem:$0x3FAD] =	sst s3  }
0xc: {  	[smem:$0x3FAE] =	sst s4  }
0xd: {  	[smem:$0x3FAF] =	sst s5  }
0xe: {  	[smem:$0x3FB0] =	sst s6  }
0xf: {  	[smem:$0x3FB1] =	sst s7  }
0x10: {  	[smem:$0x3FB2] =	sst s8  }
0x11: {  	[smem:$0x3FB3] =	sst s9;
	s0 =	simm.s32 @!p0 $0x0  }
0x12: {  	s1 =	sld [smem:$0x3F99];
	s0 =	simm.s32 @p0 $0x1  }
0x13: {  	[smem:$0x3FB4] =	sst s0;
	s0 =	simm.s32 @!p1 $0x0  }
0x14: {  	s2 =	sld [smem:$0x3F98];
	s0 =	simm.s32 @p1 $0x1  }
0x15: {  	[smem:$0x3FB5] =	sst s0;
	s0 =	simm.s32 @!p2 $0x0  }
0x16: {  	s3 =	sld [smem:$0x3FDB];
	s0 =	simm.s32 @p2 $0x1  }
0x17: {  	s4 =	simm.s32 $0x1BF5;
	[smem:$0x3FB7] =	sst s0  }
0x18: {  	s0 =	sld [smem:$0x3F9A];
	_ =	swait.ge [sflag:s4], $0x0  }
0x19: {  	s7 =	sld [smem:$0x3F9B]  }
0x1a: {  	s8 =	sadd.s32 $0xFFFFE003, lr  }
0x1b: {  	s9 =	sadd.s32 $0xFFFFFEF7, lr;
	s5 =	simm.s32 $0xFFFFFFFF;
	p2 =	slt.u32 s8, $0xFFFFF086  }
0x1c: {  	p1 =	slt.u32 s9, $0xF7A;
	s5 =	simm.s32 @!p2 $0x0  }
0x1d: {  	s5 =	simm.s32 @p1 $0x1;
	p0 =	seq.s32 s7, s2  }
0x1e: {  	s7 =	smul.u32 @!p0 $0xF7A, s2;
	p2 =	seq.s32 @!p0 s5, $0x0  }
0x1f: {  	s9 =	smul.u32 $0xF7A, s1;
	s8 =	simm.s32 @!p0 $0x1BF5;
	p2 =	por !p2, p0  }
0x20: {  	[sflag:s8] =	ssyncset.s32 @!p0 $0xFFFFF086;
	s6 =	sadd.s32 @!p0 s3, s7;
	s7 =	simm.s32 @!p0 $0x108  }
0x21: {  	s3 =	sadd.s32 s3, s9;
	s6 =	sadd.s32 @!p0 $0x88, s6;
	s7 =	simm.s32 @p2 $0x1082  }
0x22: {  	[simem:s7], [sflag:s8] =	dma.local @!p0 [hbm:s6], $0xF7A  }
0x23: {  	s9 =	sor.u32 $0xD0000000, s2;
	s6 =	simm.s32 $0x108;
	_ =	swait.ge @!p0 [sflag:s8], $0x0  }
0x24: {  	s3 =	sadd.s32 $0x88, s3;
	s6 =	simm.s32 @!p1 $0x1082;
	[sflag:s4] =	ssyncset.s32 $0xFFFFF086  }
0x25: {  	[simem:s6], [sflag:s4] =	dma.local [hbm:s3], $0xF7A  }
0x26: {  	[smem:$0x3F9B] =	sst s1;
	(tag) =	ssettag s2;
	_ =	strace s9  }
0x27: {  	s1 =	sld [smem:$0x3FAB]  }
0x28: {  	s2 =	sld [smem:$0x3FAC]  }
0x29: {  	s4 =	sld [smem:$0x3FAE]  }
0x2a: {  	p0 =	seq.s32 s5, $0x0;
	s5 =	sld [smem:$0x3FAF]  }
0x2b: {  	s6 =	sld [smem:$0x3FB0]  }
0x2c: {  	s7 =	sld [smem:$0x3FB1]  }
0x2d: {  	s3 =	simm.s32 $0x108;
	s8 =	sld [smem:$0x3FB2]  }
0x2e: {  	s3 =	simm.s32 @!p0 $0x1082;
	s9 =	sld [smem:$0x3FB3]  }
0x2f: {  	lr =	sadd.s32 s0, s3;
	s0 =	sld [smem:$0x3FAA]  }
0x30: {  	s3 =	sld [smem:$0x3FAD]  }
0x31: {  	[smem:$0x3FB6] =	sst s10  }
0x32: {  	s10 =	sld [smem:$0x3FB4];
	_ =	sdelay $0x3  }
0x33: {  	p0 =	seq.s32 s10, $0x1;
	s10 =	sld [smem:$0x3FB6];
	_ =	sdelay $0x3  }
0x34: {  	[smem:$0x3FB6] =	sst s10  }
0x35: {  	s10 =	sld [smem:$0x3FB5];
	_ =	sdelay $0x3  }
0x36: {  	p1 =	seq.s32 s10, $0x1;
	s10 =	sld [smem:$0x3FB6];
	_ =	sdelay $0x3  }
0x37: {  	[smem:$0x3FB6] =	sst s10  }
0x38: {  	s10 =	sld [smem:$0x3FB7]  }
0x39: {  	_ = 	snop;
	(pc) =	sbr.ind lr, $3  }
0x3a: {  	_ = 	snop  }
0x3b: {  	_ = 	snop  }
0x3c: {  	p2 =	seq.s32 s10, $0x1;
	s10 =	sld [smem:$0x3FB6]  }
0x3d: {  	_ =	shalt  }
0x3e: {  	_ =	shalt  }
0x3f: {  	_ =	shalt  }
0x40: {  	_ =	shalt  }
0x41: {  	_ =	shalt  }
0x42: {  	_ =	shalt  }
0x43: {  	_ =	shalt  }
0x44: {  	_ =	shalt  }
0x45: {  	_ =	shalt  }
0x46: {  	_ =	shalt  }
0x47: {  	_ =	shalt  }
0x48: {  	_ =	shalt  }
0x49: {  	_ =	shalt  }
0x4a: {  	_ =	shalt  }
0x4b: {  	_ =	shalt  }
0x4c: {  	_ =	shalt  }
0x4d: {  	_ =	shalt  }
0x4e: {  	_ =	shalt  }
0x4f: {  	_ =	shalt  }
0x50: {  	_ =	shalt  }
0x51: {  	_ =	shalt  }
0x52: {  	_ =	shalt  }
0x53: {  	_ =	shalt  }
0x54: {  	_ =	shalt  }
0x55: {  	_ =	shalt  }
0x56: {  	_ =	shalt  }
0x57: {  	_ =	shalt  }
0x58: {  	_ =	shalt  }
0x59: {  	_ =	shalt  }
0x5a: {  	_ =	shalt  }
0x5b: {  	_ =	shalt  }
0x5c: {  	_ =	shalt  }
0x5d: {  	_ =	shalt  }
0x5e: {  	_ =	shalt  }
0x5f: {  	_ =	shalt  }
0x60: {  	_ =	shalt  }
0x61: {  	_ =	shalt  }
0x62: {  	_ =	shalt  }
0x63: {  	_ =	shalt  }
0x64: {  	_ =	shalt  }
0x65: {  	_ =	shalt  }
0x66: {  	_ =	shalt  }
0x67: {  	_ =	shalt  }
0x68: {  	_ =	shalt  }
0x69: {  	_ =	shalt  }
0x6a: {  	_ =	shalt  }
0x6b: {  	_ =	shalt  }
0x6c: {  	_ =	shalt  }
0x6d: {  	_ =	shalt  }
0x6e: {  	_ =	shalt  }
0x6f: {  	_ =	shalt  }
0x70: {  	_ =	shalt  }
0x71: {  	_ =	shalt  }
0x72: {  	_ =	shalt  }
0x73: {  	_ =	shalt  }
0x74: {  	_ =	shalt  }
0x75: {  	_ =	shalt  }
0x76: {  	_ =	shalt  }
0x77: {  	_ =	shalt  }
0x78: {  	_ =	shalt  }
0x79: {  	_ =	shalt  }
0x7a: {  	_ =	shalt  }
0x7b: {  	_ =	shalt  }
0x7c: {  	_ =	shalt  }
0x7d: {  	_ =	shalt  }
0x7e: {  	_ =	shalt  }
0x7f: {  	_ =	shalt  }
0x80: {  	_ =	shalt  }
0x81: {  	_ =	shalt  }
0x82: {  	_ =	shalt  }
0x83: {  	_ =	shalt  }
0x84: {  	_ =	shalt  }
0x85: {  	_ =	shalt  }
0x86: {  	_ =	shalt  }
0x87: {  	_ =	shalt  }
.Lfunc_end0:
.L_simem_size_0:
called_computation_lowered:
.L_overlay_start_0:
0x88: {  	s2 =	sld [smem:$0x3FD9]  }
0x89: {  	s3 =	sld [smem:$0x3FFE];
	_ =	sdelay $0x1  }
0x8a: {  	s1 =	srdreg.scid  }
0x8b: {  	s0 =	sand.u32 $0x1, s1  }
0x8c: {  	s17 =	sshll.u32 s0, $0xA;
	s2 =	sadd.s32 s3, s2  }
0x8d: {  	s2 =	sadd.s32 s2, s17  }
0x8e: {  	[smem:$0x3FC2] =	sst s2  }
0x8f: {  	_ = 	snop  }
0x90: {  	s2 =	sld [smem:$0x3FD0];
	(tm) =	ssettm $0x1  }
0x91: {  	s18 =	sld [smem:$0x3FFB];
	_ =	sdelay $0x3  }
0x92: {  	_ =	strace s18  }
0x93: {  	s3 =	sld [smem:$0x3FFC];
	_ =	sdelay $0x3  }
0x94: {  	_ =	strace s3  }
0x95: {  	s3 =	sld [smem:$0x3FFD];
	_ =	sdelay $0x3  }
0x96: {  	_ =	strace s3  }
0x97: {  	_ =	strace $0x8FFFFFFF  }
0x98: {  	s19 =	sld [smem:$0x3FDB];
	_ =	sdelay $0x1  }
0x99: {  	s4 =	simm.s32 $_scs_section_size  }
0x9a: {  	s5 =	simm.s32 $_size__tile_overlayer_lowered;
	s6 =	simm.s32 $_tile_overlayer_lowered  }
0x9b: {  	s22 =	simm.s32 $0x1BFF;
	s21 =	sshll.u32 s6, $0x1;
	s3 =	sadd.s32 s4, s19  }
0x9c: {  	s7 =	simm.s32 $0x0;
	s20 =	sshll.u32 s5, $0x1;
	s5 =	sadd.s32 s21, s3  }
0x9d: {  	[timem:s7], [sflag:s22] =	dma.local [hbm:s5], s20  }
0x9e: {  	_ =	swait.ge [sflag:s22], s20  }
0x9f: {  	s4 =	ssub.s32 $0x0, s20;
	[sflag:s22] =	ssyncset.done $0x0  }
0xa0: {  	[sflag:s22] =	ssyncadd.s32 s4;
	_ =	sdelay $0x1  }
0xa1: {  	s23 =	simm.s32 $0x1B8B  }
0xa2: {  	_ =	swait.ge [sflag:s23], $0x1  }
0xa3: {  	[sflag:s23] =	ssyncset.done $0x0  }
0xa4: {  	s25 =	simm.s32 $0x1B8E;
	s24 =	sld [smem:$0x3FFE];
	[sflag:s23] =	ssyncadd.s32 $0xFFFFFFFF  }
0xa5: {  	s26 =	simm.s32 $execute0_lowered;
	[smem:$0x3FD2] =	sst s25  }
0xa6: {  	s5 =	sshll.u32 s26, $0x1;
	_ =	strace $0x80000046;
	[dreg:$0x1] =	wrdreg $0xFFFFFFFF  }
0xa7: {  	s28 =	simm.s32 $_size_execute0_lowered;
	s3 =	sadd.s32 s3, s5;
	[dreg:$0x0] =	wrdreg $0x0  }
0xa8: {  	s5 =	sshll.u32 s28, $0x1;
	[dreg:$0x2] =	wrdreg s3  }
0xa9: {  	[dreg:$0x3] =	wrdreg s5  }
0xaa: {  	[dreg:$0x4] =	wrdreg $0xC0  }
0xab: {  	_ =	task [dreg:s7], $0x5FFFF  }
0xac: {  	[dreg:$0x1] =	wrdreg $0xFFFFFFFF  }
0xad: {  	[dreg:$0x0] =	wrdreg $0x60  }
0xae: {  	[dreg:$0x2] =	wrdreg s2  }
0xaf: {  	[dreg:$0x3] =	wrdreg s24  }
0xb0: {  	[dreg:$0x4] =	wrdreg $0x0  }
0xb1: {  	[dreg:$0x5] =	wrdreg $0x9  }
0xb2: {  	_ =	task.clear_ibuf [dreg:s7], $0x6FFFF;
	_ =	strace $0x90000046  }
0xb3: {  	s29 =	simm.s32 $0x9;
	_ =	strace $0x80000048  }
0xb4: {  	_ =	swait.ge [sflag:s29], $0x1  }
0xb5: {  	[sflag:s29] =	ssyncadd.s32 $0xFFFFFFFF  }
0xb6: {  	_ =	strace $0x90000048  }
0xb7: {  	_ =	sfence  }
0xb8: {  	s30 =	sld [smem:$0x0];
	_ =	sdelay $0x2  }
0xb9: {  	s31 =	sshll.u32 s1, $0xD;
	s1 =	sshrl.u32 s1, $0x2  }
0xba: {  	s3 =	sand.u32 $0x4000, s31;
	s1 =	sadd.s32 s1, s30  }
0xbb: {  	s0 =	sor.u32 s3, s0;
	s1 =	sshll.u32 s1, $0x11  }
0xbc: {  	s0 =	sor.u32 s1, s0  }
0xbd: {  	s0 =	sadd.s32 $0x8F2B, s0  }
0xbe: {  	[sflag:s0] =	ssyncadd.remote.s32 $0x1  }
0xbf: {  	_ =	sfence.sel $0xFFFF  }
0xc0: {  	[dreg:$0x0] =	wrdreg $0xFFFFFFFF;
	(pc) =	sbr.abs _section_cstart, $3  }
0xc1: {  	[dreg:$0x1] =	wrdreg $0xFFFFFFFF  }
0xc2: {  	_ =	task.clear_ibuf [dreg:s7], $0x2FFFF;
	_ =	strace $0x9FFFFFFF  }
0xc3: {  	(tm) =	ssettm $0x7FFFFFFF  }
tec
execute0_lowered:
.L_overlay_start_1:
0x0: {  	(tag) =	ssettag $0x1  }
0x1: {  	s0 =	rddreg [dreg:$0x0]  }
0x2: {  	s1 =	srdreg.scid;
	s2 =	rddreg [dreg:$0x1]  }
0x3: {  	s9 =	stileid.u32;
	s4 =	rddreg [dreg:$0x2]  }
0x4: {  	s6 =	simm.s32 $0x0;
	s1 =	sand.u32 $0x1, s1;
	s5 =	smul.u32 $0x14000, s9  }
0x5: {  	[smem:$0x7FF] =	sst s6;
	s7 =	sshll.u32 s9, $0x1;
	s3 =	smul.u32 $0x140000, s1  }
0x6: {  	s10 =	smul.u32 $0x5000, s9;
	s26 =	ssub.s32 $0x2, s1;
	s1 =	sor.u32 s1, s7  }
0x7: {  	_ =	strace $0x80000047;
	s1 =	smul.u32 $0x500, s1;
	s3 =	sadd.s32 s5, s3  }
0x8: {  	s8 =	sshrl.u32 s26, $0x1;
	s7 =	sshrl.u32 s10, $0x2;
	s3 =	sshrl.u32 s3, $0x3  }
0x9: {  	s6 =	ssub.s32 s26, s8;
	s0 =	sadd.s32 s0, s1;
	s2 =	sadd.s32 s3, s2  }
0xa: {  	s3 =	sadd.s32 s7, s4;
	[dreg:$0x4] =	wrdreg s0;
	s7 =	smax.u32 s6, $0x1  }
0xb: {  	s14 =	sadd.s32 $0x80, s3;
	[dreg:$0x16] =	wrdreg s7  }
0xc: {  	s15 =	sadd.s32 $0x100, s3;
	[dreg:$0x6] =	wrdreg s14  }
0xd: {  	s16 =	sadd.s32 $0x180, s3;
	[dreg:$0x7] =	wrdreg s15  }
0xe: {  	s17 =	sadd.s32 $0x200, s3;
	[dreg:$0x8] =	wrdreg s16  }
0xf: {  	s18 =	sadd.s32 $0x280, s3;
	[dreg:$0x9] =	wrdreg s17  }
0x10: {  	s19 =	sadd.s32 $0x300, s3;
	[dreg:$0xa] =	wrdreg s18  }
0x11: {  	s20 =	sadd.s32 $0x380, s3;
	[dreg:$0xb] =	wrdreg s19  }
0x12: {  	s21 =	sadd.s32 $0x14000, s3;
	[dreg:$0xc] =	wrdreg s20  }
0x13: {  	s22 =	sadd.s32 $0x14080, s3;
	[dreg:$0xd] =	wrdreg s21  }
0x14: {  	s23 =	sadd.s32 $0x14100, s3;
	[dreg:$0xe] =	wrdreg s22  }
0x15: {  	s25 =	sshrl.u32 s9, $0x3;
	s24 =	sadd.s32 $0x14180, s3;
	[dreg:$0xf] =	wrdreg s23  }
0x16: {  	s5 =	smul.u32 $0x50000, s25;
	s25 =	sadd.s32 $0x14200, s3;
	[dreg:$0x10] =	wrdreg s24  }
0x17: {  	s26 =	sadd.s32 $0x14280, s3;
	[dreg:$0x11] =	wrdreg s25  }
0x18: {  	s5 =	sshrl.u32 s5, $0x2;
	s1 =	sadd.s32 $0x14300, s3;
	[dreg:$0x12] =	wrdreg s26  }
0x19: {  	s5 =	sadd.s32 s5, s4;
	s4 =	sadd.s32 $0x14380, s3;
	[dreg:$0x13] =	wrdreg s1  }
0x1a: {  	s8 =	sadd.s32 $0x400, s3;
	[dreg:$0x14] =	wrdreg s4  }
0x1b: {  	s11 =	sshll.u32 s9, $0x7;
	s9 =	sadd.s32 $0x800, s3;
	[dreg:$0x17] =	wrdreg s8  }
0x1c: {  	s10 =	sadd.s32 $0xC00, s3;
	[dreg:$0x18] =	wrdreg s9  }
0x1d: {  	s12 =	sand.u32 $0x380, s11;
	s11 =	sadd.s32 $0x1000, s3;
	[dreg:$0x19] =	wrdreg s10  }
0x1e: {  	s6 =	sadd.s32 $0x1280, s3;
	[dreg:$0x1a] =	wrdreg s11  }
0x1f: {  	s7 =	sadd.s32 $0x700, s3;
	[smem:$0x7E9] =	sst s6  }
0x20: {  	s13 =	sadd.s32 s12, s5;
	[smem:$0x7EA] =	sst s7  }
0x21: {  	s5 =	sadd.s32 $0xC000, s2;
	[dreg:$0x5] =	wrdreg s13  }
0x22: {  	s12 =	sadd.s32 $0x480, s3;
	[dreg:$0x15] =	wrdreg s5  }
0x23: {  	s14 =	sadd.s32 $0xC80, s3;
	[dreg:$0x1b] =	wrdreg s12  }
0x24: {  	s15 =	sadd.s32 $0x1080, s3;
	[dreg:$0x1d] =	wrdreg s14  }
0x25: {  	s16 =	sadd.s32 $0x500, s3;
	[dreg:$0x1e] =	wrdreg s15  }
0x26: {  	s17 =	sadd.s32 $0x900, s3;
	[dreg:$0x1f] =	wrdreg s16  }
0x27: {  	s18 =	sadd.s32 $0xD00, s3;
	[smem:$0x7DB] =	sst s17  }
0x28: {  	s19 =	sadd.s32 $0x1100, s3;
	[smem:$0x7DC] =	sst s18  }
0x29: {  	s20 =	sadd.s32 $0x580, s3;
	[smem:$0x7DD] =	sst s19  }
0x2a: {  	s21 =	sadd.s32 $0x980, s3;
	[smem:$0x7DE] =	sst s20  }
0x2b: {  	s22 =	sadd.s32 $0xD80, s3;
	[smem:$0x7DF] =	sst s21  }
0x2c: {  	s23 =	sadd.s32 $0x1180, s3;
	[smem:$0x7E0] =	sst s22  }
0x2d: {  	s24 =	sadd.s32 $0x600, s3;
	[smem:$0x7E1] =	sst s23  }
0x2e: {  	s25 =	sadd.s32 $0xA00, s3;
	[smem:$0x7E2] =	sst s24  }
0x2f: {  	s26 =	sadd.s32 $0xE00, s3;
	[smem:$0x7E3] =	sst s25  }
0x30: {  	s1 =	sadd.s32 $0x1200, s3;
	[smem:$0x7E4] =	sst s26  }
0x31: {  	s2 =	sadd.s32 $0x680, s3;
	[smem:$0x7E5] =	sst s1  }
0x32: {  	s4 =	sadd.s32 $0xA80, s3;
	[smem:$0x7E6] =	sst s2  }
0x33: {  	s8 =	sadd.s32 $0xB00, s3;
	[smem:$0x7E7] =	sst s4  }
0x34: {  	s9 =	sadd.s32 $0xF00, s3;
	[smem:$0x7EB] =	sst s8  }
0x35: {  	s10 =	sadd.s32 $0x1300, s3;
	[smem:$0x7EC] =	sst s9  }
0x36: {  	s11 =	sadd.s32 $0x780, s3;
	[smem:$0x7ED] =	sst s10  }
0x37: {  	s13 =	sadd.s32 $0x880, s3;
	[smem:$0x7EE] =	sst s11  }
0x38: {  	s5 =	sadd.s32 $0xE80, s3;
	[dreg:$0x1c] =	wrdreg s13  }
0x39: {  	s12 =	sadd.s32 $0xB80, s3;
	[smem:$0x7E8] =	sst s5  }
0x3a: {  	s14 =	sadd.s32 $0x1380, s3;
	[smem:$0x7EF] =	sst s12  }
0x3b: {  	s15 =	sadd.s32 $0x14400, s3;
	[smem:$0x7F1] =	sst s14  }
0x3c: {  	s16 =	sadd.s32 $0x14800, s3;
	[smem:$0x7F2] =	sst s15  }
0x3d: {  	s17 =	sadd.s32 $0x14C00, s3;
	[smem:$0x7F3] =	sst s16  }
0x3e: {  	s28 =	simm.s32 $0x1;
	s18 =	sadd.s32 $0x15000, s3;
	[smem:$0x7F4] =	sst s17  }
0x3f: {  	s29 =	simm.s32 $0x2800;
	s19 =	sadd.s32 $0x14480, s3;
	[smem:$0x7F5] =	sst s18  }
0x40: {  	s30 =	simm.s32 $0xA000;
	s20 =	sadd.s32 $0x14880, s3;
	[smem:$0x7F6] =	sst s19  }
0x41: {  	s31 =	simm.s32 $0x0;
	s21 =	sadd.s32 $0x14C80, s3;
	[smem:$0x7F7] =	sst s20  }
0x42: {  	s7 =	sadd.s32 $0x14580, s3;
	s22 =	sadd.s32 $0x15080, s3;
	[smem:$0x7F8] =	sst s21  }
0x43: {  	s23 =	sadd.s32 $0x14500, s3;
	s24 =	sadd.s32 $0x14900, s3;
	[smem:$0x7F9] =	sst s22  }
0x44: {  	s25 =	sadd.s32 $0x14D00, s3;
	s26 =	sadd.s32 $0x15100, s3;
	[smem:$0x7FA] =	sst s23  }
0x45: {  	s8 =	sadd.s32 $0x14980, s3;
	s9 =	sadd.s32 $0x14D80, s3;
	[smem:$0x7FB] =	sst s24  }
0x46: {  	s10 =	sadd.s32 $0x15180, s3;
	s11 =	sadd.s32 $0x14600, s3;
	[smem:$0x7FC] =	sst s25  }
0x47: {  	s13 =	sadd.s32 $0xF80, s3;
	[smem:$0x7FD] =	sst s26;
	s12 =	sadd.s32 $0x14A00, s3  }
0x48: {  	s14 =	sadd.s32 $0x15200, s3;
	s15 =	sadd.s32 $0x14680, s3;
	s16 =	sadd.s32 $0x14A80, s3  }
0x49: {  	s17 =	sadd.s32 $0x14E80, s3;
	s18 =	sadd.s32 $0x15280, s3;
	s19 =	sadd.s32 $0x14700, s3  }
0x4a: {  	s20 =	sadd.s32 $0x14B00, s3;
	s21 =	sadd.s32 $0x14F00, s3;
	s22 =	sadd.s32 $0x15300, s3  }
0x4b: {  	s23 =	sadd.s32 $0x14780, s3;
	s24 =	sadd.s32 $0x14B80, s3;
	s25 =	sadd.s32 $0x14F80, s3  }
0x4c: {  	v0 =	vimm.f32 $0.0e+00;
	v1 =	vimm.f32 $1.000000000e+00;
	s26 =	sadd.s32 $0x15380, s3;
	[smem:$0x7F0] =	sst s13;
	s13 =	sadd.s32 $0x14E00, s3  }
.LBB2_1:
0x4d: {  	s0 =	simm.s32 $0x40;
	s1 =	simm.s32 $0x0  }
.LBB2_2:
0x4e: {  	p0 =	sne.s32 s0, $0x9FC0;
	[tilespmem:s1+$0x2800] =	vst v0;
	s1 =	smov.u32 s0;
	s0 =	sadd.s32 $0x40, s0  }
.Ltmp0:
0x4f: {  	(pc) =	sbr.rel @p0 .LBB2_2-.Ltmp0, $2  }
0x50: {  	_ =	sdelay $0x2  }
0x51: {  	s1 =	sshra.s32 s1, $0x2  }
0x52: {  	[tilespmem:s1+$0x2800] =	vst v0;
	s0 =	simm.s32 $0x0;
	s6 =	rddreg [dreg:$0x4];
	s2 =	simm.s32 $0x5000  }
0x53: {  	[tilespmem:s2], [sflag:$0x1] =	stream.linear.gather [hbm4b:s6+s0], $0x2800, $0x38;
	[tilespmem:$0x1E280] =	vst v63  }
0x54: {  	_ =	swait.ge [sflag:s28], $0x2800  }
0x55: {  	[sflag:s28] =	ssyncset.done $0x0  }
0x56: {  	[sflag:s28] =	ssyncadd.s32 $0xFFFFD800  }
.LBB2_4:
0x57: {  	s1 =	sshra.s32 s0, $0x2  }
0x58: {  	v2 =	vld [tilespmem:s1+$0x5000];
	_ =	sdelay $0x7  }
0x59: {  	[tilespmem:v2+s29+$0x0] =	vst.idx.add.f32.msk $0xffff, v1  }
0x5a: {  	v2 =	vld [tilespmem:s1+$0x5010];
	_ =	sdelay $0x7  }
0x5b: {  	[tilespmem:v2+s29+$0x0] =	vst.idx.add.f32.msk $0xffff, v1  }
0x5c: {  	v2 =	vld [tilespmem:s1+$0x5020];
	_ =	sdelay $0x7  }
0x5d: {  	[tilespmem:v2+s29+$0x0] =	vst.idx.add.f32.msk $0xffff, v1  }
0x5e: {  	v2 =	vld [tilespmem:s1+$0x5030];
	_ =	sdelay $0x7  }
0x5f: {  	[tilespmem:v2+s29+$0x0] =	vst.idx.add.f32.msk $0xffff, v1  }
0x60: {  	v2 =	vld [tilespmem:s1+$0x5040];
	_ =	sdelay $0x7  }
0x61: {  	[tilespmem:v2+s29+$0x0] =	vst.idx.add.f32.msk $0xffff, v1  }
0x62: {  	v2 =	vld [tilespmem:s1+$0x5050];
	_ =	sdelay $0x7  }
0x63: {  	[tilespmem:v2+s29+$0x0] =	vst.idx.add.f32.msk $0xffff, v1  }
0x64: {  	v2 =	vld [tilespmem:s1+$0x5060];
	_ =	sdelay $0x7  }
0x65: {  	[tilespmem:v2+s29+$0x0] =	vst.idx.add.f32.msk $0xffff, v1  }
0x66: {  	v2 =	vld [tilespmem:s1+$0x5070];
	_ =	sdelay $0x2  }
0x67: {  	p0 =	sne.s32 s0, $0x9E00  }
.Ltmp1:
0x68: {  	_ = 	snop;
	(pc) =	sbr.rel @p0 .LBB2_4-.Ltmp1, $2  }
0x69: {  	_ =	sdelay $0x2  }
0x6a: {  	s0 =	sadd.s32 $0x200, s0;
	[tilespmem:v2+s29+$0x0] =	vst.idx.add.f32.msk $0xffff, v1  }
0x6b: {  	s0 =	rddreg [dreg:$0x5];
	s1 =	simm.s32 $0x80;
	s2 =	simm.s32 $0x400  }
0x6c: {  	[spmem:s0] =	stream.strided.scatter [tilespmem:s29], [sflag:$0x1], $0x2800, s2, s1, $0x38;
	[tilespmem:$0x1E280] =	vst v63  }
0x6d: {  	_ =	swait.ge [sflag:s28], $0x2800  }
0x6e: {  	[sflag:s28] =	ssyncset.done $0x0  }
0x6f: {  	[sflag:s28] =	ssyncadd.s32 $0xFFFFD800  }
0x70: {  	s1 =	simm.s32 $0x7800;
	[bflag:$0x0] =	sbarrier.arrive $0xFFFF  }
0x71: {  	[tilespmem:s1], [sflag:$0x1] =	stream.linear.gather [spmem:s3], $0x80, $0x38;
	[tilespmem:$0x1E280] =	vst v63  }
0x72: {  	s4 =	simm.s32 $0x7C00;
	s2 =	rddreg [dreg:$0x17]  }
0x73: {  	[tilespmem:s4], [sflag:$0x1] =	stream.linear.gather [spmem:s2], $0x80, $0x38;
	[tilespmem:$0x1E280] =	vst v63  }
0x74: {  	s6 =	simm.s32 $0x8000;
	s5 =	rddreg [dreg:$0x18]  }
0x75: {  	[tilespmem:s6], [sflag:$0x1] =	stream.linear.gather [spmem:s5], $0x80, $0x38;
	[tilespmem:$0x1E280] =	vst v63  }
0x76: {  	s2 =	rddreg [dreg:$0x19];
	s4 =	simm.s32 $0x8400  }
0x77: {  	[tilespmem:s4], [sflag:$0x1] =	stream.linear.gather [spmem:s2], $0x80, $0x38;
	[tilespmem:$0x1E280] =	vst v63  }
0x78: {  	s5 =	rddreg [dreg:$0x1a];
	s6 =	simm.s32 $0x8800  }
0x79: {  	[tilespmem:s6], [sflag:$0x1] =	stream.linear.gather [spmem:s5], $0x80, $0x38;
	[tilespmem:$0x1E280] =	vst v63  }
0x7a: {  	_ =	swait.ge [sflag:s28], $0x280  }
0x7b: {  	[sflag:s28] =	ssyncset.done $0x0  }
0x7c: {  	s4 =	simm.s32 $0x7880;
	s2 =	rddreg [dreg:$0x6];
	[sflag:s28] =	ssyncadd.s32 $0xFFFFFD80  }
0x7d: {  	[tilespmem:s4], [sflag:$0x1] =	stream.linear.gather [spmem:s2], $0x80, $0x38;
	[tilespmem:$0x1E280] =	vst v63  }
0x7e: {  	s6 =	simm.s32 $0x7C80;
	s5 =	rddreg [dreg:$0x1b]  }
0x7f: {  	[tilespmem:s6], [sflag:$0x1] =	stream.linear.gather [spmem:s5], $0x80, $0x38;
	[tilespmem:$0x1E280] =	vst v63  }
0x80: {  	s2 =	rddreg [dreg:$0x1c];
	s4 =	simm.s32 $0x8080  }
0x81: {  	[tilespmem:s4], [sflag:$0x1] =	stream.linear.gather [spmem:s2], $0x80, $0x38;
	[tilespmem:$0x1E280] =	vst v63  }
0x82: {  	s5 =	rddreg [dreg:$0x1d];
	s6 =	simm.s32 $0x8480  }
0x83: {  	[tilespmem:s6], [sflag:$0x1] =	stream.linear.gather [spmem:s5], $0x80, $0x38;
	[tilespmem:$0x1E280] =	vst v63  }
0x84: {  	s2 =	rddreg [dreg:$0x1e];
	s4 =	simm.s32 $0x8880  }
0x85: {  	[tilespmem:s4], [sflag:$0x1] =	stream.linear.gather [spmem:s2], $0x80, $0x38;
	[tilespmem:$0x1E280] =	vst v63  }
0x86: {  	_ =	swait.ge [sflag:s28], $0x280  }
0x87: {  	[sflag:s28] =	ssyncset.done $0x0;
	s5 =	rddreg [dreg:$0x7]  }
0x88: {  	s6 =	simm.s32 $0x7900;
	s2 =	rddreg [dreg:$0x1f];
	[sflag:s28] =	ssyncadd.s32 $0xFFFFFD80  }
0x89: {  	[tilespmem:s6], [sflag:$0x1] =	stream.linear.gather [spmem:s5], $0x80, $0x38;
	[tilespmem:$0x1E280] =	vst v63  }
0x8a: {  	s4 =	simm.s32 $0x7D00;
	s5 =	sld [smem:$0x7DB]  }
0x8b: {  	[tilespmem:s4], [sflag:$0x1] =	stream.linear.gather [spmem:s2], $0x80, $0x38;
	[tilespmem:$0x1E280] =	vst v63  }
0x8c: {  	s6 =	simm.s32 $0x8100;
	s2 =	sld [smem:$0x7DC]  }
0x8d: {  	[tilespmem:s6], [sflag:$0x1] =	stream.linear.gather [spmem:s5], $0x80, $0x38;
	[tilespmem:$0x1E280] =	vst v63  }
0x8e: {  	s4 =	simm.s32 $0x8500;
	s5 =	sld [smem:$0x7DD]  }
0x8f: {  	[tilespmem:s4], [sflag:$0x1] =	stream.linear.gather [spmem:s2], $0x80, $0x38;
	[tilespmem:$0x1E280] =	vst v63  }
0x90: {  	s6 =	simm.s32 $0x8900  }
0x91: {  	[tilespmem:s6], [sflag:$0x1] =	stream.linear.gather [spmem:s5], $0x80, $0x38;
	[tilespmem:$0x1E280] =	vst v63  }
0x92: {  	_ =	swait.ge [sflag:s28], $0x280  }
0x93: {  	[sflag:s28] =	ssyncset.done $0x0;
	s2 =	rddreg [dreg:$0x8]  }
0x94: {  	s4 =	simm.s32 $0x7980;
	s5 =	sld [smem:$0x7DE];
	[sflag:s28] =	ssyncadd.s32 $0xFFFFFD80  }
0x95: {  	[tilespmem:s4], [sflag:$0x1] =	stream.linear.gather [spmem:s2], $0x80, $0x38;
	[tilespmem:$0x1E280] =	vst v63  }
0x96: {  	s6 =	simm.s32 $0x7D80;
	s2 =	sld [smem:$0x7DF]  }
0x97: {  	[tilespmem:s6], [sflag:$0x1] =	stream.linear.gather [spmem:s5], $0x80, $0x38;
	[tilespmem:$0x1E280] =	vst v63  }
0x98: {  	s4 =	simm.s32 $0x8180;
	s5 =	sld [smem:$0x7E0]  }
0x99: {  	[tilespmem:s4], [sflag:$0x1] =	stream.linear.gather [spmem:s2], $0x80, $0x38;
	[tilespmem:$0x1E280] =	vst v63  }
0x9a: {  	s6 =	simm.s32 $0x8580;
	s2 =	sld [smem:$0x7E1]  }
0x9b: {  	[tilespmem:s6], [sflag:$0x1] =	stream.linear.gather [spmem:s5], $0x80, $0x38;
	[tilespmem:$0x1E280] =	vst v63  }
0x9c: {  	s4 =	simm.s32 $0x8980  }
0x9d: {  	[tilespmem:s4], [sflag:$0x1] =	stream.linear.gather [spmem:s2], $0x80, $0x38;
	[tilespmem:$0x1E280] =	vst v63  }
0x9e: {  	_ =	swait.ge [sflag:s28], $0x280  }
0x9f: {  	[sflag:s28] =	ssyncset.done $0x0;
	s5 =	rddreg [dreg:$0x9]  }
0xa0: {  	s6 =	simm.s32 $0x7A00;
	s2 =	sld [smem:$0x7E2];
	[sflag:s28] =	ssyncadd.s32 $0xFFFFFD80  }
0xa1: {  	[tilespmem:s6], [sflag:$0x1] =	stream.linear.gather [spmem:s5], $0x80, $0x38;
	[tilespmem:$0x1E280] =	vst v63  }
0xa2: {  	s4 =	simm.s32 $0x7E00;
	s5 =	sld [smem:$0x7E3]  }
0xa3: {  	[tilespmem:s4], [sflag:$0x1] =	stream.linear.gather [spmem:s2], $0x80, $0x38;
	[tilespmem:$0x1E280] =	vst v63  }
0xa4: {  	s6 =	simm.s32 $0x8200;
	s2 =	sld [smem:$0x7E4]  }
0xa5: {  	[tilespmem:s6], [sflag:$0x1] =	stream.linear.gather [spmem:s5], $0x80, $0x38;
	[tilespmem:$0x1E280] =	vst v63  }
0xa6: {  	s4 =	simm.s32 $0x8600;
	s5 =	sld [smem:$0x7E5]  }
0xa7: {  	[tilespmem:s4], [sflag:$0x1] =	stream.linear.gather [spmem:s2], $0x80, $0x38;
	[tilespmem:$0x1E280] =	vst v63  }
0xa8: {  	s6 =	simm.s32 $0x8A00  }
0xa9: {  	[tilespmem:s6], [sflag:$0x1] =	stream.linear.gather [spmem:s5], $0x80, $0x38;
	[tilespmem:$0x1E280] =	vst v63  }
0xaa: {  	_ =	swait.ge [sflag:s28], $0x280  }
0xab: {  	[sflag:s28] =	ssyncset.done $0x0;
	s2 =	rddreg [dreg:$0xa]  }
0xac: {  	s4 =	simm.s32 $0x7A80;
	s5 =	sld [smem:$0x7E6];
	[sflag:s28] =	ssyncadd.s32 $0xFFFFFD80  }
0xad: {  	[tilespmem:s4], [sflag:$0x1] =	stream.linear.gather [spmem:s2], $0x80, $0x38;
	[tilespmem:$0x1E280] =	vst v63  }
0xae: {  	s6 =	simm.s32 $0x7E80;
	s2 =	sld [smem:$0x7E7]  }
0xaf: {  	[tilespmem:s6], [sflag:$0x1] =	stream.linear.gather [spmem:s5], $0x80, $0x38;
	[tilespmem:$0x1E280] =	vst v63  }
0xb0: {  	s4 =	simm.s32 $0x8280;
	s5 =	sld [smem:$0x7E8]  }
0xb1: {  	[tilespmem:s4], [sflag:$0x1] =	stream.linear.gather [spmem:s2], $0x80, $0x38;
	[tilespmem:$0x1E280] =	vst v63  }
0xb2: {  	s6 =	simm.s32 $0x8680;
	s2 =	sld [smem:$0x7E9]  }
0xb3: {  	[tilespmem:s6], [sflag:$0x1] =	stream.linear.gather [spmem:s5], $0x80, $0x38;
	[tilespmem:$0x1E280] =	vst v63  }
0xb4: {  	s4 =	simm.s32 $0x8A80  }
0xb5: {  	[tilespmem:s4], [sflag:$0x1] =	stream.linear.gather [spmem:s2], $0x80, $0x38;
	[tilespmem:$0x1E280] =	vst v63  }
0xb6: {  	_ =	swait.ge [sflag:s28], $0x280  }
0xb7: {  	[sflag:s28] =	ssyncset.done $0x0;
	s5 =	rddreg [dreg:$0xb]  }
0xb8: {  	s6 =	simm.s32 $0x7B00;
	s2 =	sld [smem:$0x7EA];
	[sflag:s28] =	ssyncadd.s32 $0xFFFFFD80  }
0xb9: {  	[tilespmem:s6], [sflag:$0x1] =	stream.linear.gather [spmem:s5], $0x80, $0x38;
	[tilespmem:$0x1E280] =	vst v63  }
0xba: {  	s4 =	simm.s32 $0x7F00;
	s5 =	sld [smem:$0x7EB]  }
0xbb: {  	[tilespmem:s4], [sflag:$0x1] =	stream.linear.gather [spmem:s2], $0x80, $0x38;
	[tilespmem:$0x1E280] =	vst v63  }
0xbc: {  	s6 =	simm.s32 $0x8300;
	s2 =	sld [smem:$0x7EC]  }
0xbd: {  	[tilespmem:s6], [sflag:$0x1] =	stream.linear.gather [spmem:s5], $0x80, $0x38;
	[tilespmem:$0x1E280] =	vst v63  }
0xbe: {  	s4 =	simm.s32 $0x8700;
	s5 =	sld [smem:$0x7ED]  }
0xbf: {  	[tilespmem:s4], [sflag:$0x1] =	stream.linear.gather [spmem:s2], $0x80, $0x38;
	[tilespmem:$0x1E280] =	vst v63  }
0xc0: {  	s6 =	simm.s32 $0x8B00  }
0xc1: {  	[tilespmem:s6], [sflag:$0x1] =	stream.linear.gather [spmem:s5], $0x80, $0x38;
	[tilespmem:$0x1E280] =	vst v63  }
0xc2: {  	_ =	swait.ge [sflag:s28], $0x280  }
0xc3: {  	[sflag:s28] =	ssyncset.done $0x0;
	s2 =	rddreg [dreg:$0xc]  }
0xc4: {  	s4 =	simm.s32 $0x7B80;
	s5 =	sld [smem:$0x7EE];
	[sflag:s28] =	ssyncadd.s32 $0xFFFFFD80  }
0xc5: {  	[tilespmem:s4], [sflag:$0x1] =	stream.linear.gather [spmem:s2], $0x80, $0x38;
	[tilespmem:$0x1E280] =	vst v63  }
0xc6: {  	s6 =	simm.s32 $0x7F80;
	s2 =	sld [smem:$0x7EF]  }
0xc7: {  	[tilespmem:s6], [sflag:$0x1] =	stream.linear.gather [spmem:s5], $0x80, $0x38;
	[tilespmem:$0x1E280] =	vst v63  }
0xc8: {  	s4 =	simm.s32 $0x8380;
	s5 =	sld [smem:$0x7F0]  }
0xc9: {  	[tilespmem:s4], [sflag:$0x1] =	stream.linear.gather [spmem:s2], $0x80, $0x38;
	[tilespmem:$0x1E280] =	vst v63  }
0xca: {  	s6 =	simm.s32 $0x8780;
	s2 =	sld [smem:$0x7F1]  }
0xcb: {  	[tilespmem:s6], [sflag:$0x1] =	stream.linear.gather [spmem:s5], $0x80, $0x38;
	[tilespmem:$0x1E280] =	vst v63  }
0xcc: {  	s4 =	simm.s32 $0x8B80  }
0xcd: {  	[tilespmem:s4], [sflag:$0x1] =	stream.linear.gather [spmem:s2], $0x80, $0x38;
	[tilespmem:$0x1E280] =	vst v63  }
0xce: {  	_ =	swait.ge [sflag:s28], $0x280  }
0xcf: {  	[sflag:s28] =	ssyncset.done $0x0;
	s5 =	rddreg [dreg:$0xd]  }
0xd0: {  	s6 =	simm.s32 $0x8C00;
	s2 =	sld [smem:$0x7F2];
	[sflag:s28] =	ssyncadd.s32 $0xFFFFFD80  }
0xd1: {  	[tilespmem:s6], [sflag:$0x1] =	stream.linear.gather [spmem:s5], $0x80, $0x38;
	[tilespmem:$0x1E280] =	vst v63  }
0xd2: {  	s4 =	simm.s32 $0x9000;
	s5 =	sld [smem:$0x7F3]  }
0xd3: {  	[tilespmem:s4], [sflag:$0x1] =	stream.linear.gather [spmem:s2], $0x80, $0x38;
	[tilespmem:$0x1E280] =	vst v63  }
0xd4: {  	s6 =	simm.s32 $0x9400;
	s2 =	sld [smem:$0x7F4]  }
0xd5: {  	[tilespmem:s6], [sflag:$0x1] =	stream.linear.gather [spmem:s5], $0x80, $0x38;
	[tilespmem:$0x1E280] =	vst v63  }
0xd6: {  	s4 =	simm.s32 $0x9800;
	s5 =	sld [smem:$0x7F5]  }
0xd7: {  	[tilespmem:s4], [sflag:$0x1] =	stream.linear.gather [spmem:s2], $0x80, $0x38;
	[tilespmem:$0x1E280] =	vst v63  }
0xd8: {  	s6 =	simm.s32 $0x9C00  }
0xd9: {  	[tilespmem:s6], [sflag:$0x1] =	stream.linear.gather [spmem:s5], $0x80, $0x38;
	[tilespmem:$0x1E280] =	vst v63  }
0xda: {  	_ =	swait.ge [sflag:s28], $0x280  }
0xdb: {  	[sflag:s28] =	ssyncset.done $0x0;
	s2 =	rddreg [dreg:$0xe]  }
0xdc: {  	s4 =	simm.s32 $0x8C80;
	s5 =	sld [smem:$0x7F6];
	[sflag:s28] =	ssyncadd.s32 $0xFFFFFD80  }
0xdd: {  	[tilespmem:s4], [sflag:$0x1] =	stream.linear.gather [spmem:s2], $0x80, $0x38;
	[tilespmem:$0x1E280] =	vst v63  }
0xde: {  	s6 =	simm.s32 $0x9080;
	s2 =	sld [smem:$0x7F7]  }
0xdf: {  	[tilespmem:s6], [sflag:$0x1] =	stream.linear.gather [spmem:s5], $0x80, $0x38;
	[tilespmem:$0x1E280] =	vst v63  }
0xe0: {  	s4 =	simm.s32 $0x9480;
	s5 =	sld [smem:$0x7F8]  }
0xe1: {  	[tilespmem:s4], [sflag:$0x1] =	stream.linear.gather [spmem:s2], $0x80, $0x38;
	[tilespmem:$0x1E280] =	vst v63  }
0xe2: {  	s6 =	simm.s32 $0x9880;
	s2 =	sld [smem:$0x7F9]  }
0xe3: {  	[tilespmem:s6], [sflag:$0x1] =	stream.linear.gather [spmem:s5], $0x80, $0x38;
	[tilespmem:$0x1E280] =	vst v63  }
0xe4: {  	s4 =	simm.s32 $0x9C80  }
0xe5: {  	[tilespmem:s4], [sflag:$0x1] =	stream.linear.gather [spmem:s2], $0x80, $0x38;
	[tilespmem:$0x1E280] =	vst v63  }
0xe6: {  	_ =	swait.ge [sflag:s28], $0x280  }
0xe7: {  	[sflag:s28] =	ssyncset.done $0x0;
	s5 =	rddreg [dreg:$0xf]  }
0xe8: {  	s6 =	simm.s32 $0x8D00;
	s2 =	sld [smem:$0x7FA];
	[sflag:s28] =	ssyncadd.s32 $0xFFFFFD80  }
0xe9: {  	[tilespmem:s6], [sflag:$0x1] =	stream.linear.gather [spmem:s5], $0x80, $0x38;
	[tilespmem:$0x1E280] =	vst v63  }
0xea: {  	s4 =	simm.s32 $0x9100;
	s5 =	sld [smem:$0x7FB]  }
0xeb: {  	[tilespmem:s4], [sflag:$0x1] =	stream.linear.gather [spmem:s2], $0x80, $0x38;
	[tilespmem:$0x1E280] =	vst v63  }
0xec: {  	s6 =	simm.s32 $0x9500;
	s2 =	sld [smem:$0x7FC]  }
0xed: {  	[tilespmem:s6], [sflag:$0x1] =	stream.linear.gather [spmem:s5], $0x80, $0x38;
	[tilespmem:$0x1E280] =	vst v63  }
0xee: {  	s4 =	simm.s32 $0x9900;
	s5 =	sld [smem:$0x7FD]  }
0xef: {  	[tilespmem:s4], [sflag:$0x1] =	stream.linear.gather [spmem:s2], $0x80, $0x38;
	[tilespmem:$0x1E280] =	vst v63  }
0xf0: {  	s6 =	simm.s32 $0x9D00  }
0xf1: {  	[tilespmem:s6], [sflag:$0x1] =	stream.linear.gather [spmem:s5], $0x80, $0x38;
	[tilespmem:$0x1E280] =	vst v63  }
0xf2: {  	_ =	swait.ge [sflag:s28], $0x280  }
0xf3: {  	[sflag:s28] =	ssyncset.done $0x0  }
0xf4: {  	s4 =	simm.s32 $0x8D80;
	s2 =	rddreg [dreg:$0x10];
	[sflag:s28] =	ssyncadd.s32 $0xFFFFFD80  }
0xf5: {  	[tilespmem:s4], [sflag:$0x1] =	stream.linear.gather [spmem:s2], $0x80, $0x38;
	[tilespmem:$0x1E280] =	vst v63  }
0xf6: {  	s5 =	simm.s32 $0x9180  }
0xf7: {  	[tilespmem:s5], [sflag:$0x1] =	stream.linear.gather [spmem:s7], $0x80, $0x38;
	[tilespmem:$0x1E280] =	vst v63  }
0xf8: {  	s6 =	simm.s32 $0x9580  }
0xf9: {  	[tilespmem:s6], [sflag:$0x1] =	stream.linear.gather [spmem:s8], $0x80, $0x38;
	[tilespmem:$0x1E280] =	vst v63  }
0xfa: {  	s1 =	simm.s32 $0x9980  }
0xfb: {  	[tilespmem:s1], [sflag:$0x1] =	stream.linear.gather [spmem:s9], $0x80, $0x38;
	[tilespmem:$0x1E280] =	vst v63  }
0xfc: {  	s2 =	simm.s32 $0x9D80  }
0xfd: {  	[tilespmem:s2], [sflag:$0x1] =	stream.linear.gather [spmem:s10], $0x80, $0x38;
	[tilespmem:$0x1E280] =	vst v63  }
0xfe: {  	_ =	swait.ge [sflag:s28], $0x280  }
0xff: {  	[sflag:s28] =	ssyncset.done $0x0  }
0x100: {  	s5 =	simm.s32 $0x8E00;
	s4 =	rddreg [dreg:$0x11];
	[sflag:s28] =	ssyncadd.s32 $0xFFFFFD80  }
0x101: {  	[tilespmem:s5], [sflag:$0x1] =	stream.linear.gather [spmem:s4], $0x80, $0x38;
	[tilespmem:$0x1E280] =	vst v63  }
0x102: {  	s6 =	simm.s32 $0x9200  }
0x103: {  	[tilespmem:s6], [sflag:$0x1] =	stream.linear.gather [spmem:s11], $0x80, $0x38;
	[tilespmem:$0x1E280] =	vst v63  }
0x104: {  	s1 =	simm.s32 $0x9600  }
0x105: {  	[tilespmem:s1], [sflag:$0x1] =	stream.linear.gather [spmem:s12], $0x80, $0x38;
	[tilespmem:$0x1E280] =	vst v63  }
0x106: {  	s2 =	simm.s32 $0x9A00  }
0x107: {  	[tilespmem:s2], [sflag:$0x1] =	stream.linear.gather [spmem:s13], $0x80, $0x38;
	[tilespmem:$0x1E280] =	vst v63  }
0x108: {  	s4 =	simm.s32 $0x9E00  }
0x109: {  	[tilespmem:s4], [sflag:$0x1] =	stream.linear.gather [spmem:s14], $0x80, $0x38;
	[tilespmem:$0x1E280] =	vst v63  }
0x10a: {  	_ =	swait.ge [sflag:s28], $0x280  }
0x10b: {  	[sflag:s28] =	ssyncset.done $0x0  }
0x10c: {  	s6 =	simm.s32 $0x8E80;
	s5 =	rddreg [dreg:$0x12];
	[sflag:s28] =	ssyncadd.s32 $0xFFFFFD80  }
0x10d: {  	[tilespmem:s6], [sflag:$0x1] =	stream.linear.gather [spmem:s5], $0x80, $0x38;
	[tilespmem:$0x1E280] =	vst v63  }
0x10e: {  	s2 =	simm.s32 $0x9280  }
0x10f: {  	[tilespmem:s2], [sflag:$0x1] =	stream.linear.gather [spmem:s15], $0x80, $0x38;
	[tilespmem:$0x1E280] =	vst v63  }
0x110: {  	s4 =	simm.s32 $0x9680  }
0x111: {  	[tilespmem:s4], [sflag:$0x1] =	stream.linear.gather [spmem:s16], $0x80, $0x38;
	[tilespmem:$0x1E280] =	vst v63  }
0x112: {  	s5 =	simm.s32 $0x9A80  }
0x113: {  	[tilespmem:s5], [sflag:$0x1] =	stream.linear.gather [spmem:s17], $0x80, $0x38;
	[tilespmem:$0x1E280] =	vst v63  }
0x114: {  	s6 =	simm.s32 $0x9E80  }
0x115: {  	[tilespmem:s6], [sflag:$0x1] =	stream.linear.gather [spmem:s18], $0x80, $0x38;
	[tilespmem:$0x1E280] =	vst v63  }
0x116: {  	_ =	swait.ge [sflag:s28], $0x280  }
0x117: {  	[sflag:s28] =	ssyncset.done $0x0  }
0x118: {  	s2 =	simm.s32 $0x8F00;
	s1 =	rddreg [dreg:$0x13];
	[sflag:s28] =	ssyncadd.s32 $0xFFFFFD80  }
0x119: {  	[tilespmem:s2], [sflag:$0x1] =	stream.linear.gather [spmem:s1], $0x80, $0x38;
	[tilespmem:$0x1E280] =	vst v63  }
0x11a: {  	s4 =	simm.s32 $0x9300  }
0x11b: {  	[tilespmem:s4], [sflag:$0x1] =	stream.linear.gather [spmem:s19], $0x80, $0x38;
	[tilespmem:$0x1E280] =	vst v63  }
0x11c: {  	s5 =	simm.s32 $0x9700  }
0x11d: {  	[tilespmem:s5], [sflag:$0x1] =	stream.linear.gather [spmem:s20], $0x80, $0x38;
	[tilespmem:$0x1E280] =	vst v63  }
0x11e: {  	s6 =	simm.s32 $0x9B00  }
0x11f: {  	[tilespmem:s6], [sflag:$0x1] =	stream.linear.gather [spmem:s21], $0x80, $0x38;
	[tilespmem:$0x1E280] =	vst v63  }
0x120: {  	s1 =	simm.s32 $0x9F00  }
0x121: {  	[tilespmem:s1], [sflag:$0x1] =	stream.linear.gather [spmem:s22], $0x80, $0x38;
	[tilespmem:$0x1E280] =	vst v63  }
0x122: {  	_ =	swait.ge [sflag:s28], $0x280  }
0x123: {  	[sflag:s28] =	ssyncset.done $0x0  }
0x124: {  	s4 =	simm.s32 $0x8F80;
	s2 =	rddreg [dreg:$0x14];
	[sflag:s28] =	ssyncadd.s32 $0xFFFFFD80  }
0x125: {  	[tilespmem:s4], [sflag:$0x1] =	stream.linear.gather [spmem:s2], $0x80, $0x38;
	[tilespmem:$0x1E280] =	vst v63  }
0x126: {  	s5 =	simm.s32 $0x9380  }
0x127: {  	[tilespmem:s5], [sflag:$0x1] =	stream.linear.gather [spmem:s23], $0x80, $0x38;
	[tilespmem:$0x1E280] =	vst v63  }
0x128: {  	s6 =	simm.s32 $0x9780  }
0x129: {  	[tilespmem:s6], [sflag:$0x1] =	stream.linear.gather [spmem:s24], $0x80, $0x38;
	[tilespmem:$0x1E280] =	vst v63  }
0x12a: {  	s1 =	simm.s32 $0x9B80  }
0x12b: {  	[tilespmem:s1], [sflag:$0x1] =	stream.linear.gather [spmem:s25], $0x80, $0x38;
	[tilespmem:$0x1E280] =	vst v63  }
0x12c: {  	s2 =	simm.s32 $0x9F80  }
0x12d: {  	[tilespmem:s2], [sflag:$0x1] =	stream.linear.gather [spmem:s26], $0x80, $0x38;
	[tilespmem:$0x1E280] =	vst v63  }
0x12e: {  	s1 =	simm.s32 $0x0;
	_ =	swait.ge [sflag:s28], $0x280  }
0x12f: {  	s4 =	sand.u32 $0x70, s1;
	s5 =	sand.u32 $0x1C00, s1;
	[sflag:s28] =	ssyncset.done $0x0  }
0x130: {  	s0 =	sor.u32 s4, s5;
	[sflag:s28] =	ssyncadd.s32 $0xFFFFFD80  }
0x131: {  	v2 =	vld [tilespmem:s0+$0x7880]  }
0x132: {  	v3 =	vld [tilespmem:s0+$0x7800];
	_ =	sdelay $0x1  }
0x133: {  	v4 =	vld [tilespmem:s0+$0x7900];
	_ =	sdelay $0x1  }
0x134: {  	v5 =	vld [tilespmem:s0+$0x7980]  }
0x135: {  	v2 =	vadd.f32 v2, v3  }
0x136: {  	v3 =	vld [tilespmem:s0+$0x7A00]  }
0x137: {  	v2 =	vadd.f32 v4, v2  }
0x138: {  	v56 =	vld [tilespmem:s0+$0x7A80]  }
0x139: {  	v2 =	vadd.f32 v5, v2  }
0x13a: {  	v57 =	vld [tilespmem:s0+$0x7B00]  }
0x13b: {  	v2 =	vadd.f32 v3, v2  }
0x13c: {  	v3 =	vld [tilespmem:s0+$0x7B80]  }
0x13d: {  	v2 =	vadd.f32 v56, v2  }
0x13e: {  	v58 =	vld [tilespmem:s0+$0x8C00]  }
0x13f: {  	v2 =	vadd.f32 v57, v2  }
0x140: {  	v59 =	vld [tilespmem:s0+$0x8C80]  }
0x141: {  	v2 =	vadd.f32 v3, v2  }
0x142: {  	v3 =	vld [tilespmem:s0+$0x8D00]  }
0x143: {  	v2 =	vadd.f32 v58, v2  }
0x144: {  	v60 =	vld [tilespmem:s0+$0x8D80]  }
0x145: {  	v2 =	vadd.f32 v59, v2  }
0x146: {  	v61 =	vld [tilespmem:s0+$0x8E00]  }
0x147: {  	v2 =	vadd.f32 v3, v2  }
0x148: {  	v3 =	vld [tilespmem:s0+$0x8E80]  }
0x149: {  	v2 =	vadd.f32 v60, v2  }
0x14a: {  	v62 =	vld [tilespmem:s0+$0x8F00]  }
0x14b: {  	v2 =	vadd.f32 v61, v2  }
0x14c: {  	v63 =	vld [tilespmem:s0+$0x8F80]  }
0x14d: {  	v2 =	vadd.f32 v3, v2;
	_ =	sdelay $0x1  }
0x14e: {  	v2 =	vadd.f32 v62, v2;
	_ =	sdelay $0x1  }
0x14f: {  	s6 =	simm.s32 $0x10;
	s4 =	simm.s32 $0x80;
	v2 =	vadd.f32 v63, v2  }
0x150: {  	s2 =	sand.u32 $0x70, s6;
	s5 =	sand.u32 $0x1C00, s4;
	s0 =	simm.s32 $0xA000  }
0x151: {  	s2 =	sor.u32 s2, s5;
	s5 =	simm.s32 $0x20;
	[tilespmem:s0+$0x0] =	vst v2  }
.LBB2_6:
0x152: {  	p0 =	sne.s32 s5, $0x270;
	v2 =	vld [tilespmem:s2+$0x7880]  }
0x153: {  	v3 =	vld [tilespmem:s2+$0x7800];
	_ =	sdelay $0x1  }
0x154: {  	v4 =	vld [tilespmem:s2+$0x7900];
	_ =	sdelay $0x1  }
0x155: {  	v5 =	vld [tilespmem:s2+$0x7980]  }
0x156: {  	v2 =	vadd.f32 v2, v3  }
0x157: {  	v3 =	vld [tilespmem:s2+$0x7A00]  }
0x158: {  	v2 =	vadd.f32 v4, v2  }
0x159: {  	v4 =	vld [tilespmem:s2+$0x7A80]  }
0x15a: {  	v2 =	vadd.f32 v5, v2  }
0x15b: {  	v5 =	vld [tilespmem:s2+$0x7B00]  }
0x15c: {  	v2 =	vadd.f32 v3, v2  }
0x15d: {  	v3 =	vld [tilespmem:s2+$0x7B80]  }
0x15e: {  	v2 =	vadd.f32 v4, v2  }
0x15f: {  	v4 =	vld [tilespmem:s2+$0x8C00]  }
0x160: {  	v2 =	vadd.f32 v5, v2  }
0x161: {  	v5 =	vld [tilespmem:s2+$0x8C80]  }
0x162: {  	v2 =	vadd.f32 v3, v2  }
0x163: {  	v3 =	vld [tilespmem:s2+$0x8D00]  }
0x164: {  	v2 =	vadd.f32 v4, v2  }
0x165: {  	v4 =	vld [tilespmem:s2+$0x8D80]  }
0x166: {  	v2 =	vadd.f32 v5, v2  }
0x167: {  	v5 =	vld [tilespmem:s2+$0x8E00]  }
0x168: {  	v2 =	vadd.f32 v3, v2  }
0x169: {  	v3 =	vld [tilespmem:s2+$0x8E80]  }
0x16a: {  	v2 =	vadd.f32 v4, v2  }
0x16b: {  	v4 =	vld [tilespmem:s2+$0x8F00]  }
0x16c: {  	v2 =	vadd.f32 v5, v2  }
0x16d: {  	v5 =	vld [tilespmem:s2+$0x8F80]  }
0x16e: {  	v2 =	vadd.f32 v3, v2;
	_ =	sdelay $0x1  }
.Ltmp2:
0x16f: {  	v2 =	vadd.f32 v4, v2;
	(pc) =	sbr.rel @p0 .LBB2_6-.Ltmp2, $4  }
0x170: {  	_ = 	snop  }
0x171: {  	s4 =	sadd.s32 $0x80, s4;
	v2 =	vadd.f32 v5, v2  }
0x172: {  	s0 =	sadd.s32 $0x10, s0;
	s6 =	sand.u32 $0x1C00, s4;
	s2 =	sand.u32 $0x70, s5  }
0x173: {  	s5 =	sadd.s32 $0x10, s5;
	s2 =	sor.u32 s2, s6;
	[tilespmem:s0+$0x0] =	vst v2  }
0x174: {  	v2 =	vld [tilespmem:s2+$0x7880]  }
0x175: {  	v3 =	vld [tilespmem:s2+$0x7800];
	_ =	sdelay $0x1  }
0x176: {  	v4 =	vld [tilespmem:s2+$0x7900];
	_ =	sdelay $0x1  }
0x177: {  	v5 =	vld [tilespmem:s2+$0x7980]  }
0x178: {  	v2 =	vadd.f32 v2, v3  }
0x179: {  	v3 =	vld [tilespmem:s2+$0x7A00]  }
0x17a: {  	v2 =	vadd.f32 v4, v2  }
0x17b: {  	v4 =	vld [tilespmem:s2+$0x7A80]  }
0x17c: {  	v2 =	vadd.f32 v5, v2  }
0x17d: {  	v5 =	vld [tilespmem:s2+$0x7B00]  }
0x17e: {  	v2 =	vadd.f32 v3, v2  }
0x17f: {  	v3 =	vld [tilespmem:s2+$0x7B80]  }
0x180: {  	v2 =	vadd.f32 v4, v2  }
0x181: {  	v4 =	vld [tilespmem:s2+$0x8C00]  }
0x182: {  	v2 =	vadd.f32 v5, v2  }
0x183: {  	v5 =	vld [tilespmem:s2+$0x8C80]  }
0x184: {  	v2 =	vadd.f32 v3, v2  }
0x185: {  	v3 =	vld [tilespmem:s2+$0x8D00]  }
0x186: {  	v2 =	vadd.f32 v4, v2  }
0x187: {  	v4 =	vld [tilespmem:s2+$0x8D80]  }
0x188: {  	v2 =	vadd.f32 v5, v2  }
0x189: {  	v5 =	vld [tilespmem:s2+$0x8E00]  }
0x18a: {  	v2 =	vadd.f32 v3, v2  }
0x18b: {  	v3 =	vld [tilespmem:s2+$0x8E80]  }
0x18c: {  	v2 =	vadd.f32 v4, v2  }
0x18d: {  	v4 =	vld [tilespmem:s2+$0x8F00]  }
0x18e: {  	v2 =	vadd.f32 v5, v2  }
0x18f: {  	v5 =	vld [tilespmem:s2+$0x8F80]  }
0x190: {  	v2 =	vadd.f32 v3, v2;
	_ =	sdelay $0x1  }
0x191: {  	v3 =	vmov s1;
	v2 =	vadd.f32 v4, v2;
	_ =	sdelay $0x1  }
0x192: {  	v2 =	vadd.f32 v5, v2  }
0x193: {  	s0 =	sadd.s32 $0x10, s0  }
0x194: {  	[tilespmem:s0+$0x0] =	vst v2  }
0x195: {  	s5 =	simm.s32 $0x1;
	v2 =	vld.idx.msk [tilespmem:v3+s30+$0x0], $0xffff  }
0x196: {  	v3 =	vmov s5;
	_ =	sdelay $0x2  }
0x197: {  	s0 =	simm.s32 $0xA280  }
0x198: {  	[tilespmem:s0+$0x0] =	vst v2  }
0x199: {  	s6 =	simm.s32 $0x2;
	v2 =	vld.idx.msk [tilespmem:v3+s30+$0x0], $0xffff  }
0x19a: {  	s1 =	simm.s32 $0x3;
	v3 =	vmov s6  }
.LBB2_8:
0x19b: {  	p0 =	sne.s32 s1, $0x27F;
	_ =	sdelay $0x1  }
.Ltmp3:
0x19c: {  	s0 =	sadd.s32 $0x80, s0;
	(pc) =	sbr.rel @p0 .LBB2_8-.Ltmp3, $3  }
0x19d: {  	[tilespmem:s0+$0x0] =	vst v2  }
0x19e: {  	v2 =	vld.idx.msk [tilespmem:v3+s30+$0x0], $0xffff;
	_ =	sdelay $0x1  }
0x19f: {  	v3 =	vmov s1;
	s1 =	sadd.s32 $0x1, s1  }
0x1a0: {  	_ =	sdelay $0x1  }
0x1a1: {  	s0 =	sadd.s32 $0x80, s0  }
0x1a2: {  	[tilespmem:s0+$0x0] =	vst v2  }
0x1a3: {  	v2 =	vld.idx.msk [tilespmem:v3+s30+$0x0], $0xffff;
	_ =	sdelay $0x3  }
0x1a4: {  	s0 =	sadd.s32 $0x80, s0  }
0x1a5: {  	s5 =	simm.s32 $0x0;
	s1 =	rddreg [dreg:$0x15];
	s2 =	simm.s32 $0xA280;
	[tilespmem:s0+$0x0] =	vst v2  }
0x1a6: {  	[hbm4b:s1+s5] =	stream.linear.scatter [tilespmem:s2], [sflag:$0x1], $0x14000, $0x38;
	[tilespmem:$0x1E280] =	vst v63  }
0x1a7: {  	_ =	swait.ge [sflag:s28], $0x14000  }
0x1a8: {  	s31 =	sadd.s32 $0x1, s31;
	s6 =	rddreg [dreg:$0x16]  }
0x1a9: {  	p0 =	sne.s32 s31, s6  }
.Ltmp4:
0x1aa: {  	_ = 	snop;
	(pc) =	sbr.rel @p0 .LBB2_1-.Ltmp4, $3  }
0x1ab: {  	_ =	sdelay $0x1  }
0x1ac: {  	[sflag:s28] =	ssyncset.done $0x0  }
0x1ad: {  	[sflag:s28] =	ssyncadd.s32 $0xFFFEC000  }
0x1ae: {  	_ =	sfence.sel $0x180000  }
0x1af: {  	[bflag:$0x0] =	sbarrier.arrive $0xFFFF  }
0x1b0: {  	_ =	strace $0x90000047  }
0x1b1: {  	s0 =	stileid.u32;
	[bflag:$0x2] =	sbarrier.arrive $0xFFFF  }
0x1b2: {  	p0 =	sne.s32 s0, $0x0;
	s0 =	rddreg [dreg:$0x3]  }
0x1b3: {  	s0 =	sadd.s32 @!p0 $0x100000, s0  }
0x1b4: {  	[sflag:s0] =	ssyncadd.tile.s32 @!p0 $0x1;
	_ =	shalt  }
.Lfunc_end2:
_tile_overlayer_lowered:
.L_overlay_start_2:
0x1b5: {  	(tag) =	ssettag $0x2  }
0x1b6: {  	s0 =	rddreg [dreg:$0x0];
	s2 =	stileid.u32  }
0x1b7: {  	s1 =	rddreg [dreg:$0x1];
	p0 =	sne.s32 s2, $0x0  }
0x1b8: {  	s3 =	rddreg [dreg:$0x2];
	[bflag:$0x3] =	sbarrier.arrive $0xFFFF;
	s2 =	simm.s32 @!p0 $0x1C01  }
0x1b9: {  	[timem:s3], [sflag:s2] =	dma.local @!p0 [hbm:s0], s1  }
0x1ba: {  	s0 =	simm.s32 @!p0 $0x1  }
0x1bb: {  	_ =	swait.ge @!p0 [sflag:s0], s1  }
0x1bc: {  	s1 =	ssub.s32 @!p0 $0x0, s1;
	[sflag:s0] =	ssyncset.done @!p0 $0x0  }
0x1bd: {  	[sflag:s0] =	ssyncadd.s32 @!p0 s1  }
0x1be: {  	[bflag:$0x3] =	sbarrier.arrive $0xFFFF  }
0x1bf: {  	_ =	shalt  }

// kernel: kernel.9.cloned.1.call-start
scs
__scs_entry_jumppad:
0x0: {  	(pc) =	sbr.rel $0x88, $3  }
0x1: {  	(tag) =	ssettag $0x0;
	lr =	simm.s32 $0x1  }
0x2: {  	[smem:$0x3F9B] =	sst lr;
	_ =	strace $0xD0000000  }
0x3: {  	_ = 	snop  }
0x4: {  	_ = 	snop  }
0x5: {  	_ = 	snop  }
0x6: {  	_ = 	snop  }
0x7: {  	_ = 	snop  }
__scs_overlays_trampoline_lowered:
0x8: {  	[smem:$0x3FAA] =	sst s0  }
0x9: {  	[smem:$0x3FAB] =	sst s1  }
0xa: {  	[smem:$0x3FAC] =	sst s2  }
0xb: {  	[smem:$0x3FAD] =	sst s3  }
0xc: {  	[smem:$0x3FAE] =	sst s4  }
0xd: {  	[smem:$0x3FAF] =	sst s5  }
0xe: {  	[smem:$0x3FB0] =	sst s6  }
0xf: {  	[smem:$0x3FB1] =	sst s7  }
0x10: {  	[smem:$0x3FB2] =	sst s8  }
0x11: {  	[smem:$0x3FB3] =	sst s9;
	s0 =	simm.s32 @!p0 $0x0  }
0x12: {  	s1 =	sld [smem:$0x3F99];
	s0 =	simm.s32 @p0 $0x1  }
0x13: {  	[smem:$0x3FB4] =	sst s0;
	s0 =	simm.s32 @!p1 $0x0  }
0x14: {  	s2 =	sld [smem:$0x3F98];
	s0 =	simm.s32 @p1 $0x1  }
0x15: {  	[smem:$0x3FB5] =	sst s0;
	s0 =	simm.s32 @!p2 $0x0  }
0x16: {  	s3 =	sld [smem:$0x3FDB];
	s0 =	simm.s32 @p2 $0x1  }
0x17: {  	s4 =	simm.s32 $0x1BF5;
	[smem:$0x3FB7] =	sst s0  }
0x18: {  	s0 =	sld [smem:$0x3F9A];
	_ =	swait.ge [sflag:s4], $0x0  }
0x19: {  	s7 =	sld [smem:$0x3F9B]  }
0x1a: {  	s8 =	sadd.s32 $0xFFFFE003, lr  }
0x1b: {  	s9 =	sadd.s32 $0xFFFFFEF7, lr;
	s5 =	simm.s32 $0xFFFFFFFF;
	p2 =	slt.u32 s8, $0xFFFFF086  }
0x1c: {  	p1 =	slt.u32 s9, $0xF7A;
	s5 =	simm.s32 @!p2 $0x0  }
0x1d: {  	s5 =	simm.s32 @p1 $0x1;
	p0 =	seq.s32 s7, s2  }
0x1e: {  	s7 =	smul.u32 @!p0 $0xF7A, s2;
	p2 =	seq.s32 @!p0 s5, $0x0  }
0x1f: {  	s9 =	smul.u32 $0xF7A, s1;
	s8 =	simm.s32 @!p0 $0x1BF5;
	p2 =	por !p2, p0  }
0x20: {  	[sflag:s8] =	ssyncset.s32 @!p0 $0xFFFFF086;
	s6 =	sadd.s32 @!p0 s3, s7;
	s7 =	simm.s32 @!p0 $0x108  }
0x21: {  	s3 =	sadd.s32 s3, s9;
	s6 =	sadd.s32 @!p0 $0x88, s6;
	s7 =	simm.s32 @p2 $0x1082  }
0x22: {  	[simem:s7], [sflag:s8] =	dma.local @!p0 [hbm:s6], $0xF7A  }
0x23: {  	s9 =	sor.u32 $0xD0000000, s2;
	s6 =	simm.s32 $0x108;
	_ =	swait.ge @!p0 [sflag:s8], $0x0  }
0x24: {  	s3 =	sadd.s32 $0x88, s3;
	s6 =	simm.s32 @!p1 $0x1082;
	[sflag:s4] =	ssyncset.s32 $0xFFFFF086  }
0x25: {  	[simem:s6], [sflag:s4] =	dma.local [hbm:s3], $0xF7A  }
0x26: {  	[smem:$0x3F9B] =	sst s1;
	(tag) =	ssettag s2;
	_ =	strace s9  }
0x27: {  	s1 =	sld [smem:$0x3FAB]  }
0x28: {  	s2 =	sld [smem:$0x3FAC]  }
0x29: {  	s4 =	sld [smem:$0x3FAE]  }
0x2a: {  	p0 =	seq.s32 s5, $0x0;
	s5 =	sld [smem:$0x3FAF]  }
0x2b: {  	s6 =	sld [smem:$0x3FB0]  }
0x2c: {  	s7 =	sld [smem:$0x3FB1]  }
0x2d: {  	s3 =	simm.s32 $0x108;
	s8 =	sld [smem:$0x3FB2]  }
0x2e: {  	s3 =	simm.s32 @!p0 $0x1082;
	s9 =	sld [smem:$0x3FB3]  }
0x2f: {  	lr =	sadd.s32 s0, s3;
	s0 =	sld [smem:$0x3FAA]  }
0x30: {  	s3 =	sld [smem:$0x3FAD]  }
0x31: {  	[smem:$0x3FB6] =	sst s10  }
0x32: {  	s10 =	sld [smem:$0x3FB4];
	_ =	sdelay $0x3  }
0x33: {  	p0 =	seq.s32 s10, $0x1;
	s10 =	sld [smem:$0x3FB6];
	_ =	sdelay $0x3  }
0x34: {  	[smem:$0x3FB6] =	sst s10  }
0x35: {  	s10 =	sld [smem:$0x3FB5];
	_ =	sdelay $0x3  }
0x36: {  	p1 =	seq.s32 s10, $0x1;
	s10 =	sld [smem:$0x3FB6];
	_ =	sdelay $0x3  }
0x37: {  	[smem:$0x3FB6] =	sst s10  }
0x38: {  	s10 =	sld [smem:$0x3FB7]  }
0x39: {  	_ = 	snop;
	(pc) =	sbr.ind lr, $3  }
0x3a: {  	_ = 	snop  }
0x3b: {  	_ = 	snop  }
0x3c: {  	p2 =	seq.s32 s10, $0x1;
	s10 =	sld [smem:$0x3FB6]  }
0x3d: {  	_ =	shalt  }
0x3e: {  	_ =	shalt  }
0x3f: {  	_ =	shalt  }
0x40: {  	_ =	shalt  }
0x41: {  	_ =	shalt  }
0x42: {  	_ =	shalt  }
0x43: {  	_ =	shalt  }
0x44: {  	_ =	shalt  }
0x45: {  	_ =	shalt  }
0x46: {  	_ =	shalt  }
0x47: {  	_ =	shalt  }
0x48: {  	_ =	shalt  }
0x49: {  	_ =	shalt  }
0x4a: {  	_ =	shalt  }
0x4b: {  	_ =	shalt  }
0x4c: {  	_ =	shalt  }
0x4d: {  	_ =	shalt  }
0x4e: {  	_ =	shalt  }
0x4f: {  	_ =	shalt  }
0x50: {  	_ =	shalt  }
0x51: {  	_ =	shalt  }
0x52: {  	_ =	shalt  }
0x53: {  	_ =	shalt  }
0x54: {  	_ =	shalt  }
0x55: {  	_ =	shalt  }
0x56: {  	_ =	shalt  }
0x57: {  	_ =	shalt  }
0x58: {  	_ =	shalt  }
0x59: {  	_ =	shalt  }
0x5a: {  	_ =	shalt  }
0x5b: {  	_ =	shalt  }
0x5c: {  	_ =	shalt  }
0x5d: {  	_ =	shalt  }
0x5e: {  	_ =	shalt  }
0x5f: {  	_ =	shalt  }
0x60: {  	_ =	shalt  }
0x61: {  	_ =	shalt  }
0x62: {  	_ =	shalt  }
0x63: {  	_ =	shalt  }
0x64: {  	_ =	shalt  }
0x65: {  	_ =	shalt  }
0x66: {  	_ =	shalt  }
0x67: {  	_ =	shalt  }
0x68: {  	_ =	shalt  }
0x69: {  	_ =	shalt  }
0x6a: {  	_ =	shalt  }
0x6b: {  	_ =	shalt  }
0x6c: {  	_ =	shalt  }
0x6d: {  	_ =	shalt  }
0x6e: {  	_ =	shalt  }
0x6f: {  	_ =	shalt  }
0x70: {  	_ =	shalt  }
0x71: {  	_ =	shalt  }
0x72: {  	_ =	shalt  }
0x73: {  	_ =	shalt  }
0x74: {  	_ =	shalt  }
0x75: {  	_ =	shalt  }
0x76: {  	_ =	shalt  }
0x77: {  	_ =	shalt  }
0x78: {  	_ =	shalt  }
0x79: {  	_ =	shalt  }
0x7a: {  	_ =	shalt  }
0x7b: {  	_ =	shalt  }
0x7c: {  	_ =	shalt  }
0x7d: {  	_ =	shalt  }
0x7e: {  	_ =	shalt  }
0x7f: {  	_ =	shalt  }
0x80: {  	_ =	shalt  }
0x81: {  	_ =	shalt  }
0x82: {  	_ =	shalt  }
0x83: {  	_ =	shalt  }
0x84: {  	_ =	shalt  }
0x85: {  	_ =	shalt  }
0x86: {  	_ =	shalt  }
0x87: {  	_ =	shalt  }
.Lfunc_end0:
.L_simem_size_0:
called_computation.1_lowered:
.L_overlay_start_0:
0x88: {  	s2 =	sld [smem:$0x3FD9]  }
0x89: {  	s3 =	sld [smem:$0x3FFE];
	_ =	sdelay $0x1  }
0x8a: {  	s1 =	srdreg.scid  }
0x8b: {  	s0 =	sand.u32 $0x1, s1  }
0x8c: {  	s17 =	sshll.u32 s0, $0xA;
	s2 =	sadd.s32 s3, s2  }
0x8d: {  	s2 =	sadd.s32 s2, s17  }
0x8e: {  	[smem:$0x3FC2] =	sst s2  }
0x8f: {  	_ = 	snop  }
0x90: {  	s2 =	sld [smem:$0x3FD0];
	(tm) =	ssettm $0x1  }
0x91: {  	s18 =	sld [smem:$0x3FFB];
	_ =	sdelay $0x3  }
0x92: {  	_ =	strace s18  }
0x93: {  	s3 =	sld [smem:$0x3FFC];
	_ =	sdelay $0x3  }
0x94: {  	_ =	strace s3  }
0x95: {  	s3 =	sld [smem:$0x3FFD];
	_ =	sdelay $0x3  }
0x96: {  	_ =	strace s3  }
0x97: {  	_ =	strace $0x8FFFFFFF  }
0x98: {  	s19 =	sld [smem:$0x3FDB];
	_ =	sdelay $0x1  }
0x99: {  	s4 =	simm.s32 $_scs_section_size  }
0x9a: {  	s5 =	simm.s32 $_size__tile_overlayer_lowered;
	s6 =	simm.s32 $_tile_overlayer_lowered  }
0x9b: {  	s22 =	simm.s32 $0x1BFF;
	s21 =	sshll.u32 s6, $0x1;
	s3 =	sadd.s32 s4, s19  }
0x9c: {  	s7 =	simm.s32 $0x0;
	s20 =	sshll.u32 s5, $0x1;
	s5 =	sadd.s32 s21, s3  }
0x9d: {  	[timem:s7], [sflag:s22] =	dma.local [hbm:s5], s20  }
0x9e: {  	_ =	swait.ge [sflag:s22], s20  }
0x9f: {  	s4 =	ssub.s32 $0x0, s20;
	[sflag:s22] =	ssyncset.done $0x0  }
0xa0: {  	[sflag:s22] =	ssyncadd.s32 s4;
	_ =	sdelay $0x1  }
0xa1: {  	s23 =	simm.s32 $0x1B8B  }
0xa2: {  	_ =	swait.ge [sflag:s23], $0x1  }
0xa3: {  	[sflag:s23] =	ssyncset.done $0x0  }
0xa4: {  	s25 =	simm.s32 $0x1B8E;
	s24 =	sld [smem:$0x3FFE];
	[sflag:s23] =	ssyncadd.s32 $0xFFFFFFFF  }
0xa5: {  	s26 =	simm.s32 $execute0_lowered;
	[smem:$0x3FD2] =	sst s25  }
0xa6: {  	s5 =	sshll.u32 s26, $0x1;
	_ =	strace $0x80000049;
	[dreg:$0x1] =	wrdreg $0xFFFFFFFF  }
0xa7: {  	s28 =	simm.s32 $_size_execute0_lowered;
	s3 =	sadd.s32 s3, s5;
	[dreg:$0x0] =	wrdreg $0x0  }
0xa8: {  	s5 =	sshll.u32 s28, $0x1;
	[dreg:$0x2] =	wrdreg s3  }
0xa9: {  	[dreg:$0x3] =	wrdreg s5  }
0xaa: {  	[dreg:$0x4] =	wrdreg $0xC0  }
0xab: {  	_ =	task [dreg:s7], $0x5FFFF  }
0xac: {  	[dreg:$0x1] =	wrdreg $0xFFFFFFFF  }
0xad: {  	[dreg:$0x0] =	wrdreg $0x60  }
0xae: {  	[dreg:$0x2] =	wrdreg s24  }
0xaf: {  	[dreg:$0x3] =	wrdreg s2  }
0xb0: {  	[dreg:$0x4] =	wrdreg $0x0  }
0xb1: {  	[dreg:$0x5] =	wrdreg $0x9  }
0xb2: {  	_ =	task.clear_ibuf [dreg:s7], $0x6FFFF;
	_ =	strace $0x90000049  }
0xb3: {  	s29 =	simm.s32 $0x9;
	_ =	strace $0x8000004B  }
0xb4: {  	_ =	swait.ge [sflag:s29], $0x1  }
0xb5: {  	[sflag:s29] =	ssyncadd.s32 $0xFFFFFFFF  }
0xb6: {  	_ =	strace $0x9000004B  }
0xb7: {  	_ =	sfence  }
0xb8: {  	s30 =	sld [smem:$0x0];
	_ =	sdelay $0x2  }
0xb9: {  	s31 =	sshll.u32 s1, $0xD;
	s1 =	sshrl.u32 s1, $0x2  }
0xba: {  	s3 =	sand.u32 $0x4000, s31;
	s1 =	sadd.s32 s1, s30  }
0xbb: {  	s0 =	sor.u32 s3, s0;
	s1 =	sshll.u32 s1, $0x11  }
0xbc: {  	s0 =	sor.u32 s1, s0  }
0xbd: {  	s0 =	sadd.s32 $0x8F2B, s0  }
0xbe: {  	[sflag:s0] =	ssyncadd.remote.s32 $0x1  }
0xbf: {  	_ =	sfence.sel $0xFFFF  }
0xc0: {  	[dreg:$0x0] =	wrdreg $0xFFFFFFFF;
	(pc) =	sbr.abs _section_cstart, $3  }
0xc1: {  	[dreg:$0x1] =	wrdreg $0xFFFFFFFF  }
0xc2: {  	_ =	task.clear_ibuf [dreg:s7], $0x2FFFF;
	_ =	strace $0x9FFFFFFF  }
0xc3: {  	(tm) =	ssettm $0x7FFFFFFF  }
tec
execute0_lowered:
.L_overlay_start_1:
0x0: {  	(tag) =	ssettag $0x1  }
0x1: {  	s0 =	rddreg [dreg:$0x0]  }
0x2: {  	s3 =	rddreg [dreg:$0x1]  }
0x3: {  	s1 =	rddreg [dreg:$0x2];
	s2 =	simm.s32 $0x0  }
0x4: {  	s4 =	srdreg.scid;
	s11 =	stileid.u32;
	s28 =	simm.s32 $0x14000  }
0x5: {  	s29 =	simm.s32 $0x15400;
	s30 =	simm.s32 $0x80;
	s31 =	simm.s32 $0x14080  }
0x6: {  	[smem:$0x7FF] =	sst s2;
	s5 =	sadd.s32 $0x2000, s0;
	s6 =	sand.u32 $0x1, s4  }
0x7: {  	s4 =	sadd.s32 $0x5C000, s0;
	s8 =	sadd.s32 $0x84000, s0;
	s9 =	smul.u32 $0x50000, s11  }
0x8: {  	s0 =	sadd.s32 $0x84800, s0;
	s24 =	sshll.u32 s11, $0x1;
	s12 =	smul.u32 $0x14000, s11  }
0x9: {  	_ =	strace $0x8000004A;
	s7 =	ssub.s32 $0x2, s6;
	[dreg:$0x4] =	wrdreg s8  }
0xa: {  	s8 =	sor.u32 s6, s24;
	s10 =	smul.u32 $0x140000, s6;
	s23 =	sshrl.u32 s7, $0x1  }
0xb: {  	s9 =	sshrl.u32 s9, $0x2;
	s25 =	smul.u32 $0x500, s8;
	s19 =	sadd.s32 $0x4000, s12  }
0xc: {  	s21 =	sadd.s32 $0x8000, s12;
	s24 =	sadd.s32 $0x10000, s12;
	s7 =	ssub.s32 s7, s23  }
0xd: {  	s6 =	sadd.s32 s9, s1;
	s17 =	sadd.s32 s10, s12;
	s20 =	sadd.s32 s10, s19  }
0xe: {  	s22 =	sadd.s32 s10, s21;
	s23 =	sadd.s32 $0xC000, s12;
	s8 =	sadd.s32 s10, s24  }
0xf: {  	s7 =	smax.u32 s7, $0x1;
	s26 =	sadd.s32 $0x4000, s6;
	s9 =	sadd.s32 $0x8000, s6  }
0x10: {  	s15 =	sadd.s32 $0x10000, s6;
	s16 =	sadd.s32 s5, s25;
	[dreg:$0x5] =	wrdreg s7  }
0x11: {  	s13 =	sadd.s32 s3, s25;
	s18 =	sshrl.u32 s17, $0x3;
	[dreg:$0x6] =	wrdreg s26  }
0x12: {  	s17 =	sadd.s32 s19, s1;
	s19 =	sadd.s32 s21, s1;
	[dreg:$0x7] =	wrdreg s9  }
0x13: {  	s21 =	sadd.s32 s23, s1;
	s9 =	sadd.s32 $0xC000, s6;
	[dreg:$0x9] =	wrdreg s15  }
0x14: {  	[dreg:$0xa] =	wrdreg s16;
	s7 =	sadd.s32 $0x280, s25;
	s16 =	sadd.s32 s0, s18  }
0x15: {  	s25 =	sadd.s32 s10, s23;
	s26 =	sshrl.u32 s8, $0x3;
	s23 =	sadd.s32 s24, s1  }
0x16: {  	s8 =	simm.s32 $0x16780;
	[dreg:$0x8] =	wrdreg s9;
	s14 =	sadd.s32 s5, s7  }
0x17: {  	s15 =	sadd.s32 s3, s7;
	s3 =	sshrl.u32 s20, $0x3;
	s24 =	sadd.s32 s0, s26  }
0x18: {  	s26 =	simm.s32 $0x3;
	s5 =	simm.s32 $0x2;
	s7 =	simm.s32 $0x16700  }
0x19: {  	s9 =	simm.s32 $0x0;
	s18 =	sadd.s32 s0, s3;
	s3 =	sshrl.u32 s22, $0x3  }
0x1a: {  	s20 =	sadd.s32 s0, s3;
	s3 =	sshrl.u32 s25, $0x3;
	s25 =	simm.s32 $0x16800  }
0x1b: {  	s22 =	sadd.s32 s0, s3;
	s0 =	simm.s32 $0x1A800;
	s3 =	simm.s32 $0x1  }
.LBB2_1:
0x1c: {  	s10 =	rddreg [dreg:$0x4]  }
0x1d: {  	[tilespmem:s25], [sflag:$0x3] =	stream.linear.gather [hbm4b:s10+s2], $0x4000, $0x38;
	[tilespmem:$0x1E800] =	vst v63  }
0x1e: {  	_ =	swait.ge [sflag:s26], $0x4000  }
0x1f: {  	[sflag:s26] =	ssyncset.done $0x0  }
0x20: {  	[sflag:s26] =	ssyncadd.s32 $0xFFFFC000  }
0x21: {  	[spmem:s6] =	stream.linear.scatter [tilespmem:s25], [sflag:$0x3], $0x4000, $0x38;
	[tilespmem:$0x1E800] =	vst v63  }
0x22: {  	_ =	swait.ge [sflag:s26], $0x4000  }
0x23: {  	[sflag:s26] =	ssyncset.done $0x0  }
0x24: {  	s11 =	rddreg [dreg:$0x6];
	[sflag:s26] =	ssyncadd.s32 $0xFFFFC000  }
0x25: {  	[spmem:s11] =	stream.linear.scatter [tilespmem:s25], [sflag:$0x3], $0x4000, $0x38;
	[tilespmem:$0x1E800] =	vst v63  }
0x26: {  	_ =	swait.ge [sflag:s26], $0x4000  }
0x27: {  	[sflag:s26] =	ssyncset.done $0x0  }
0x28: {  	s12 =	rddreg [dreg:$0x7];
	[sflag:s26] =	ssyncadd.s32 $0xFFFFC000  }
0x29: {  	[spmem:s12] =	stream.linear.scatter [tilespmem:s25], [sflag:$0x3], $0x4000, $0x38;
	[tilespmem:$0x1E800] =	vst v63  }
0x2a: {  	_ =	swait.ge [sflag:s26], $0x4000  }
0x2b: {  	[sflag:s26] =	ssyncset.done $0x0  }
0x2c: {  	s11 =	rddreg [dreg:$0x8];
	[sflag:s26] =	ssyncadd.s32 $0xFFFFC000  }
0x2d: {  	[spmem:s11] =	stream.linear.scatter [tilespmem:s25], [sflag:$0x3], $0x4000, $0x38;
	[tilespmem:$0x1E800] =	vst v63  }
0x2e: {  	_ =	swait.ge [sflag:s26], $0x4000  }
0x2f: {  	[sflag:s26] =	ssyncset.done $0x0  }
0x30: {  	s12 =	rddreg [dreg:$0x9];
	[sflag:s26] =	ssyncadd.s32 $0xFFFFC000  }
0x31: {  	[spmem:s12] =	stream.linear.scatter [tilespmem:s25], [sflag:$0x3], $0x4000, $0x38;
	[tilespmem:$0x1E800] =	vst v63  }
0x32: {  	_ =	swait.ge [sflag:s26], $0x4000  }
0x33: {  	[sflag:s26] =	ssyncset.done $0x0  }
0x34: {  	[sflag:s26] =	ssyncadd.s32 $0xFFFFC000  }
0x35: {  	[bflag:$0x0] =	sbarrier.arrive $0xFFFF  }
0x36: {  	s11 =	rddreg [dreg:$0xa]  }
0x37: {  	[tilespmem:s28], [sflag:$0x3] =	stream.linear.gather [hbm4b:s11+s2], $0x1400, $0x38;
	[tilespmem:$0x1E800] =	vst v63  }
0x38: {  	_ =	swait.ge [sflag:s26], $0x1400  }
0x39: {  	[sflag:s26] =	ssyncset.done $0x0  }
0x3a: {  	[sflag:s26] =	ssyncadd.s32 $0xFFFFEC00  }
0x3b: {  	[tilespmem:s29], [sflag:$0x3] =	stream.linear.gather [hbm4b:s13+s2], $0x1400, $0x38;
	[tilespmem:$0x1E800] =	vst v63  }
0x3c: {  	_ =	swait.ge [sflag:s26], $0x1400  }
0x3d: {  	[sflag:s26] =	ssyncset.done $0x0  }
0x3e: {  	[sflag:s26] =	ssyncadd.s32 $0xFFFFEC00  }
0x3f: {  	[tilespmem:s25], [sflag:$0x1] =	stream.indirect.gather [hbm4b:s4+s30], $0x80, s28, s30, $0xb8;
	[tilespmem:$0x1E800] =	vst v63  }
0x40: {  	_ = 	snop  }
0x41: {  	[tilespmem:s0], [sflag:$0x2] =	stream.indirect.gather [hbm4b:s4+s30], $0x80, s31, s30, $0xb8;
	[tilespmem:$0x1E800] =	vst v63  }
0x42: {  	_ =	swait.ge [sflag:s3], $0x4000  }
0x43: {  	[sflag:s3] =	ssyncset.done $0x0  }
0x44: {  	s12 =	simm.s32 $0x15400;
	[sflag:s3] =	ssyncadd.s32 $0xFFFFC000  }
0x45: {  	[spmem:s1] =	stream.indirect.scatter.add.f32 [tilespmem:s25], [sflag:$0x3], $0x80, s12, s30, $0xb8;
	[tilespmem:$0x1E800] =	vst v63  }
0x46: {  	_ =	swait.ge [sflag:s26], $0x4000  }
0x47: {  	[sflag:s26] =	ssyncset.done $0x0  }
0x48: {  	s11 =	simm.s32 $0x14100;
	[sflag:s26] =	ssyncadd.s32 $0xFFFFC000  }
0x49: {  	[tilespmem:s25], [sflag:$0x1] =	stream.indirect.gather [hbm4b:s4+s30], $0x80, s11, s30, $0xb8;
	[tilespmem:$0x1E800] =	vst v63  }
0x4a: {  	_ =	swait.ge [sflag:s5], $0x4000  }
0x4b: {  	[sflag:s5] =	ssyncset.done $0x0  }
0x4c: {  	s12 =	simm.s32 $0x15480;
	[sflag:s5] =	ssyncadd.s32 $0xFFFFC000  }
0x4d: {  	[spmem:s1] =	stream.indirect.scatter.add.f32 [tilespmem:s0], [sflag:$0x3], $0x80, s12, s30, $0xb8;
	[tilespmem:$0x1E800] =	vst v63  }
0x4e: {  	_ =	swait.ge [sflag:s26], $0x4000  }
0x4f: {  	[sflag:s26] =	ssyncset.done $0x0  }
0x50: {  	s10 =	simm.s32 $0x400;
	s11 =	simm.s32 $0x14180;
	[sflag:s26] =	ssyncadd.s32 $0xFFFFC000  }
.LBB2_2:
0x51: {  	[tilespmem:s0], [sflag:$0x2] =	stream.indirect.gather [hbm4b:s4+s30], $0x80, s11, s30, $0xb8;
	[tilespmem:$0x1E800] =	vst v63  }
0x52: {  	s11 =	smov.u32 s10  }
0x53: {  	p0 =	sne.s32 s10, $0x4800;
	s10 =	sadd.s32 $0x400, s10;
	_ =	swait.ge [sflag:s3], $0x4000  }
0x54: {  	s11 =	sshra.s32 s11, $0x2;
	[sflag:s3] =	ssyncset.done $0x0  }
0x55: {  	s12 =	sadd.s32 $0x15400, s11;
	[sflag:s3] =	ssyncadd.s32 $0xFFFFC000  }
0x56: {  	[spmem:s1] =	stream.indirect.scatter.add.f32 [tilespmem:s25], [sflag:$0x3], $0x80, s12, s30, $0xb8;
	[tilespmem:$0x1E800] =	vst v63  }
0x57: {  	_ =	swait.ge [sflag:s26], $0x4000  }
0x58: {  	[sflag:s26] =	ssyncset.done $0x0  }
0x59: {  	s12 =	sadd.s32 $0x14100, s11;
	[sflag:s26] =	ssyncadd.s32 $0xFFFFC000  }
0x5a: {  	[tilespmem:s25], [sflag:$0x1] =	stream.indirect.gather [hbm4b:s4+s30], $0x80, s12, s30, $0xb8;
	[tilespmem:$0x1E800] =	vst v63  }
0x5b: {  	_ =	swait.ge [sflag:s5], $0x4000  }
0x5c: {  	[sflag:s5] =	ssyncset.done $0x0  }
.Ltmp0:
0x5d: {  	s12 =	sadd.s32 $0x15480, s11;
	[sflag:s5] =	ssyncadd.s32 $0xFFFFC000;
	(pc) =	sbr.rel @p0 .LBB2_2-.Ltmp0, $4  }
0x5e: {  	[spmem:s1] =	stream.indirect.scatter.add.f32 [tilespmem:s0], [sflag:$0x3], $0x80, s12, s30, $0xb8;
	[tilespmem:$0x1E800] =	vst v63  }
0x5f: {  	_ =	swait.ge [sflag:s26], $0x4000  }
0x60: {  	[sflag:s26] =	ssyncset.done $0x0  }
0x61: {  	s11 =	sadd.s32 $0x14180, s11;
	[sflag:s26] =	ssyncadd.s32 $0xFFFFC000  }
0x62: {  	[tilespmem:s0], [sflag:$0x2] =	stream.indirect.gather [hbm4b:s4+s30], $0x80, s11, s30, $0xb8;
	[tilespmem:$0x1E800] =	vst v63  }
0x63: {  	_ =	swait.ge [sflag:s3], $0x4000  }
0x64: {  	[sflag:s3] =	ssyncset.done $0x0  }
0x65: {  	[sflag:s3] =	ssyncadd.s32 $0xFFFFC000  }
0x66: {  	[spmem:s1] =	stream.indirect.scatter.add.f32 [tilespmem:s25], [sflag:$0x3], $0x80, s7, s30, $0xb8;
	[tilespmem:$0x1E800] =	vst v63  }
0x67: {  	_ =	swait.ge [sflag:s26], $0x4000  }
0x68: {  	[sflag:s26] =	ssyncset.done $0x0  }
0x69: {  	[sflag:s26] =	ssyncadd.s32 $0xFFFFC000  }
0x6a: {  	_ =	swait.ge [sflag:s5], $0x4000  }
0x6b: {  	[sflag:s5] =	ssyncset.done $0x0  }
0x6c: {  	[sflag:s5] =	ssyncadd.s32 $0xFFFFC000  }
0x6d: {  	[spmem:s1] =	stream.indirect.scatter.add.f32 [tilespmem:s0], [sflag:$0x3], $0x80, s8, s30, $0xb8;
	[tilespmem:$0x1E800] =	vst v63  }
0x6e: {  	_ =	swait.ge [sflag:s26], $0x4000  }
0x6f: {  	[sflag:s26] =	ssyncset.done $0x0  }
0x70: {  	s10 =	simm.s32 $0x0;
	[sflag:s26] =	ssyncadd.s32 $0xFFFFC000  }
0x71: {  	[tilespmem:s28], [sflag:$0x3] =	stream.linear.gather [hbm4b:s14+s10], $0x1400, $0x38;
	[tilespmem:$0x1E800] =	vst v63  }
0x72: {  	_ =	swait.ge [sflag:s26], $0x1400  }
0x73: {  	[sflag:s26] =	ssyncset.done $0x0  }
0x74: {  	[sflag:s26] =	ssyncadd.s32 $0xFFFFEC00  }
0x75: {  	[tilespmem:s29], [sflag:$0x3] =	stream.linear.gather [hbm4b:s15+s10], $0x1400, $0x38;
	[tilespmem:$0x1E800] =	vst v63  }
0x76: {  	_ =	swait.ge [sflag:s26], $0x1400  }
0x77: {  	[sflag:s26] =	ssyncset.done $0x0  }
0x78: {  	[sflag:s26] =	ssyncadd.s32 $0xFFFFEC00  }
0x79: {  	[tilespmem:s25], [sflag:$0x1] =	stream.indirect.gather [hbm4b:s4+s30], $0x80, s28, s30, $0xb8;
	[tilespmem:$0x1E800] =	vst v63  }
0x7a: {  	_ = 	snop  }
0x7b: {  	[tilespmem:s0], [sflag:$0x2] =	stream.indirect.gather [hbm4b:s4+s30], $0x80, s31, s30, $0xb8;
	[tilespmem:$0x1E800] =	vst v63  }
0x7c: {  	_ =	swait.ge [sflag:s3], $0x4000  }
0x7d: {  	[sflag:s3] =	ssyncset.done $0x0  }
0x7e: {  	s12 =	simm.s32 $0x15400;
	[sflag:s3] =	ssyncadd.s32 $0xFFFFC000  }
0x7f: {  	[spmem:s1] =	stream.indirect.scatter.add.f32 [tilespmem:s25], [sflag:$0x3], $0x80, s12, s30, $0xb8;
	[tilespmem:$0x1E800] =	vst v63  }
0x80: {  	_ =	swait.ge [sflag:s26], $0x4000  }
0x81: {  	[sflag:s26] =	ssyncset.done $0x0  }
0x82: {  	s11 =	simm.s32 $0x14100;
	[sflag:s26] =	ssyncadd.s32 $0xFFFFC000  }
0x83: {  	[tilespmem:s25], [sflag:$0x1] =	stream.indirect.gather [hbm4b:s4+s30], $0x80, s11, s30, $0xb8;
	[tilespmem:$0x1E800] =	vst v63  }
0x84: {  	_ =	swait.ge [sflag:s5], $0x4000  }
0x85: {  	[sflag:s5] =	ssyncset.done $0x0  }
0x86: {  	s12 =	simm.s32 $0x15480;
	[sflag:s5] =	ssyncadd.s32 $0xFFFFC000  }
0x87: {  	[spmem:s1] =	stream.indirect.scatter.add.f32 [tilespmem:s0], [sflag:$0x3], $0x80, s12, s30, $0xb8;
	[tilespmem:$0x1E800] =	vst v63  }
0x88: {  	_ =	swait.ge [sflag:s26], $0x4000  }
0x89: {  	[sflag:s26] =	ssyncset.done $0x0  }
0x8a: {  	s10 =	simm.s32 $0x400;
	s11 =	simm.s32 $0x14180;
	[sflag:s26] =	ssyncadd.s32 $0xFFFFC000  }
.LBB2_4:
0x8b: {  	[tilespmem:s0], [sflag:$0x2] =	stream.indirect.gather [hbm4b:s4+s30], $0x80, s11, s30, $0xb8;
	[tilespmem:$0x1E800] =	vst v63  }
0x8c: {  	s11 =	smov.u32 s10  }
0x8d: {  	p0 =	sne.s32 s10, $0x4800;
	s10 =	sadd.s32 $0x400, s10;
	_ =	swait.ge [sflag:s3], $0x4000  }
0x8e: {  	s11 =	sshra.s32 s11, $0x2;
	[sflag:s3] =	ssyncset.done $0x0  }
0x8f: {  	s12 =	sadd.s32 $0x15400, s11;
	[sflag:s3] =	ssyncadd.s32 $0xFFFFC000  }
0x90: {  	[spmem:s1] =	stream.indirect.scatter.add.f32 [tilespmem:s25], [sflag:$0x3], $0x80, s12, s30, $0xb8;
	[tilespmem:$0x1E800] =	vst v63  }
0x91: {  	_ =	swait.ge [sflag:s26], $0x4000  }
0x92: {  	[sflag:s26] =	ssyncset.done $0x0  }
0x93: {  	s12 =	sadd.s32 $0x14100, s11;
	[sflag:s26] =	ssyncadd.s32 $0xFFFFC000  }
0x94: {  	[tilespmem:s25], [sflag:$0x1] =	stream.indirect.gather [hbm4b:s4+s30], $0x80, s12, s30, $0xb8;
	[tilespmem:$0x1E800] =	vst v63  }
0x95: {  	_ =	swait.ge [sflag:s5], $0x4000  }
0x96: {  	[sflag:s5] =	ssyncset.done $0x0  }
.Ltmp1:
0x97: {  	s12 =	sadd.s32 $0x15480, s11;
	[sflag:s5] =	ssyncadd.s32 $0xFFFFC000;
	(pc) =	sbr.rel @p0 .LBB2_4-.Ltmp1, $4  }
0x98: {  	[spmem:s1] =	stream.indirect.scatter.add.f32 [tilespmem:s0], [sflag:$0x3], $0x80, s12, s30, $0xb8;
	[tilespmem:$0x1E800] =	vst v63  }
0x99: {  	_ =	swait.ge [sflag:s26], $0x4000  }
0x9a: {  	[sflag:s26] =	ssyncset.done $0x0  }
0x9b: {  	s11 =	sadd.s32 $0x14180, s11;
	[sflag:s26] =	ssyncadd.s32 $0xFFFFC000  }
0x9c: {  	[tilespmem:s0], [sflag:$0x2] =	stream.indirect.gather [hbm4b:s4+s30], $0x80, s11, s30, $0xb8;
	[tilespmem:$0x1E800] =	vst v63  }
0x9d: {  	_ =	swait.ge [sflag:s3], $0x4000  }
0x9e: {  	[sflag:s3] =	ssyncset.done $0x0  }
0x9f: {  	[sflag:s3] =	ssyncadd.s32 $0xFFFFC000  }
0xa0: {  	[spmem:s1] =	stream.indirect.scatter.add.f32 [tilespmem:s25], [sflag:$0x3], $0x80, s7, s30, $0xb8;
	[tilespmem:$0x1E800] =	vst v63  }
0xa1: {  	_ =	swait.ge [sflag:s26], $0x4000  }
0xa2: {  	[sflag:s26] =	ssyncset.done $0x0  }
0xa3: {  	[sflag:s26] =	ssyncadd.s32 $0xFFFFC000  }
0xa4: {  	_ =	swait.ge [sflag:s5], $0x4000  }
0xa5: {  	[sflag:s5] =	ssyncset.done $0x0  }
0xa6: {  	[sflag:s5] =	ssyncadd.s32 $0xFFFFC000  }
0xa7: {  	[spmem:s1] =	stream.indirect.scatter.add.f32 [tilespmem:s0], [sflag:$0x3], $0x80, s8, s30, $0xb8;
	[tilespmem:$0x1E800] =	vst v63  }
0xa8: {  	_ =	swait.ge [sflag:s26], $0x4000  }
0xa9: {  	[sflag:s26] =	ssyncset.done $0x0  }
0xaa: {  	[sflag:s26] =	ssyncadd.s32 $0xFFFFC000  }
0xab: {  	[bflag:$0x0] =	sbarrier.arrive $0xFFFF  }
0xac: {  	[tilespmem:s25], [sflag:$0x3] =	stream.linear.gather [spmem:s6], $0x4000, $0x38;
	[tilespmem:$0x1E800] =	vst v63  }
0xad: {  	_ =	swait.ge [sflag:s26], $0x4000  }
0xae: {  	[sflag:s26] =	ssyncset.done $0x0  }
0xaf: {  	[sflag:s26] =	ssyncadd.s32 $0xFFFFC000  }
0xb0: {  	[hbm4b:s16+s2] =	stream.linear.scatter [tilespmem:s25], [sflag:$0x3], $0x4000, $0x38;
	[tilespmem:$0x1E800] =	vst v63  }
0xb1: {  	_ =	swait.ge [sflag:s26], $0x4000  }
0xb2: {  	[sflag:s26] =	ssyncset.done $0x0  }
0xb3: {  	[sflag:s26] =	ssyncadd.s32 $0xFFFFC000  }
0xb4: {  	[tilespmem:s25], [sflag:$0x3] =	stream.linear.gather [spmem:s17], $0x4000, $0x38;
	[tilespmem:$0x1E800] =	vst v63  }
0xb5: {  	_ =	swait.ge [sflag:s26], $0x4000  }
0xb6: {  	[sflag:s26] =	ssyncset.done $0x0  }
0xb7: {  	[sflag:s26] =	ssyncadd.s32 $0xFFFFC000  }
0xb8: {  	[hbm4b:s18+s2] =	stream.linear.scatter [tilespmem:s25], [sflag:$0x3], $0x4000, $0x38;
	[tilespmem:$0x1E800] =	vst v63  }
0xb9: {  	_ =	swait.ge [sflag:s26], $0x4000  }
0xba: {  	[sflag:s26] =	ssyncset.done $0x0  }
0xbb: {  	[sflag:s26] =	ssyncadd.s32 $0xFFFFC000  }
0xbc: {  	[tilespmem:s25], [sflag:$0x3] =	stream.linear.gather [spmem:s19], $0x4000, $0x38;
	[tilespmem:$0x1E800] =	vst v63  }
0xbd: {  	_ =	swait.ge [sflag:s26], $0x4000  }
0xbe: {  	[sflag:s26] =	ssyncset.done $0x0  }
0xbf: {  	[sflag:s26] =	ssyncadd.s32 $0xFFFFC000  }
0xc0: {  	[hbm4b:s20+s2] =	stream.linear.scatter [tilespmem:s25], [sflag:$0x3], $0x4000, $0x38;
	[tilespmem:$0x1E800] =	vst v63  }
0xc1: {  	_ =	swait.ge [sflag:s26], $0x4000  }
0xc2: {  	[sflag:s26] =	ssyncset.done $0x0  }
0xc3: {  	[sflag:s26] =	ssyncadd.s32 $0xFFFFC000  }
0xc4: {  	[tilespmem:s25], [sflag:$0x3] =	stream.linear.gather [spmem:s21], $0x4000, $0x38;
	[tilespmem:$0x1E800] =	vst v63  }
0xc5: {  	_ =	swait.ge [sflag:s26], $0x4000  }
0xc6: {  	[sflag:s26] =	ssyncset.done $0x0  }
0xc7: {  	[sflag:s26] =	ssyncadd.s32 $0xFFFFC000  }
0xc8: {  	[hbm4b:s22+s2] =	stream.linear.scatter [tilespmem:s25], [sflag:$0x3], $0x4000, $0x38;
	[tilespmem:$0x1E800] =	vst v63  }
0xc9: {  	_ =	swait.ge [sflag:s26], $0x4000  }
0xca: {  	[sflag:s26] =	ssyncset.done $0x0  }
0xcb: {  	[sflag:s26] =	ssyncadd.s32 $0xFFFFC000  }
0xcc: {  	[tilespmem:s25], [sflag:$0x3] =	stream.linear.gather [spmem:s23], $0x4000, $0x38;
	[tilespmem:$0x1E800] =	vst v63  }
0xcd: {  	_ =	swait.ge [sflag:s26], $0x4000  }
0xce: {  	[sflag:s26] =	ssyncset.done $0x0  }
0xcf: {  	[sflag:s26] =	ssyncadd.s32 $0xFFFFC000  }
0xd0: {  	[hbm4b:s24+s2] =	stream.linear.scatter [tilespmem:s25], [sflag:$0x3], $0x4000, $0x38;
	[tilespmem:$0x1E800] =	vst v63  }
0xd1: {  	_ =	swait.ge [sflag:s26], $0x4000  }
0xd2: {  	s9 =	sadd.s32 $0x1, s9;
	s10 =	rddreg [dreg:$0x5]  }
0xd3: {  	p0 =	sne.s32 s9, s10  }
.Ltmp2:
0xd4: {  	_ = 	snop;
	(pc) =	sbr.rel @p0 .LBB2_1-.Ltmp2, $3  }
0xd5: {  	_ =	sdelay $0x1  }
0xd6: {  	[sflag:s26] =	ssyncset.done $0x0  }
0xd7: {  	[sflag:s26] =	ssyncadd.s32 $0xFFFFC000  }
0xd8: {  	_ =	sfence.sel $0x180000  }
0xd9: {  	[bflag:$0x0] =	sbarrier.arrive $0xFFFF  }
0xda: {  	_ =	strace $0x9000004A  }
0xdb: {  	s0 =	stileid.u32;
	[bflag:$0x2] =	sbarrier.arrive $0xFFFF  }
0xdc: {  	p0 =	sne.s32 s0, $0x0;
	s0 =	rddreg [dreg:$0x3]  }
0xdd: {  	s0 =	sadd.s32 @!p0 $0x100000, s0  }
0xde: {  	[sflag:s0] =	ssyncadd.tile.s32 @!p0 $0x1;
	_ =	shalt  }
.Lfunc_end2:
_tile_overlayer_lowered:
.L_overlay_start_2:
0xdf: {  	(tag) =	ssettag $0x2  }
0xe0: {  	s0 =	rddreg [dreg:$0x0];
	s2 =	stileid.u32  }
0xe1: {  	s1 =	rddreg [dreg:$0x1];
	p0 =	sne.s32 s2, $0x0  }
0xe2: {  	s3 =	rddreg [dreg:$0x2];
	[bflag:$0x3] =	sbarrier.arrive $0xFFFF;
	s2 =	simm.s32 @!p0 $0x1C03  }
0xe3: {  	[timem:s3], [sflag:s2] =	dma.local @!p0 [hbm:s0], s1  }
0xe4: {  	s0 =	simm.s32 @!p0 $0x3  }
0xe5: {  	_ =	swait.ge @!p0 [sflag:s0], s1  }
0xe6: {  	s1 =	ssub.s32 @!p0 $0x0, s1;
	[sflag:s0] =	ssyncset.done @!p0 $0x0  }
0xe7: {  	[sflag:s0] =	ssyncadd.s32 @!p0 s1  }
0xe8: {  	[bflag:$0x3] =	sbarrier.arrive $0xFFFF  }
0xe9: {  	_ =	shalt  }

</sc_bundles>
